<compile_context>
chip_gen: v7x
topology: tpu7x:2x2x1
jax: 0.10.2.dev20260603
libtpu: 0.0.44.dev20260713+nightly
codegen_flags: <defaults>
</compile_context>

<pallas_src>
import jax
import jax.numpy as jnp
from jax import lax
from jax.experimental import pallas as pl
from jax.experimental.pallas import tpu as pltpu
from jax.experimental.pallas import tpu_sc as plsc

B, MAX_LEN, L, EMB, RNN, ATT, HID, VOCAB = 32, 50, 32, 64, 128, 128, 256, 625
S = B * MAX_LEN
SIDE_ROWS = S * L
D2 = 2 * RNN

_NC, _NS = 2, 16
_NW = _NC * _NS
_ROWS_PER_TILE = SIDE_ROWS // _NW
_CHUNK = 80
_NCHUNKS = _ROWS_PER_TILE // _CHUNK

R = 400
NCH = S // R


def _sc_gather_body(table_hbm, idx_hbm, out_hbm, idx_v,
                    rows0, rows1, gs0, gs1, ws0, ws1):
    wid = lax.axis_index("s") * _NC + lax.axis_index("c")
    pltpu.sync_copy(idx_hbm.at[wid], idx_v)
    base = wid * _ROWS_PER_TILE
    rows = [rows0, rows1]
    gs = [gs0, gs1]
    ws = [ws0, ws1]
    gcopy = [None, None]
    wcopy = [None, None]
    gcopy[0] = pltpu.async_copy(table_hbm.at[idx_v.at[0]], rows0, gs0)
    for j in range(_NCHUNKS):
        cur = j % 2
        nxt = 1 - cur
        if j + 1 < _NCHUNKS:
            if wcopy[nxt] is not None:
                wcopy[nxt].wait()
            gcopy[nxt] = pltpu.async_copy(
                table_hbm.at[idx_v.at[j + 1]], rows[nxt], gs[nxt])
        gcopy[cur].wait()
        wcopy[cur] = pltpu.async_copy(
            rows[cur], out_hbm.at[pl.ds(base + j * _CHUNK, _CHUNK)], ws[cur])
    wcopy[0].wait()
    wcopy[1].wait()


def _sc_gather(table, idx3d):
    mesh = plsc.VectorSubcoreMesh(core_axis_name="c", subcore_axis_name="s")
    fn = pl.kernel(
        _sc_gather_body,
        out_type=jax.ShapeDtypeStruct((SIDE_ROWS, EMB), jnp.float32),
        mesh=mesh,
        scratch_types=[
            pltpu.VMEM((_NCHUNKS, _CHUNK), jnp.int32),
            pltpu.VMEM((_CHUNK, EMB), jnp.float32),
            pltpu.VMEM((_CHUNK, EMB), jnp.float32),
            pltpu.SemaphoreType.DMA,
            pltpu.SemaphoreType.DMA,
            pltpu.SemaphoreType.DMA,
            pltpu.SemaphoreType.DMA,
        ],
        compiler_params=pltpu.CompilerParams(use_tc_tiling_on_sc=False),
    )
    return fn(table, idx3d)


def _k1_body(g_ref, kf_ref, kb_ref, rkf_ref, rkb_ref, bi_ref,
             sw_ref, sbw_ref, sv_ref, out_ref, ra_ref):
    kf = kf_ref[...]
    kb = kb_ref[...]
    rkf = rkf_ref[...]
    rkb = rkb_ref[...]
    bif = bi_ref[0:1, :]
    brf = bi_ref[1:2, :]
    bib = bi_ref[2:3, :]
    brb = bi_ref[3:4, :]

    def step(i, carry):
        hf, hb = carry
        tb = L - 1 - i
        xf = g_ref[i]
        xb = g_ref[tb]
        zxf = jnp.dot(xf, kf, preferred_element_type=jnp.float32) + bif
        zhf = jnp.dot(hf, rkf, preferred_element_type=jnp.float32) + brf
        zxb = jnp.dot(xb, kb, preferred_element_type=jnp.float32) + bib
        zhb = jnp.dot(hb, rkb, preferred_element_type=jnp.float32) + brb
        zf = jax.nn.sigmoid(zxf[:, :RNN] + zhf[:, :RNN])
        rf = jax.nn.sigmoid(zxf[:, RNN:2 * RNN] + zhf[:, RNN:2 * RNN])
        cf = jnp.tanh(zxf[:, 2 * RNN:] + rf * zhf[:, 2 * RNN:])
        hf = cf + zf * (hf - cf)
        zb = jax.nn.sigmoid(zxb[:, :RNN] + zhb[:, :RNN])
        rb = jax.nn.sigmoid(zxb[:, RNN:2 * RNN] + zhb[:, RNN:2 * RNN])
        cb = jnp.tanh(zxb[:, 2 * RNN:] + rb * zhb[:, 2 * RNN:])
        hb = cb + zb * (hb - cb)
        ra_ref[i, :, :RNN] = hf
        ra_ref[tb, :, RNN:] = hb
        return hf, hb

    h0 = jnp.zeros((R, RNN), jnp.float32)
    lax.fori_loop(0, L, step, (h0, h0))

    ra = ra_ref[...]
    u = jnp.tanh(
        jnp.dot(ra.reshape(L * R, D2), sw_ref[...],
                preferred_element_type=jnp.float32) + sbw_ref[...])
    sc = jnp.sum(u.reshape(L, R, ATT) * sv_ref[...], axis=2)
    sc = sc - jnp.max(sc, axis=0, keepdims=True)
    e = jnp.exp(sc)
    w = e / jnp.sum(e, axis=0, keepdims=True)
    out_ref[...] = jnp.sum(w[:, :, None] * ra, axis=0)


def _k2_body(va_ref, vd_ref, la_ref, ld_ref,
             waw_ref, wabw_ref, wav_ref, wdw_ref, wdbw_ref, wdv_ref,
             fdw_ref, fdb_ref, prw_ref, prb_ref, out_ref,
             ma_ref, md_ref, ad_ref, da_ref):
    iota = lax.broadcasted_iota(jnp.int32, (B, MAX_LEN), 1)
    ma_ref[...] = (iota < la_ref[...]).astype(jnp.float32)
    md_ref[...] = (iota < ld_ref[...]).astype(jnp.float32)

    def batch_step(b, carry):
        va_b = va_ref[b]
        vd_b = vd_ref[b]
        ma = ma_ref[b]
        md = md_ref[b]
        s1 = lax.dot_general(vd_b, va_b, (((1,), (1,)), ((), ())),
                             preferred_element_type=jnp.float32)
        s1 = s1 + (1.0 - ma) * (-1e9)
        e1 = jnp.exp(s1 - jnp.max(s1, axis=1, keepdims=True))
        w1 = e1 / jnp.sum(e1, axis=1, keepdims=True)
        ad_ref[b] = jnp.dot(w1, va_b, preferred_element_type=jnp.float32)
        s2 = lax.dot_general(va_b, vd_b, (((1,), (1,)), ((), ())),
                             preferred_element_type=jnp.float32)
        s2 = s2 + (1.0 - md) * (-1e9)
        e2 = jnp.exp(s2 - jnp.max(s2, axis=1, keepdims=True))
        w2 = e2 / jnp.sum(e2, axis=1, keepdims=True)
        da_ref[b] = jnp.dot(w2, vd_b, preferred_element_type=jnp.float32)
        return carry

    lax.fori_loop(0, B, batch_step, 0)

    vabyd = ad_ref[...] * md_ref[...][:, :, None]
    vdbya = da_ref[...] * ma_ref[...][:, :, None]

    def final_att(vals, w_ref, bw_ref, v_ref):
        u = jnp.tanh(
            jnp.dot(vals.reshape(B * MAX_LEN, D2), w_ref[...],
                    preferred_element_type=jnp.float32) + bw_ref[...])
        sc = jnp.sum(u.reshape(B, MAX_LEN, ATT) * v_ref[...], axis=2)
        sc = sc - jnp.max(sc, axis=1, keepdims=True)
        e = jnp.exp(sc)
        w = e / jnp.sum(e, axis=1, keepdims=True)
        return jnp.sum(w[:, :, None] * vals, axis=1)

    ca = final_att(vabyd, waw_ref, wabw_ref, wav_ref)
    cd = final_att(vdbya, wdw_ref, wdbw_ref, wdv_ref)
    feat = jnp.concatenate([ca, cd], axis=1)
    h = jnp.dot(feat, fdw_ref[...], preferred_element_type=jnp.float32) \
        + fdb_ref[...]
    h = jnp.where(h > 0, h, jnp.exp(h) - 1.0)
    o = jnp.sum(h * prw_ref[...], axis=1, keepdims=True) + prb_ref[...]
    out_ref[...] = jax.nn.sigmoid(o)


def _k1_call(G, Kf, Kb, RKf, RKb, BI, sW, sbW, sV, interpret=False):
    full = lambda c: (0, 0)
    return pl.pallas_call(
        _k1_body,
        grid=(NCH,),
        in_specs=[
            pl.BlockSpec((L, R, EMB), lambda c: (0, c, 0)),
            pl.BlockSpec((EMB, 3 * RNN), full),
            pl.BlockSpec((EMB, 3 * RNN), full),
            pl.BlockSpec((RNN, 3 * RNN), full),
            pl.BlockSpec((RNN, 3 * RNN), full),
            pl.BlockSpec((4, 3 * RNN), full),
            pl.BlockSpec((D2, ATT), full),
            pl.BlockSpec((1, ATT), full),
            pl.BlockSpec((1, ATT), full),
        ],
        out_specs=pl.BlockSpec((R, D2), lambda c: (c, 0)),
        out_shape=jax.ShapeDtypeStruct((S, D2), jnp.float32),
        scratch_shapes=[pltpu.VMEM((L, R, D2), jnp.float32)],
        compiler_params=pltpu.CompilerParams(
            dimension_semantics=("parallel",),
            vmem_limit_bytes=100 * 1024 * 1024),
        interpret=interpret,
    )(G, Kf, Kb, RKf, RKb, BI, sW, sbW, sV)


def _k2_call(va, vd, la, ld, waW, wabW, waV, wdW, wdbW, wdV,
             fdW, fdb, prW, prb, interpret=False):
    return pl.pallas_call(
        _k2_body,
        out_shape=jax.ShapeDtypeStruct((B, 1), jnp.float32),
        scratch_shapes=[
            pltpu.VMEM((B, MAX_LEN), jnp.float32),
            pltpu.VMEM((B, MAX_LEN), jnp.float32),
            pltpu.VMEM((B, MAX_LEN, D2), jnp.float32),
            pltpu.VMEM((B, MAX_LEN, D2), jnp.float32),
        ],
        interpret=interpret,
    )(va, vd, la, ld, waW, wabW, waV, wdW, wdbW, wdV, fdW, fdb, prW, prb)


def kernel(xa, xd, xlen_a, xlen_d, emb_table,
           gru_af_k, gru_af_rk, gru_af_b, gru_ab_k, gru_ab_rk, gru_ab_b,
           gru_df_k, gru_df_rk, gru_df_b, gru_db_k, gru_db_rk, gru_db_b,
           satt_a_W, satt_a_bW, satt_a_V, satt_a_bV,
           satt_d_W, satt_d_bW, satt_d_V, satt_d_bV,
           fatt_a_W, fatt_a_bW, fatt_a_V, fatt_a_bV,
           fatt_d_W, fatt_d_bW, fatt_d_V, fatt_d_bV,
           fd_W, fd_b, pr_W, pr_b):
    table = emb_table.astype(jnp.float32)
    idx_a = jnp.transpose(xa.reshape(S, L)).astype(jnp.int32).reshape(
        _NW, _NCHUNKS, _CHUNK)
    idx_d = jnp.transpose(xd.reshape(S, L)).astype(jnp.int32).reshape(
        _NW, _NCHUNKS, _CHUNK)

    Ga = _sc_gather(table, idx_a).reshape(L, S, EMB)
    Gd = _sc_gather(table, idx_d).reshape(L, S, EMB)

    BIa = jnp.stack([gru_af_b[0], gru_af_b[1], gru_ab_b[0], gru_ab_b[1]])
    BId = jnp.stack([gru_df_b[0], gru_df_b[1], gru_db_b[0], gru_db_b[1]])

    va = _k1_call(Ga, gru_af_k, gru_ab_k, gru_af_rk, gru_ab_rk, BIa,
                  satt_a_W, satt_a_bW.reshape(1, ATT),
                  satt_a_V.reshape(1, ATT)).reshape(B, MAX_LEN, D2)
    vd = _k1_call(Gd, gru_df_k, gru_db_k, gru_df_rk, gru_db_rk, BId,
                  satt_d_W, satt_d_bW.reshape(1, ATT),
                  satt_d_V.reshape(1, ATT)).reshape(B, MAX_LEN, D2)

    out = _k2_call(
        va, vd,
        xlen_a.astype(jnp.int32).reshape(B, 1),
        xlen_d.astype(jnp.int32).reshape(B, 1),
        fatt_a_W, fatt_a_bW.reshape(1, ATT), fatt_a_V.reshape(1, ATT),
        fatt_d_W, fatt_d_bW.reshape(1, ATT), fatt_d_V.reshape(1, ATT),
        fd_W, fd_b.reshape(1, HID), pr_W.reshape(1, HID),
        pr_b.reshape(1, 1))
    return out

# --- scband reference (transcript-rebuilt; emitter-appended) ---
"""Pipeline reference for scband-jedi-72756745994297 (READ-ONLY COPY).

The authoritative reference and input builder live on the scoring server;
editing this copy changes nothing except your own understanding.
"""

import jax, jax.numpy as jnp
import numpy as np

B, MAX_LEN, L, EMB, RNN, ATT, HID, VOCAB = 32, 50, 32, 64, 128, 128, 256, 625


def _gru(x, k, rk, b, reverse=False):
    # Keras GRU (reset_after=True), gate order z, r, h; bias shape (2, 3*units)
    bi, br = b[0], b[1]
    units = rk.shape[0]

    def step(h, xt):
        zx = xt @ k + bi
        zh = h @ rk + br
        xz, xr, xh = jnp.split(zx, 3, axis=-1)
        hz, hr, hcand = jnp.split(zh, 3, axis=-1)
        z = jax.nn.sigmoid(xz + hz)
        r = jax.nn.sigmoid(xr + hr)
        cand = jnp.tanh(xh + r * hcand)
        hn = z * h + (1.0 - z) * cand
        return hn, hn

    xs = jnp.swapaxes(x, 0, 1)
    if reverse:
        xs = xs[::-1]
    h0 = jnp.zeros((x.shape[0], units), dtype=x.dtype)
    _, ys = jax.lax.scan(step, h0, xs)
    if reverse:
        ys = ys[::-1]  # Bidirectional re-aligns backward outputs in time
    return jnp.swapaxes(ys, 0, 1)


def _bahdanau(values, W, bW, V, bV):
    score = jnp.tanh(values @ W + bW) @ V + bV
    w = jax.nn.softmax(score, axis=1)
    return jnp.sum(w * values, axis=1)


def _cross_att(q, v, qmask, vmask):
    # keras.layers.Attention (dot score, no scale); value mask -> -1e9, query mask zeros output
    scores = jnp.einsum('btd,bsd->bts', q, v)
    scores = scores + (1.0 - vmask[:, None, :]) * -1e9
    w = jax.nn.softmax(scores, axis=-1)
    out = jnp.einsum('bts,bsd->btd', w, v)
    return out * qmask[:, :, None]


def setup_inputs(seed: int = 0):
    key = jax.random.key(seed)
    ks = jax.random.split(key, 40)

    def gp(i, shape):
        return jax.random.normal(ks[i], shape, dtype=jnp.float32) * 0.05

    inp = {}
    inp['xa'] = jax.random.randint(ks[0], (B, MAX_LEN, L), 0, VOCAB)
    inp['xd'] = jax.random.randint(ks[1], (B, MAX_LEN, L), 0, VOCAB)
    inp['xlen_a'] = jax.random.randint(ks[2], (B,), 0, MAX_LEN)
    inp['xlen_d'] = jax.random.randint(ks[3], (B,), 0, MAX_LEN)
    inp['emb_table'] = gp(4, (VOCAB, EMB))
    for i, n in enumerate(['af', 'ab', 'df', 'db']):
        inp['gru_' + n + '_k'] = gp(5 + 3 * i, (EMB, 3 * RNN))
        inp['gru_' + n + '_rk'] = gp(6 + 3 * i, (RNN, 3 * RNN))
        inp['gru_' + n + '_b'] = gp(7 + 3 * i, (2, 3 * RNN))
    D = 2 * RNN
    for j, n in enumerate(['satt_a', 'satt_d', 'fatt_a', 'fatt_d']):
        inp[n + '_W'] = gp(17 + 4 * j, (D, ATT))
        inp[n + '_bW'] = jnp.zeros((ATT,), dtype=jnp.float32)
        inp[n + '_V'] = gp(18 + 4 * j, (ATT, 1))
        inp[n + '_bV'] = jnp.zeros((1,), dtype=jnp.float32)
    inp['fd_W'] = gp(33, (2 * D, HID))
    inp['fd_b'] = jnp.zeros((HID,), dtype=jnp.float32)
    inp['pr_W'] = gp(34, (HID, 1))
    inp['pr_b'] = jnp.zeros((1,), dtype=jnp.float32)
    return inp


def reference(xa, xd, xlen_a, xlen_d, emb_table,
              gru_af_k, gru_af_rk, gru_af_b, gru_ab_k, gru_ab_rk, gru_ab_b,
              gru_df_k, gru_df_rk, gru_df_b, gru_db_k, gru_db_rk, gru_db_b,
              satt_a_W, satt_a_bW, satt_a_V, satt_a_bV,
              satt_d_W, satt_d_bW, satt_d_V, satt_d_bV,
              fatt_a_W, fatt_a_bW, fatt_a_V, fatt_a_bV,
              fatt_d_W, fatt_d_bW, fatt_d_V, fatt_d_bV,
              fd_W, fd_b, pr_W, pr_b):
    emb_a = emb_table[xa].reshape(B * MAX_LEN, L, EMB)
    emb_d = emb_table[xd].reshape(B * MAX_LEN, L, EMB)
    ra = jnp.concatenate([_gru(emb_a, gru_af_k, gru_af_rk, gru_af_b),
                          _gru(emb_a, gru_ab_k, gru_ab_rk, gru_ab_b, reverse=True)], axis=-1)
    rd = jnp.concatenate([_gru(emb_d, gru_df_k, gru_df_rk, gru_df_b),
                          _gru(emb_d, gru_db_k, gru_db_rk, gru_db_b, reverse=True)], axis=-1)
    va = _bahdanau(ra, satt_a_W, satt_a_bW, satt_a_V, satt_a_bV).reshape(B, MAX_LEN, 2 * RNN)
    vd = _bahdanau(rd, satt_d_W, satt_d_bW, satt_d_V, satt_d_bV).reshape(B, MAX_LEN, 2 * RNN)
    t = jnp.arange(MAX_LEN)
    mask_a = (t[None, :] < xlen_a[:, None]).astype(jnp.float32)
    mask_d = (t[None, :] < xlen_d[:, None]).astype(jnp.float32)
    va_by_d = _cross_att(vd, va, mask_d, mask_a)
    vd_by_a = _cross_att(va, vd, mask_a, mask_d)
    ca = _bahdanau(va_by_d, fatt_a_W, fatt_a_bW, fatt_a_V, fatt_a_bV)
    cd = _bahdanau(vd_by_a, fatt_d_W, fatt_d_bW, fatt_d_V, fatt_d_bV)
    feat = jnp.concatenate([ca, cd], axis=-1)
    h = jax.nn.elu(feat @ fd_W + fd_b)
    return jax.nn.sigmoid(h @ pr_W + pr_b)

if __name__ == "__main__":
    import jax
    _d = setup_inputs()
    print(jax.jit(kernel)(*tuple(_d.values())))

</pallas_src>

<mosaic_0001>
#map = affine_map<(d0, d1) -> (0, 0)>
#map1 = affine_map<(d0, d1) -> (0, 0, 0)>
module attributes {stable_mosaic.version = 14 : i64} {
  func.func @_sc_gather_body(%arg0: i32, %arg1: i32, %arg2: memref<625x64xf32, #tpu.memory_space<hbm>>, %arg3: memref<32x20x80xi32, #tpu.memory_space<hbm>>, %arg4: memref<51200x64xf32, #tpu.memory_space<hbm>>, %arg5: memref<20x80xi32, #tpu.memory_space<vmem>>, %arg6: memref<80x64xf32, #tpu.memory_space<vmem>>, %arg7: memref<80x64xf32, #tpu.memory_space<vmem>>, %arg8: memref<!tpu.dma_semaphore, #tpu.memory_space<semaphore_mem>>, %arg9: memref<!tpu.dma_semaphore, #tpu.memory_space<semaphore_mem>>, %arg10: memref<!tpu.dma_semaphore, #tpu.memory_space<semaphore_mem>>, %arg11: memref<!tpu.dma_semaphore, #tpu.memory_space<semaphore_mem>>) attributes {dimension_semantics = [#tpu.dimension_semantics<core_parallel>, #tpu.dimension_semantics<subcore_parallel>], iteration_bounds = array<i64: 2, 16>, scalar_prefetch = 0 : i64, scratch_operands = 7 : i64, tpu.core_type = #tpu.core_type<sc_vector_subcore>, window_params = [{transform_indices = #map}, {transform_indices = #map1}, {transform_indices = #map}]} {
    %mul3A = arith.constant 2 : i32
    %mul3A_0 = arith.muli %arg1, %mul3A : i32
    %add3A = arith.addi %mul3A_0, %arg0 : i32
    "tpu.region"() ({
      %run_scoped3A = tpu.sem_alloc : memref<!tpu.dma_semaphore, #tpu.memory_space<semaphore_mem>>
      %dma_start3A_481 = arith.constant 0 : i32
      %dma_start3A_482 = arith.constant 0 : i32
      %dma_start3A_483 = tpu.memref_slice %arg3[%add3A, %dma_start3A_481, %dma_start3A_482] : memref<32x20x80xi32, #tpu.memory_space<hbm>> -> memref<1x20x80xi32, #tpu.memory_space<hbm>>
      %dma_start3A_484 = tpu.memref_squeeze %dma_start3A_483 : memref<1x20x80xi32, #tpu.memory_space<hbm>> -> memref<20x80xi32, #tpu.memory_space<hbm>>
      %dma_start3A_485 = arith.constant 0 : i32
      %dma_start3A_486 = arith.constant 0 : i32
      %dma_start3A_487 = tpu.memref_slice %arg3[%add3A, %dma_start3A_485, %dma_start3A_486] : memref<32x20x80xi32, #tpu.memory_space<hbm>> -> memref<1x20x80xi32, #tpu.memory_space<hbm>>
      %dma_start3A_488 = tpu.memref_squeeze %dma_start3A_487 : memref<1x20x80xi32, #tpu.memory_space<hbm>> -> memref<20x80xi32, #tpu.memory_space<hbm>>
      tpu.enqueue_dma source(%dma_start3A_488 : memref<20x80xi32, #tpu.memory_space<hbm>>) target(%arg5 : memref<20x80xi32, #tpu.memory_space<vmem>>) target_semaphore(%run_scoped3A : memref<!tpu.dma_semaphore, #tpu.memory_space<semaphore_mem>>)
      %dma_wait3A_489 = arith.constant 0 : i32
      %dma_wait3A_490 = arith.constant 0 : i32
      %dma_wait3A_491 = tpu.memref_slice %arg3[%add3A, %dma_wait3A_489, %dma_wait3A_490] : memref<32x20x80xi32, #tpu.memory_space<hbm>> -> memref<1x20x80xi32, #tpu.memory_space<hbm>>
      %dma_wait3A_492 = tpu.memref_squeeze %dma_wait3A_491 : memref<1x20x80xi32, #tpu.memory_space<hbm>> -> memref<20x80xi32, #tpu.memory_space<hbm>>
      %dma_wait3A_493 = arith.constant 0 : i32
      %dma_wait3A_494 = arith.constant 0 : i32
      %dma_wait3A_495 = tpu.memref_slice %arg3[%add3A, %dma_wait3A_493, %dma_wait3A_494] : memref<32x20x80xi32, #tpu.memory_space<hbm>> -> memref<1x20x80xi32, #tpu.memory_space<hbm>>
      %dma_wait3A_496 = tpu.memref_squeeze %dma_wait3A_495 : memref<1x20x80xi32, #tpu.memory_space<hbm>> -> memref<20x80xi32, #tpu.memory_space<hbm>>
      tpu.wait_dma2 semaphore(%run_scoped3A : memref<!tpu.dma_semaphore, #tpu.memory_space<semaphore_mem>>) src(%dma_wait3A_496 : memref<20x80xi32, #tpu.memory_space<hbm>>) dst(%arg5 : memref<20x80xi32, #tpu.memory_space<vmem>>)
      tpu.yield
    }) : () -> ()
    %mul3A_1 = arith.constant 1600 : i32
    %mul3A_2 = arith.muli %add3A, %mul3A_1 : i32
    %dma_start3A = arith.constant 0 : i32
    %dma_start3A_3 = arith.constant 0 : i32
    %dma_start3A_4 = tpu.memref_slice %arg5[%dma_start3A, %dma_start3A_3] : memref<20x80xi32, #tpu.memory_space<vmem>> -> memref<1x80xi32, #tpu.memory_space<vmem>>
    %dma_start3A_5 = tpu.memref_squeeze %dma_start3A_4 : memref<1x80xi32, #tpu.memory_space<vmem>> -> memref<80xi32, #tpu.memory_space<vmem>>
    %dma_start3A_6 = arith.constant 0 : i32
    %dma_start3A_7 = arith.constant 0 : i32
    %dma_start3A_8 = tpu.memref_slice %arg2[%dma_start3A_6, %dma_start3A_7] : memref<625x64xf32, #tpu.memory_space<hbm>> -> memref<625x64xf32, #tpu.memory_space<hbm>>
    tpu.enqueue_indirect_dma source(%dma_start3A_8 : memref<625x64xf32, #tpu.memory_space<hbm>>) target(%arg6 : memref<80x64xf32, #tpu.memory_space<vmem>>) offsets(%dma_start3A_5 : memref<80xi32, #tpu.memory_space<vmem>>) semaphore(%arg8 : memref<!tpu.dma_semaphore, #tpu.memory_space<semaphore_mem>>)
    %dma_start3A_9 = arith.constant 1 : i32
    %dma_start3A_10 = arith.constant 0 : i32
    %dma_start3A_11 = tpu.memref_slice %arg5[%dma_start3A_9, %dma_start3A_10] : memref<20x80xi32, #tpu.memory_space<vmem>> -> memref<1x80xi32, #tpu.memory_space<vmem>>
    %dma_start3A_12 = tpu.memref_squeeze %dma_start3A_11 : memref<1x80xi32, #tpu.memory_space<vmem>> -> memref<80xi32, #tpu.memory_space<vmem>>
    %dma_start3A_13 = arith.constant 0 : i32
    %dma_start3A_14 = arith.constant 0 : i32
    %dma_start3A_15 = tpu.memref_slice %arg2[%dma_start3A_13, %dma_start3A_14] : memref<625x64xf32, #tpu.memory_space<hbm>> -> memref<625x64xf32, #tpu.memory_space<hbm>>
    tpu.enqueue_indirect_dma source(%dma_start3A_15 : memref<625x64xf32, #tpu.memory_space<hbm>>) target(%arg7 : memref<80x64xf32, #tpu.memory_space<vmem>>) offsets(%dma_start3A_12 : memref<80xi32, #tpu.memory_space<vmem>>) semaphore(%arg9 : memref<!tpu.dma_semaphore, #tpu.memory_space<semaphore_mem>>)
    %dma_wait3A = arith.constant 0 : i32
    %dma_wait3A_16 = arith.constant 0 : i32
    %dma_wait3A_17 = tpu.memref_slice %arg5[%dma_wait3A, %dma_wait3A_16] : memref<20x80xi32, #tpu.memory_space<vmem>> -> memref<1x80xi32, #tpu.memory_space<vmem>>
    %dma_wait3A_18 = tpu.memref_squeeze %dma_wait3A_17 : memref<1x80xi32, #tpu.memory_space<vmem>> -> memref<80xi32, #tpu.memory_space<vmem>>
    %dma_wait3A_19 = arith.constant 0 : i32
    %dma_wait3A_20 = arith.constant 0 : i32
    %dma_wait3A_21 = tpu.memref_slice %arg2[%dma_wait3A_19, %dma_wait3A_20] : memref<625x64xf32, #tpu.memory_space<hbm>> -> memref<625x64xf32, #tpu.memory_space<hbm>>
    tpu.wait_indirect_dma semaphore(%arg8 : memref<!tpu.dma_semaphore, #tpu.memory_space<semaphore_mem>>) src(%dma_wait3A_21 : memref<625x64xf32, #tpu.memory_space<hbm>>) dst(%arg6 : memref<80x64xf32, #tpu.memory_space<vmem>>)
    %add3A_22 = arith.constant 0 : i32
    %add3A_23 = arith.addi %mul3A_2, %add3A_22 : i32
    %dma_start3A_24 = arith.constant 0 : i32
    %dma_start3A_25 = tpu.memref_slice %arg4[%add3A_23, %dma_start3A_24] : memref<51200x64xf32, #tpu.memory_space<hbm>> -> memref<80x64xf32, #tpu.memory_space<hbm>>
    %dma_start3A_26 = arith.constant 0 : i32
    %dma_start3A_27 = tpu.memref_slice %arg4[%add3A_23, %dma_start3A_26] : memref<51200x64xf32, #tpu.memory_space<hbm>> -> memref<80x64xf32, #tpu.memory_space<hbm>>
    tpu.enqueue_dma source(%arg6 : memref<80x64xf32, #tpu.memory_space<vmem>>) target(%dma_start3A_27 : memref<80x64xf32, #tpu.memory_space<hbm>>) target_semaphore(%arg10 : memref<!tpu.dma_semaphore, #tpu.memory_space<semaphore_mem>>)
    %dma_wait3A_28 = arith.constant 0 : i32
    %dma_wait3A_29 = tpu.memref_slice %arg4[%add3A_23, %dma_wait3A_28] : memref<51200x64xf32, #tpu.memory_space<hbm>> -> memref<80x64xf32, #tpu.memory_space<hbm>>
    %dma_wait3A_30 = arith.constant 0 : i32
    %dma_wait3A_31 = tpu.memref_slice %arg4[%add3A_23, %dma_wait3A_30] : memref<51200x64xf32, #tpu.memory_space<hbm>> -> memref<80x64xf32, #tpu.memory_space<hbm>>
    tpu.wait_dma2 semaphore(%arg10 : memref<!tpu.dma_semaphore, #tpu.memory_space<semaphore_mem>>) src(%arg6 : memref<80x64xf32, #tpu.memory_space<vmem>>) dst(%dma_wait3A_31 : memref<80x64xf32, #tpu.memory_space<hbm>>)
    %dma_start3A_32 = arith.constant 2 : i32
    %dma_start3A_33 = arith.constant 0 : i32
    %dma_start3A_34 = tpu.memref_slice %arg5[%dma_start3A_32, %dma_start3A_33] : memref<20x80xi32, #tpu.memory_space<vmem>> -> memref<1x80xi32, #tpu.memory_space<vmem>>
    %dma_start3A_35 = tpu.memref_squeeze %dma_start3A_34 : memref<1x80xi32, #tpu.memory_space<vmem>> -> memref<80xi32, #tpu.memory_space<vmem>>
    %dma_start3A_36 = arith.constant 0 : i32
    %dma_start3A_37 = arith.constant 0 : i32
    %dma_start3A_38 = tpu.memref_slice %arg2[%dma_start3A_36, %dma_start3A_37] : memref<625x64xf32, #tpu.memory_space<hbm>> -> memref<625x64xf32, #tpu.memory_space<hbm>>
    tpu.enqueue_indirect_dma source(%dma_start3A_38 : memref<625x64xf32, #tpu.memory_space<hbm>>) target(%arg6 : memref<80x64xf32, #tpu.memory_space<vmem>>) offsets(%dma_start3A_35 : memref<80xi32, #tpu.memory_space<vmem>>) semaphore(%arg8 : memref<!tpu.dma_semaphore, #tpu.memory_space<semaphore_mem>>)
    %dma_wait3A_39 = arith.constant 1 : i32
    %dma_wait3A_40 = arith.constant 0 : i32
    %dma_wait3A_41 = tpu.memref_slice %arg5[%dma_wait3A_39, %dma_wait3A_40] : memref<20x80xi32, #tpu.memory_space<vmem>> -> memref<1x80xi32, #tpu.memory_space<vmem>>
    %dma_wait3A_42 = tpu.memref_squeeze %dma_wait3A_41 : memref<1x80xi32, #tpu.memory_space<vmem>> -> memref<80xi32, #tpu.memory_space<vmem>>
    %dma_wait3A_43 = arith.constant 0 : i32
    %dma_wait3A_44 = arith.constant 0 : i32
    %dma_wait3A_45 = tpu.memref_slice %arg2[%dma_wait3A_43, %dma_wait3A_44] : memref<625x64xf32, #tpu.memory_space<hbm>> -> memref<625x64xf32, #tpu.memory_space<hbm>>
    tpu.wait_indirect_dma semaphore(%arg9 : memref<!tpu.dma_semaphore, #tpu.memory_space<semaphore_mem>>) src(%dma_wait3A_45 : memref<625x64xf32, #tpu.memory_space<hbm>>) dst(%arg7 : memref<80x64xf32, #tpu.memory_space<vmem>>)
    %add3A_46 = arith.constant 80 : i32
    %add3A_47 = arith.addi %mul3A_2, %add3A_46 : i32
    %dma_start3A_48 = arith.constant 0 : i32
    %dma_start3A_49 = tpu.memref_slice %arg4[%add3A_47, %dma_start3A_48] : memref<51200x64xf32, #tpu.memory_space<hbm>> -> memref<80x64xf32, #tpu.memory_space<hbm>>
    %dma_start3A_50 = arith.constant 0 : i32
    %dma_start3A_51 = tpu.memref_slice %arg4[%add3A_47, %dma_start3A_50] : memref<51200x64xf32, #tpu.memory_space<hbm>> -> memref<80x64xf32, #tpu.memory_space<hbm>>
    tpu.enqueue_dma source(%arg7 : memref<80x64xf32, #tpu.memory_space<vmem>>) target(%dma_start3A_51 : memref<80x64xf32, #tpu.memory_space<hbm>>) target_semaphore(%arg11 : memref<!tpu.dma_semaphore, #tpu.memory_space<semaphore_mem>>)
    %dma_wait3A_52 = arith.constant 0 : i32
    %dma_wait3A_53 = tpu.memref_slice %arg4[%add3A_47, %dma_wait3A_52] : memref<51200x64xf32, #tpu.memory_space<hbm>> -> memref<80x64xf32, #tpu.memory_space<hbm>>
    %dma_wait3A_54 = arith.constant 0 : i32
    %dma_wait3A_55 = tpu.memref_slice %arg4[%add3A_47, %dma_wait3A_54] : memref<51200x64xf32, #tpu.memory_space<hbm>> -> memref<80x64xf32, #tpu.memory_space<hbm>>
    tpu.wait_dma2 semaphore(%arg11 : memref<!tpu.dma_semaphore, #tpu.memory_space<semaphore_mem>>) src(%arg7 : memref<80x64xf32, #tpu.memory_space<vmem>>) dst(%dma_wait3A_55 : memref<80x64xf32, #tpu.memory_space<hbm>>)
    %dma_start3A_56 = arith.constant 3 : i32
    %dma_start3A_57 = arith.constant 0 : i32
    %dma_start3A_58 = tpu.memref_slice %arg5[%dma_start3A_56, %dma_start3A_57] : memref<20x80xi32, #tpu.memory_space<vmem>> -> memref<1x80xi32, #tpu.memory_space<vmem>>
    %dma_start3A_59 = tpu.memref_squeeze %dma_start3A_58 : memref<1x80xi32, #tpu.memory_space<vmem>> -> memref<80xi32, #tpu.memory_space<vmem>>
    %dma_start3A_60 = arith.constant 0 : i32
    %dma_start3A_61 = arith.constant 0 : i32
    %dma_start3A_62 = tpu.memref_slice %arg2[%dma_start3A_60, %dma_start3A_61] : memref<625x64xf32, #tpu.memory_space<hbm>> -> memref<625x64xf32, #tpu.memory_space<hbm>>
    tpu.enqueue_indirect_dma source(%dma_start3A_62 : memref<625x64xf32, #tpu.memory_space<hbm>>) target(%arg7 : memref<80x64xf32, #tpu.memory_space<vmem>>) offsets(%dma_start3A_59 : memref<80xi32, #tpu.memory_space<vmem>>) semaphore(%arg9 : memref<!tpu.dma_semaphore, #tpu.memory_space<semaphore_mem>>)
    %dma_wait3A_63 = arith.constant 2 : i32
    %dma_wait3A_64 = arith.constant 0 : i32
    %dma_wait3A_65 = tpu.memref_slice %arg5[%dma_wait3A_63, %dma_wait3A_64] : memref<20x80xi32, #tpu.memory_space<vmem>> -> memref<1x80xi32, #tpu.memory_space<vmem>>
    %dma_wait3A_66 = tpu.memref_squeeze %dma_wait3A_65 : memref<1x80xi32, #tpu.memory_space<vmem>> -> memref<80xi32, #tpu.memory_space<vmem>>
    %dma_wait3A_67 = arith.constant 0 : i32
    %dma_wait3A_68 = arith.constant 0 : i32
    %dma_wait3A_69 = tpu.memref_slice %arg2[%dma_wait3A_67, %dma_wait3A_68] : memref<625x64xf32, #tpu.memory_space<hbm>> -> memref<625x64xf32, #tpu.memory_space<hbm>>
    tpu.wait_indirect_dma semaphore(%arg8 : memref<!tpu.dma_semaphore, #tpu.memory_space<semaphore_mem>>) src(%dma_wait3A_69 : memref<625x64xf32, #tpu.memory_space<hbm>>) dst(%arg6 : memref<80x64xf32, #tpu.memory_space<vmem>>)
    %add3A_70 = arith.constant 160 : i32
    %add3A_71 = arith.addi %mul3A_2, %add3A_70 : i32
    %dma_start3A_72 = arith.constant 0 : i32
    %dma_start3A_73 = tpu.memref_slice %arg4[%add3A_71, %dma_start3A_72] : memref<51200x64xf32, #tpu.memory_space<hbm>> -> memref<80x64xf32, #tpu.memory_space<hbm>>
    %dma_start3A_74 = arith.constant 0 : i32
    %dma_start3A_75 = tpu.memref_slice %arg4[%add3A_71, %dma_start3A_74] : memref<51200x64xf32, #tpu.memory_space<hbm>> -> memref<80x64xf32, #tpu.memory_space<hbm>>
    tpu.enqueue_dma source(%arg6 : memref<80x64xf32, #tpu.memory_space<vmem>>) target(%dma_start3A_75 : memref<80x64xf32, #tpu.memory_space<hbm>>) target_semaphore(%arg10 : memref<!tpu.dma_semaphore, #tpu.memory_space<semaphore_mem>>)
    %dma_wait3A_76 = arith.constant 0 : i32
    %dma_wait3A_77 = tpu.memref_slice %arg4[%add3A_71, %dma_wait3A_76] : memref<51200x64xf32, #tpu.memory_space<hbm>> -> memref<80x64xf32, #tpu.memory_space<hbm>>
    %dma_wait3A_78 = arith.constant 0 : i32
    %dma_wait3A_79 = tpu.memref_slice %arg4[%add3A_71, %dma_wait3A_78] : memref<51200x64xf32, #tpu.memory_space<hbm>> -> memref<80x64xf32, #tpu.memory_space<hbm>>
    tpu.wait_dma2 semaphore(%arg10 : memref<!tpu.dma_semaphore, #tpu.memory_space<semaphore_mem>>) src(%arg6 : memref<80x64xf32, #tpu.memory_space<vmem>>) dst(%dma_wait3A_79 : memref<80x64xf32, #tpu.memory_space<hbm>>)
    %dma_start3A_80 = arith.constant 4 : i32
    %dma_start3A_81 = arith.constant 0 : i32
    %dma_start3A_82 = tpu.memref_slice %arg5[%dma_start3A_80, %dma_start3A_81] : memref<20x80xi32, #tpu.memory_space<vmem>> -> memref<1x80xi32, #tpu.memory_space<vmem>>
    %dma_start3A_83 = tpu.memref_squeeze %dma_start3A_82 : memref<1x80xi32, #tpu.memory_space<vmem>> -> memref<80xi32, #tpu.memory_space<vmem>>
    %dma_start3A_84 = arith.constant 0 : i32
    %dma_start3A_85 = arith.constant 0 : i32
    %dma_start3A_86 = tpu.memref_slice %arg2[%dma_start3A_84, %dma_start3A_85] : memref<625x64xf32, #tpu.memory_space<hbm>> -> memref<625x64xf32, #tpu.memory_space<hbm>>
    tpu.enqueue_indirect_dma source(%dma_start3A_86 : memref<625x64xf32, #tpu.memory_space<hbm>>) target(%arg6 : memref<80x64xf32, #tpu.memory_space<vmem>>) offsets(%dma_start3A_83 : memref<80xi32, #tpu.memory_space<vmem>>) semaphore(%arg8 : memref<!tpu.dma_semaphore, #tpu.memory_space<semaphore_mem>>)
    %dma_wait3A_87 = arith.constant 3 : i32
    %dma_wait3A_88 = arith.constant 0 : i32
    %dma_wait3A_89 = tpu.memref_slice %arg5[%dma_wait3A_87, %dma_wait3A_88] : memref<20x80xi32, #tpu.memory_space<vmem>> -> memref<1x80xi32, #tpu.memory_space<vmem>>
    %dma_wait3A_90 = tpu.memref_squeeze %dma_wait3A_89 : memref<1x80xi32, #tpu.memory_space<vmem>> -> memref<80xi32, #tpu.memory_space<vmem>>
    %dma_wait3A_91 = arith.constant 0 : i32
    %dma_wait3A_92 = arith.constant 0 : i32
    %dma_wait3A_93 = tpu.memref_slice %arg2[%dma_wait3A_91, %dma_wait3A_92] : memref<625x64xf32, #tpu.memory_space<hbm>> -> memref<625x64xf32, #tpu.memory_space<hbm>>
    tpu.wait_indirect_dma semaphore(%arg9 : memref<!tpu.dma_semaphore, #tpu.memory_space<semaphore_mem>>) src(%dma_wait3A_93 : memref<625x64xf32, #tpu.memory_space<hbm>>) dst(%arg7 : memref<80x64xf32, #tpu.memory_space<vmem>>)
    %add3A_94 = arith.constant 240 : i32
    %add3A_95 = arith.addi %mul3A_2, %add3A_94 : i32
    %dma_start3A_96 = arith.constant 0 : i32
    %dma_start3A_97 = tpu.memref_slice %arg4[%add3A_95, %dma_start3A_96] : memref<51200x64xf32, #tpu.memory_space<hbm>> -> memref<80x64xf32, #tpu.memory_space<hbm>>
    %dma_start3A_98 = arith.constant 0 : i32
    %dma_start3A_99 = tpu.memref_slice %arg4[%add3A_95, %dma_start3A_98] : memref<51200x64xf32, #tpu.memory_space<hbm>> -> memref<80x64xf32, #tpu.memory_space<hbm>>
    tpu.enqueue_dma source(%arg7 : memref<80x64xf32, #tpu.memory_space<vmem>>) target(%dma_start3A_99 : memref<80x64xf32, #tpu.memory_space<hbm>>) target_semaphore(%arg11 : memref<!tpu.dma_semaphore, #tpu.memory_space<semaphore_mem>>)
    %dma_wait3A_100 = arith.constant 0 : i32
    %dma_wait3A_101 = tpu.memref_slice %arg4[%add3A_95, %dma_wait3A_100] : memref<51200x64xf32, #tpu.memory_space<hbm>> -> memref<80x64xf32, #tpu.memory_space<hbm>>
    %dma_wait3A_102 = arith.constant 0 : i32
    %dma_wait3A_103 = tpu.memref_slice %arg4[%add3A_95, %dma_wait3A_102] : memref<51200x64xf32, #tpu.memory_space<hbm>> -> memref<80x64xf32, #tpu.memory_space<hbm>>
    tpu.wait_dma2 semaphore(%arg11 : memref<!tpu.dma_semaphore, #tpu.memory_space<semaphore_mem>>) src(%arg7 : memref<80x64xf32, #tpu.memory_space<vmem>>) dst(%dma_wait3A_103 : memref<80x64xf32, #tpu.memory_space<hbm>>)
    %dma_start3A_104 = arith.constant 5 : i32
    %dma_start3A_105 = arith.constant 0 : i32
    %dma_start3A_106 = tpu.memref_slice %arg5[%dma_start3A_104, %dma_start3A_105] : memref<20x80xi32, #tpu.memory_space<vmem>> -> memref<1x80xi32, #tpu.memory_space<vmem>>
    %dma_start3A_107 = tpu.memref_squeeze %dma_start3A_106 : memref<1x80xi32, #tpu.memory_space<vmem>> -> memref<80xi32, #tpu.memory_space<vmem>>
    %dma_start3A_108 = arith.constant 0 : i32
    %dma_start3A_109 = arith.constant 0 : i32
    %dma_start3A_110 = tpu.memref_slice %arg2[%dma_start3A_108, %dma_start3A_109] : memref<625x64xf32, #tpu.memory_space<hbm>> -> memref<625x64xf32, #tpu.memory_space<hbm>>
    tpu.enqueue_indirect_dma source(%dma_start3A_110 : memref<625x64xf32, #tpu.memory_space<hbm>>) target(%arg7 : memref<80x64xf32, #tpu.memory_space<vmem>>) offsets(%dma_start3A_107 : memref<80xi32, #tpu.memory_space<vmem>>) semaphore(%arg9 : memref<!tpu.dma_semaphore, #tpu.memory_space<semaphore_mem>>)
    %dma_wait3A_111 = arith.constant 4 : i32
    %dma_wait3A_112 = arith.constant 0 : i32
    %dma_wait3A_113 = tpu.memref_slice %arg5[%dma_wait3A_111, %dma_wait3A_112] : memref<20x80xi32, #tpu.memory_space<vmem>> -> memref<1x80xi32, #tpu.memory_space<vmem>>
    %dma_wait3A_114 = tpu.memref_squeeze %dma_wait3A_113 : memref<1x80xi32, #tpu.memory_space<vmem>> -> memref<80xi32, #tpu.memory_space<vmem>>
    %dma_wait3A_115 = arith.constant 0 : i32
    %dma_wait3A_116 = arith.constant 0 : i32
    %dma_wait3A_117 = tpu.memref_slice %arg2[%dma_wait3A_115, %dma_wait3A_116] : memref<625x64xf32, #tpu.memory_space<hbm>> -> memref<625x64xf32, #tpu.memory_space<hbm>>
    tpu.wait_indirect_dma semaphore(%arg8 : memref<!tpu.dma_semaphore, #tpu.memory_space<semaphore_mem>>) src(%dma_wait3A_117 : memref<625x64xf32, #tpu.memory_space<hbm>>) dst(%arg6 : memref<80x64xf32, #tpu.memory_space<vmem>>)
    %add3A_118 = arith.constant 320 : i32
    %add3A_119 = arith.addi %mul3A_2, %add3A_118 : i32
    %dma_start3A_120 = arith.constant 0 : i32
    %dma_start3A_121 = tpu.memref_slice %arg4[%add3A_119, %dma_start3A_120] : memref<51200x64xf32, #tpu.memory_space<hbm>> -> memref<80x64xf32, #tpu.memory_space<hbm>>
    %dma_start3A_122 = arith.constant 0 : i32
    %dma_start3A_123 = tpu.memref_slice %arg4[%add3A_119, %dma_start3A_122] : memref<51200x64xf32, #tpu.memory_space<hbm>> -> memref<80x64xf32, #tpu.memory_space<hbm>>
    tpu.enqueue_dma source(%arg6 : memref<80x64xf32, #tpu.memory_space<vmem>>) target(%dma_start3A_123 : memref<80x64xf32, #tpu.memory_space<hbm>>) target_semaphore(%arg10 : memref<!tpu.dma_semaphore, #tpu.memory_space<semaphore_mem>>)
    %dma_wait3A_124 = arith.constant 0 : i32
    %dma_wait3A_125 = tpu.memref_slice %arg4[%add3A_119, %dma_wait3A_124] : memref<51200x64xf32, #tpu.memory_space<hbm>> -> memref<80x64xf32, #tpu.memory_space<hbm>>
    %dma_wait3A_126 = arith.constant 0 : i32
    %dma_wait3A_127 = tpu.memref_slice %arg4[%add3A_119, %dma_wait3A_126] : memref<51200x64xf32, #tpu.memory_space<hbm>> -> memref<80x64xf32, #tpu.memory_space<hbm>>
    tpu.wait_dma2 semaphore(%arg10 : memref<!tpu.dma_semaphore, #tpu.memory_space<semaphore_mem>>) src(%arg6 : memref<80x64xf32, #tpu.memory_space<vmem>>) dst(%dma_wait3A_127 : memref<80x64xf32, #tpu.memory_space<hbm>>)
    %dma_start3A_128 = arith.constant 6 : i32
    %dma_start3A_129 = arith.constant 0 : i32
    %dma_start3A_130 = tpu.memref_slice %arg5[%dma_start3A_128, %dma_start3A_129] : memref<20x80xi32, #tpu.memory_space<vmem>> -> memref<1x80xi32, #tpu.memory_space<vmem>>
    %dma_start3A_131 = tpu.memref_squeeze %dma_start3A_130 : memref<1x80xi32, #tpu.memory_space<vmem>> -> memref<80xi32, #tpu.memory_space<vmem>>
    %dma_start3A_132 = arith.constant 0 : i32
    %dma_start3A_133 = arith.constant 0 : i32
    %dma_start3A_134 = tpu.memref_slice %arg2[%dma_start3A_132, %dma_start3A_133] : memref<625x64xf32, #tpu.memory_space<hbm>> -> memref<625x64xf32, #tpu.memory_space<hbm>>
    tpu.enqueue_indirect_dma source(%dma_start3A_134 : memref<625x64xf32, #tpu.memory_space<hbm>>) target(%arg6 : memref<80x64xf32, #tpu.memory_space<vmem>>) offsets(%dma_start3A_131 : memref<80xi32, #tpu.memory_space<vmem>>) semaphore(%arg8 : memref<!tpu.dma_semaphore, #tpu.memory_space<semaphore_mem>>)
    %dma_wait3A_135 = arith.constant 5 : i32
    %dma_wait3A_136 = arith.constant 0 : i32
    %dma_wait3A_137 = tpu.memref_slice %arg5[%dma_wait3A_135, %dma_wait3A_136] : memref<20x80xi32, #tpu.memory_space<vmem>> -> memref<1x80xi32, #tpu.memory_space<vmem>>
    %dma_wait3A_138 = tpu.memref_squeeze %dma_wait3A_137 : memref<1x80xi32, #tpu.memory_space<vmem>> -> memref<80xi32, #tpu.memory_space<vmem>>
    %dma_wait3A_139 = arith.constant 0 : i32
    %dma_wait3A_140 = arith.constant 0 : i32
    %dma_wait3A_141 = tpu.memref_slice %arg2[%dma_wait3A_139, %dma_wait3A_140] : memref<625x64xf32, #tpu.memory_space<hbm>> -> memref<625x64xf32, #tpu.memory_space<hbm>>
    tpu.wait_indirect_dma semaphore(%arg9 : memref<!tpu.dma_semaphore, #tpu.memory_space<semaphore_mem>>) src(%dma_wait3A_141 : memref<625x64xf32, #tpu.memory_space<hbm>>) dst(%arg7 : memref<80x64xf32, #tpu.memory_space<vmem>>)
    %add3A_142 = arith.constant 400 : i32
    %add3A_143 = arith.addi %mul3A_2, %add3A_142 : i32
    %dma_start3A_144 = arith.constant 0 : i32
    %dma_start3A_145 = tpu.memref_slice %arg4[%add3A_143, %dma_start3A_144] : memref<51200x64xf32, #tpu.memory_space<hbm>> -> memref<80x64xf32, #tpu.memory_space<hbm>>
    %dma_start3A_146 = arith.constant 0 : i32
    %dma_start3A_147 = tpu.memref_slice %arg4[%add3A_143, %dma_start3A_146] : memref<51200x64xf32, #tpu.memory_space<hbm>> -> memref<80x64xf32, #tpu.memory_space<hbm>>
    tpu.enqueue_dma source(%arg7 : memref<80x64xf32, #tpu.memory_space<vmem>>) target(%dma_start3A_147 : memref<80x64xf32, #tpu.memory_space<hbm>>) target_semaphore(%arg11 : memref<!tpu.dma_semaphore, #tpu.memory_space<semaphore_mem>>)
    %dma_wait3A_148 = arith.constant 0 : i32
    %dma_wait3A_149 = tpu.memref_slice %arg4[%add3A_143, %dma_wait3A_148] : memref<51200x64xf32, #tpu.memory_space<hbm>> -> memref<80x64xf32, #tpu.memory_space<hbm>>
    %dma_wait3A_150 = arith.constant 0 : i32
    %dma_wait3A_151 = tpu.memref_slice %arg4[%add3A_143, %dma_wait3A_150] : memref<51200x64xf32, #tpu.memory_space<hbm>> -> memref<80x64xf32, #tpu.memory_space<hbm>>
    tpu.wait_dma2 semaphore(%arg11 : memref<!tpu.dma_semaphore, #tpu.memory_space<semaphore_mem>>) src(%arg7 : memref<80x64xf32, #tpu.memory_space<vmem>>) dst(%dma_wait3A_151 : memref<80x64xf32, #tpu.memory_space<hbm>>)
    %dma_start3A_152 = arith.constant 7 : i32
    %dma_start3A_153 = arith.constant 0 : i32
    %dma_start3A_154 = tpu.memref_slice %arg5[%dma_start3A_152, %dma_start3A_153] : memref<20x80xi32, #tpu.memory_space<vmem>> -> memref<1x80xi32, #tpu.memory_space<vmem>>
    %dma_start3A_155 = tpu.memref_squeeze %dma_start3A_154 : memref<1x80xi32, #tpu.memory_space<vmem>> -> memref<80xi32, #tpu.memory_space<vmem>>
    %dma_start3A_156 = arith.constant 0 : i32
    %dma_start3A_157 = arith.constant 0 : i32
    %dma_start3A_158 = tpu.memref_slice %arg2[%dma_start3A_156, %dma_start3A_157] : memref<625x64xf32, #tpu.memory_space<hbm>> -> memref<625x64xf32, #tpu.memory_space<hbm>>
    tpu.enqueue_indirect_dma source(%dma_start3A_158 : memref<625x64xf32, #tpu.memory_space<hbm>>) target(%arg7 : memref<80x64xf32, #tpu.memory_space<vmem>>) offsets(%dma_start3A_155 : memref<80xi32, #tpu.memory_space<vmem>>) semaphore(%arg9 : memref<!tpu.dma_semaphore, #tpu.memory_space<semaphore_mem>>)
    %dma_wait3A_159 = arith.constant 6 : i32
    %dma_wait3A_160 = arith.constant 0 : i32
    %dma_wait3A_161 = tpu.memref_slice %arg5[%dma_wait3A_159, %dma_wait3A_160] : memref<20x80xi32, #tpu.memory_space<vmem>> -> memref<1x80xi32, #tpu.memory_space<vmem>>
    %dma_wait3A_162 = tpu.memref_squeeze %dma_wait3A_161 : memref<1x80xi32, #tpu.memory_space<vmem>> -> memref<80xi32, #tpu.memory_space<vmem>>
    %dma_wait3A_163 = arith.constant 0 : i32
    %dma_wait3A_164 = arith.constant 0 : i32
    %dma_wait3A_165 = tpu.memref_slice %arg2[%dma_wait3A_163, %dma_wait3A_164] : memref<625x64xf32, #tpu.memory_space<hbm>> -> memref<625x64xf32, #tpu.memory_space<hbm>>
    tpu.wait_indirect_dma semaphore(%arg8 : memref<!tpu.dma_semaphore, #tpu.memory_space<semaphore_mem>>) src(%dma_wait3A_165 : memref<625x64xf32, #tpu.memory_space<hbm>>) dst(%arg6 : memref<80x64xf32, #tpu.memory_space<vmem>>)
    %add3A_166 = arith.constant 480 : i32
    %add3A_167 = arith.addi %mul3A_2, %add3A_166 : i32
    %dma_start3A_168 = arith.constant 0 : i32
    %dma_start3A_169 = tpu.memref_slice %arg4[%add3A_167, %dma_start3A_168] : memref<51200x64xf32, #tpu.memory_space<hbm>> -> memref<80x64xf32, #tpu.memory_space<hbm>>
    %dma_start3A_170 = arith.constant 0 : i32
    %dma_start3A_171 = tpu.memref_slice %arg4[%add3A_167, %dma_start3A_170] : memref<51200x64xf32, #tpu.memory_space<hbm>> -> memref<80x64xf32, #tpu.memory_space<hbm>>
    tpu.enqueue_dma source(%arg6 : memref<80x64xf32, #tpu.memory_space<vmem>>) target(%dma_start3A_171 : memref<80x64xf32, #tpu.memory_space<hbm>>) target_semaphore(%arg10 : memref<!tpu.dma_semaphore, #tpu.memory_space<semaphore_mem>>)
    %dma_wait3A_172 = arith.constant 0 : i32
    %dma_wait3A_173 = tpu.memref_slice %arg4[%add3A_167, %dma_wait3A_172] : memref<51200x64xf32, #tpu.memory_space<hbm>> -> memref<80x64xf32, #tpu.memory_space<hbm>>
    %dma_wait3A_174 = arith.constant 0 : i32
    %dma_wait3A_175 = tpu.memref_slice %arg4[%add3A_167, %dma_wait3A_174] : memref<51200x64xf32, #tpu.memory_space<hbm>> -> memref<80x64xf32, #tpu.memory_space<hbm>>
    tpu.wait_dma2 semaphore(%arg10 : memref<!tpu.dma_semaphore, #tpu.memory_space<semaphore_mem>>) src(%arg6 : memref<80x64xf32, #tpu.memory_space<vmem>>) dst(%dma_wait3A_175 : memref<80x64xf32, #tpu.memory_space<hbm>>)
    %dma_start3A_176 = arith.constant 8 : i32
    %dma_start3A_177 = arith.constant 0 : i32
    %dma_start3A_178 = tpu.memref_slice %arg5[%dma_start3A_176, %dma_start3A_177] : memref<20x80xi32, #tpu.memory_space<vmem>> -> memref<1x80xi32, #tpu.memory_space<vmem>>
    %dma_start3A_179 = tpu.memref_squeeze %dma_start3A_178 : memref<1x80xi32, #tpu.memory_space<vmem>> -> memref<80xi32, #tpu.memory_space<vmem>>
    %dma_start3A_180 = arith.constant 0 : i32
    %dma_start3A_181 = arith.constant 0 : i32
    %dma_start3A_182 = tpu.memref_slice %arg2[%dma_start3A_180, %dma_start3A_181] : memref<625x64xf32, #tpu.memory_space<hbm>> -> memref<625x64xf32, #tpu.memory_space<hbm>>
    tpu.enqueue_indirect_dma source(%dma_start3A_182 : memref<625x64xf32, #tpu.memory_space<hbm>>) target(%arg6 : memref<80x64xf32, #tpu.memory_space<vmem>>) offsets(%dma_start3A_179 : memref<80xi32, #tpu.memory_space<vmem>>) semaphore(%arg8 : memref<!tpu.dma_semaphore, #tpu.memory_space<semaphore_mem>>)
    %dma_wait3A_183 = arith.constant 7 : i32
    %dma_wait3A_184 = arith.constant 0 : i32
    %dma_wait3A_185 = tpu.memref_slice %arg5[%dma_wait3A_183, %dma_wait3A_184] : memref<20x80xi32, #tpu.memory_space<vmem>> -> memref<1x80xi32, #tpu.memory_space<vmem>>
    %dma_wait3A_186 = tpu.memref_squeeze %dma_wait3A_185 : memref<1x80xi32, #tpu.memory_space<vmem>> -> memref<80xi32, #tpu.memory_space<vmem>>
    %dma_wait3A_187 = arith.constant 0 : i32
    %dma_wait3A_188 = arith.constant 0 : i32
    %dma_wait3A_189 = tpu.memref_slice %arg2[%dma_wait3A_187, %dma_wait3A_188] : memref<625x64xf32, #tpu.memory_space<hbm>> -> memref<625x64xf32, #tpu.memory_space<hbm>>
    tpu.wait_indirect_dma semaphore(%arg9 : memref<!tpu.dma_semaphore, #tpu.memory_space<semaphore_mem>>) src(%dma_wait3A_189 : memref<625x64xf32, #tpu.memory_space<hbm>>) dst(%arg7 : memref<80x64xf32, #tpu.memory_space<vmem>>)
    %add3A_190 = arith.constant 560 : i32
    %add3A_191 = arith.addi %mul3A_2, %add3A_190 : i32
    %dma_start3A_192 = arith.constant 0 : i32
    %dma_start3A_193 = tpu.memref_slice %arg4[%add3A_191, %dma_start3A_192] : memref<51200x64xf32, #tpu.memory_space<hbm>> -> memref<80x64xf32, #tpu.memory_space<hbm>>
    %dma_start3A_194 = arith.constant 0 : i32
    %dma_start3A_195 = tpu.memref_slice %arg4[%add3A_191, %dma_start3A_194] : memref<51200x64xf32, #tpu.memory_space<hbm>> -> memref<80x64xf32, #tpu.memory_space<hbm>>
    tpu.enqueue_dma source(%arg7 : memref<80x64xf32, #tpu.memory_space<vmem>>) target(%dma_start3A_195 : memref<80x64xf32, #tpu.memory_space<hbm>>) target_semaphore(%arg11 : memref<!tpu.dma_semaphore, #tpu.memory_space<semaphore_mem>>)
    %dma_wait3A_196 = arith.constant 0 : i32
    %dma_wait3A_197 = tpu.memref_slice %arg4[%add3A_191, %dma_wait3A_196] : memref<51200x64xf32, #tpu.memory_space<hbm>> -> memref<80x64xf32, #tpu.memory_space<hbm>>
    %dma_wait3A_198 = arith.constant 0 : i32
    %dma_wait3A_199 = tpu.memref_slice %arg4[%add3A_191, %dma_wait3A_198] : memref<51200x64xf32, #tpu.memory_space<hbm>> -> memref<80x64xf32, #tpu.memory_space<hbm>>
    tpu.wait_dma2 semaphore(%arg11 : memref<!tpu.dma_semaphore, #tpu.memory_space<semaphore_mem>>) src(%arg7 : memref<80x64xf32, #tpu.memory_space<vmem>>) dst(%dma_wait3A_199 : memref<80x64xf32, #tpu.memory_space<hbm>>)
    %dma_start3A_200 = arith.constant 9 : i32
    %dma_start3A_201 = arith.constant 0 : i32
    %dma_start3A_202 = tpu.memref_slice %arg5[%dma_start3A_200, %dma_start3A_201] : memref<20x80xi32, #tpu.memory_space<vmem>> -> memref<1x80xi32, #tpu.memory_space<vmem>>
    %dma_start3A_203 = tpu.memref_squeeze %dma_start3A_202 : memref<1x80xi32, #tpu.memory_space<vmem>> -> memref<80xi32, #tpu.memory_space<vmem>>
    %dma_start3A_204 = arith.constant 0 : i32
    %dma_start3A_205 = arith.constant 0 : i32
    %dma_start3A_206 = tpu.memref_slice %arg2[%dma_start3A_204, %dma_start3A_205] : memref<625x64xf32, #tpu.memory_space<hbm>> -> memref<625x64xf32, #tpu.memory_space<hbm>>
    tpu.enqueue_indirect_dma source(%dma_start3A_206 : memref<625x64xf32, #tpu.memory_space<hbm>>) target(%arg7 : memref<80x64xf32, #tpu.memory_space<vmem>>) offsets(%dma_start3A_203 : memref<80xi32, #tpu.memory_space<vmem>>) semaphore(%arg9 : memref<!tpu.dma_semaphore, #tpu.memory_space<semaphore_mem>>)
    %dma_wait3A_207 = arith.constant 8 : i32
    %dma_wait3A_208 = arith.constant 0 : i32
    %dma_wait3A_209 = tpu.memref_slice %arg5[%dma_wait3A_207, %dma_wait3A_208] : memref<20x80xi32, #tpu.memory_space<vmem>> -> memref<1x80xi32, #tpu.memory_space<vmem>>
    %dma_wait3A_210 = tpu.memref_squeeze %dma_wait3A_209 : memref<1x80xi32, #tpu.memory_space<vmem>> -> memref<80xi32, #tpu.memory_space<vmem>>
    %dma_wait3A_211 = arith.constant 0 : i32
    %dma_wait3A_212 = arith.constant 0 : i32
    %dma_wait3A_213 = tpu.memref_slice %arg2[%dma_wait3A_211, %dma_wait3A_212] : memref<625x64xf32, #tpu.memory_space<hbm>> -> memref<625x64xf32, #tpu.memory_space<hbm>>
    tpu.wait_indirect_dma semaphore(%arg8 : memref<!tpu.dma_semaphore, #tpu.memory_space<semaphore_mem>>) src(%dma_wait3A_213 : memref<625x64xf32, #tpu.memory_space<hbm>>) dst(%arg6 : memref<80x64xf32, #tpu.memory_space<vmem>>)
    %add3A_214 = arith.constant 640 : i32
    %add3A_215 = arith.addi %mul3A_2, %add3A_214 : i32
    %dma_start3A_216 = arith.constant 0 : i32
    %dma_start3A_217 = tpu.memref_slice %arg4[%add3A_215, %dma_start3A_216] : memref<51200x64xf32, #tpu.memory_space<hbm>> -> memref<80x64xf32, #tpu.memory_space<hbm>>
    %dma_start3A_218 = arith.constant 0 : i32
    %dma_start3A_219 = tpu.memref_slice %arg4[%add3A_215, %dma_start3A_218] : memref<51200x64xf32, #tpu.memory_space<hbm>> -> memref<80x64xf32, #tpu.memory_space<hbm>>
    tpu.enqueue_dma source(%arg6 : memref<80x64xf32, #tpu.memory_space<vmem>>) target(%dma_start3A_219 : memref<80x64xf32, #tpu.memory_space<hbm>>) target_semaphore(%arg10 : memref<!tpu.dma_semaphore, #tpu.memory_space<semaphore_mem>>)
    %dma_wait3A_220 = arith.constant 0 : i32
    %dma_wait3A_221 = tpu.memref_slice %arg4[%add3A_215, %dma_wait3A_220] : memref<51200x64xf32, #tpu.memory_space<hbm>> -> memref<80x64xf32, #tpu.memory_space<hbm>>
    %dma_wait3A_222 = arith.constant 0 : i32
    %dma_wait3A_223 = tpu.memref_slice %arg4[%add3A_215, %dma_wait3A_222] : memref<51200x64xf32, #tpu.memory_space<hbm>> -> memref<80x64xf32, #tpu.memory_space<hbm>>
    tpu.wait_dma2 semaphore(%arg10 : memref<!tpu.dma_semaphore, #tpu.memory_space<semaphore_mem>>) src(%arg6 : memref<80x64xf32, #tpu.memory_space<vmem>>) dst(%dma_wait3A_223 : memref<80x64xf32, #tpu.memory_space<hbm>>)
    %dma_start3A_224 = arith.constant 10 : i32
    %dma_start3A_225 = arith.constant 0 : i32
    %dma_start3A_226 = tpu.memref_slice %arg5[%dma_start3A_224, %dma_start3A_225] : memref<20x80xi32, #tpu.memory_space<vmem>> -> memref<1x80xi32, #tpu.memory_space<vmem>>
    %dma_start3A_227 = tpu.memref_squeeze %dma_start3A_226 : memref<1x80xi32, #tpu.memory_space<vmem>> -> memref<80xi32, #tpu.memory_space<vmem>>
    %dma_start3A_228 = arith.constant 0 : i32
    %dma_start3A_229 = arith.constant 0 : i32
    %dma_start3A_230 = tpu.memref_slice %arg2[%dma_start3A_228, %dma_start3A_229] : memref<625x64xf32, #tpu.memory_space<hbm>> -> memref<625x64xf32, #tpu.memory_space<hbm>>
    tpu.enqueue_indirect_dma source(%dma_start3A_230 : memref<625x64xf32, #tpu.memory_space<hbm>>) target(%arg6 : memref<80x64xf32, #tpu.memory_space<vmem>>) offsets(%dma_start3A_227 : memref<80xi32, #tpu.memory_space<vmem>>) semaphore(%arg8 : memref<!tpu.dma_semaphore, #tpu.memory_space<semaphore_mem>>)
    %dma_wait3A_231 = arith.constant 9 : i32
    %dma_wait3A_232 = arith.constant 0 : i32
    %dma_wait3A_233 = tpu.memref_slice %arg5[%dma_wait3A_231, %dma_wait3A_232] : memref<20x80xi32, #tpu.memory_space<vmem>> -> memref<1x80xi32, #tpu.memory_space<vmem>>
    %dma_wait3A_234 = tpu.memref_squeeze %dma_wait3A_233 : memref<1x80xi32, #tpu.memory_space<vmem>> -> memref<80xi32, #tpu.memory_space<vmem>>
    %dma_wait3A_235 = arith.constant 0 : i32
    %dma_wait3A_236 = arith.constant 0 : i32
    %dma_wait3A_237 = tpu.memref_slice %arg2[%dma_wait3A_235, %dma_wait3A_236] : memref<625x64xf32, #tpu.memory_space<hbm>> -> memref<625x64xf32, #tpu.memory_space<hbm>>
    tpu.wait_indirect_dma semaphore(%arg9 : memref<!tpu.dma_semaphore, #tpu.memory_space<semaphore_mem>>) src(%dma_wait3A_237 : memref<625x64xf32, #tpu.memory_space<hbm>>) dst(%arg7 : memref<80x64xf32, #tpu.memory_space<vmem>>)
    %add3A_238 = arith.constant 720 : i32
    %add3A_239 = arith.addi %mul3A_2, %add3A_238 : i32
    %dma_start3A_240 = arith.constant 0 : i32
    %dma_start3A_241 = tpu.memref_slice %arg4[%add3A_239, %dma_start3A_240] : memref<51200x64xf32, #tpu.memory_space<hbm>> -> memref<80x64xf32, #tpu.memory_space<hbm>>
    %dma_start3A_242 = arith.constant 0 : i32
    %dma_start3A_243 = tpu.memref_slice %arg4[%add3A_239, %dma_start3A_242] : memref<51200x64xf32, #tpu.memory_space<hbm>> -> memref<80x64xf32, #tpu.memory_space<hbm>>
    tpu.enqueue_dma source(%arg7 : memref<80x64xf32, #tpu.memory_space<vmem>>) target(%dma_start3A_243 : memref<80x64xf32, #tpu.memory_space<hbm>>) target_semaphore(%arg11 : memref<!tpu.dma_semaphore, #tpu.memory_space<semaphore_mem>>)
    %dma_wait3A_244 = arith.constant 0 : i32
    %dma_wait3A_245 = tpu.memref_slice %arg4[%add3A_239, %dma_wait3A_244] : memref<51200x64xf32, #tpu.memory_space<hbm>> -> memref<80x64xf32, #tpu.memory_space<hbm>>
    %dma_wait3A_246 = arith.constant 0 : i32
    %dma_wait3A_247 = tpu.memref_slice %arg4[%add3A_239, %dma_wait3A_246] : memref<51200x64xf32, #tpu.memory_space<hbm>> -> memref<80x64xf32, #tpu.memory_space<hbm>>
    tpu.wait_dma2 semaphore(%arg11 : memref<!tpu.dma_semaphore, #tpu.memory_space<semaphore_mem>>) src(%arg7 : memref<80x64xf32, #tpu.memory_space<vmem>>) dst(%dma_wait3A_247 : memref<80x64xf32, #tpu.memory_space<hbm>>)
    %dma_start3A_248 = arith.constant 11 : i32
    %dma_start3A_249 = arith.constant 0 : i32
    %dma_start3A_250 = tpu.memref_slice %arg5[%dma_start3A_248, %dma_start3A_249] : memref<20x80xi32, #tpu.memory_space<vmem>> -> memref<1x80xi32, #tpu.memory_space<vmem>>
    %dma_start3A_251 = tpu.memref_squeeze %dma_start3A_250 : memref<1x80xi32, #tpu.memory_space<vmem>> -> memref<80xi32, #tpu.memory_space<vmem>>
    %dma_start3A_252 = arith.constant 0 : i32
    %dma_start3A_253 = arith.constant 0 : i32
    %dma_start3A_254 = tpu.memref_slice %arg2[%dma_start3A_252, %dma_start3A_253] : memref<625x64xf32, #tpu.memory_space<hbm>> -> memref<625x64xf32, #tpu.memory_space<hbm>>
    tpu.enqueue_indirect_dma source(%dma_start3A_254 : memref<625x64xf32, #tpu.memory_space<hbm>>) target(%arg7 : memref<80x64xf32, #tpu.memory_space<vmem>>) offsets(%dma_start3A_251 : memref<80xi32, #tpu.memory_space<vmem>>) semaphore(%arg9 : memref<!tpu.dma_semaphore, #tpu.memory_space<semaphore_mem>>)
    %dma_wait3A_255 = arith.constant 10 : i32
    %dma_wait3A_256 = arith.constant 0 : i32
    %dma_wait3A_257 = tpu.memref_slice %arg5[%dma_wait3A_255, %dma_wait3A_256] : memref<20x80xi32, #tpu.memory_space<vmem>> -> memref<1x80xi32, #tpu.memory_space<vmem>>
    %dma_wait3A_258 = tpu.memref_squeeze %dma_wait3A_257 : memref<1x80xi32, #tpu.memory_space<vmem>> -> memref<80xi32, #tpu.memory_space<vmem>>
    %dma_wait3A_259 = arith.constant 0 : i32
    %dma_wait3A_260 = arith.constant 0 : i32
    %dma_wait3A_261 = tpu.memref_slice %arg2[%dma_wait3A_259, %dma_wait3A_260] : memref<625x64xf32, #tpu.memory_space<hbm>> -> memref<625x64xf32, #tpu.memory_space<hbm>>
    tpu.wait_indirect_dma semaphore(%arg8 : memref<!tpu.dma_semaphore, #tpu.memory_space<semaphore_mem>>) src(%dma_wait3A_261 : memref<625x64xf32, #tpu.memory_space<hbm>>) dst(%arg6 : memref<80x64xf32, #tpu.memory_space<vmem>>)
    %add3A_262 = arith.constant 800 : i32
    %add3A_263 = arith.addi %mul3A_2, %add3A_262 : i32
    %dma_start3A_264 = arith.constant 0 : i32
    %dma_start3A_265 = tpu.memref_slice %arg4[%add3A_263, %dma_start3A_264] : memref<51200x64xf32, #tpu.memory_space<hbm>> -> memref<80x64xf32, #tpu.memory_space<hbm>>
    %dma_start3A_266 = arith.constant 0 : i32
    %dma_start3A_267 = tpu.memref_slice %arg4[%add3A_263, %dma_start3A_266] : memref<51200x64xf32, #tpu.memory_space<hbm>> -> memref<80x64xf32, #tpu.memory_space<hbm>>
    tpu.enqueue_dma source(%arg6 : memref<80x64xf32, #tpu.memory_space<vmem>>) target(%dma_start3A_267 : memref<80x64xf32, #tpu.memory_space<hbm>>) target_semaphore(%arg10 : memref<!tpu.dma_semaphore, #tpu.memory_space<semaphore_mem>>)
    %dma_wait3A_268 = arith.constant 0 : i32
    %dma_wait3A_269 = tpu.memref_slice %arg4[%add3A_263, %dma_wait3A_268] : memref<51200x64xf32, #tpu.memory_space<hbm>> -> memref<80x64xf32, #tpu.memory_space<hbm>>
    %dma_wait3A_270 = arith.constant 0 : i32
    %dma_wait3A_271 = tpu.memref_slice %arg4[%add3A_263, %dma_wait3A_270] : memref<51200x64xf32, #tpu.memory_space<hbm>> -> memref<80x64xf32, #tpu.memory_space<hbm>>
    tpu.wait_dma2 semaphore(%arg10 : memref<!tpu.dma_semaphore, #tpu.memory_space<semaphore_mem>>) src(%arg6 : memref<80x64xf32, #tpu.memory_space<vmem>>) dst(%dma_wait3A_271 : memref<80x64xf32, #tpu.memory_space<hbm>>)
    %dma_start3A_272 = arith.constant 12 : i32
    %dma_start3A_273 = arith.constant 0 : i32
    %dma_start3A_274 = tpu.memref_slice %arg5[%dma_start3A_272, %dma_start3A_273] : memref<20x80xi32, #tpu.memory_space<vmem>> -> memref<1x80xi32, #tpu.memory_space<vmem>>
    %dma_start3A_275 = tpu.memref_squeeze %dma_start3A_274 : memref<1x80xi32, #tpu.memory_space<vmem>> -> memref<80xi32, #tpu.memory_space<vmem>>
    %dma_start3A_276 = arith.constant 0 : i32
    %dma_start3A_277 = arith.constant 0 : i32
    %dma_start3A_278 = tpu.memref_slice %arg2[%dma_start3A_276, %dma_start3A_277] : memref<625x64xf32, #tpu.memory_space<hbm>> -> memref<625x64xf32, #tpu.memory_space<hbm>>
    tpu.enqueue_indirect_dma source(%dma_start3A_278 : memref<625x64xf32, #tpu.memory_space<hbm>>) target(%arg6 : memref<80x64xf32, #tpu.memory_space<vmem>>) offsets(%dma_start3A_275 : memref<80xi32, #tpu.memory_space<vmem>>) semaphore(%arg8 : memref<!tpu.dma_semaphore, #tpu.memory_space<semaphore_mem>>)
    %dma_wait3A_279 = arith.constant 11 : i32
    %dma_wait3A_280 = arith.constant 0 : i32
    %dma_wait3A_281 = tpu.memref_slice %arg5[%dma_wait3A_279, %dma_wait3A_280] : memref<20x80xi32, #tpu.memory_space<vmem>> -> memref<1x80xi32, #tpu.memory_space<vmem>>
    %dma_wait3A_282 = tpu.memref_squeeze %dma_wait3A_281 : memref<1x80xi32, #tpu.memory_space<vmem>> -> memref<80xi32, #tpu.memory_space<vmem>>
    %dma_wait3A_283 = arith.constant 0 : i32
    %dma_wait3A_284 = arith.constant 0 : i32
    %dma_wait3A_285 = tpu.memref_slice %arg2[%dma_wait3A_283, %dma_wait3A_284] : memref<625x64xf32, #tpu.memory_space<hbm>> -> memref<625x64xf32, #tpu.memory_space<hbm>>
    tpu.wait_indirect_dma semaphore(%arg9 : memref<!tpu.dma_semaphore, #tpu.memory_space<semaphore_mem>>) src(%dma_wait3A_285 : memref<625x64xf32, #tpu.memory_space<hbm>>) dst(%arg7 : memref<80x64xf32, #tpu.memory_space<vmem>>)
    %add3A_286 = arith.constant 880 : i32
    %add3A_287 = arith.addi %mul3A_2, %add3A_286 : i32
    %dma_start3A_288 = arith.constant 0 : i32
    %dma_start3A_289 = tpu.memref_slice %arg4[%add3A_287, %dma_start3A_288] : memref<51200x64xf32, #tpu.memory_space<hbm>> -> memref<80x64xf32, #tpu.memory_space<hbm>>
    %dma_start3A_290 = arith.constant 0 : i32
    %dma_start3A_291 = tpu.memref_slice %arg4[%add3A_287, %dma_start3A_290] : memref<51200x64xf32, #tpu.memory_space<hbm>> -> memref<80x64xf32, #tpu.memory_space<hbm>>
    tpu.enqueue_dma source(%arg7 : memref<80x64xf32, #tpu.memory_space<vmem>>) target(%dma_start3A_291 : memref<80x64xf32, #tpu.memory_space<hbm>>) target_semaphore(%arg11 : memref<!tpu.dma_semaphore, #tpu.memory_space<semaphore_mem>>)
    %dma_wait3A_292 = arith.constant 0 : i32
    %dma_wait3A_293 = tpu.memref_slice %arg4[%add3A_287, %dma_wait3A_292] : memref<51200x64xf32, #tpu.memory_space<hbm>> -> memref<80x64xf32, #tpu.memory_space<hbm>>
    %dma_wait3A_294 = arith.constant 0 : i32
    %dma_wait3A_295 = tpu.memref_slice %arg4[%add3A_287, %dma_wait3A_294] : memref<51200x64xf32, #tpu.memory_space<hbm>> -> memref<80x64xf32, #tpu.memory_space<hbm>>
    tpu.wait_dma2 semaphore(%arg11 : memref<!tpu.dma_semaphore, #tpu.memory_space<semaphore_mem>>) src(%arg7 : memref<80x64xf32, #tpu.memory_space<vmem>>) dst(%dma_wait3A_295 : memref<80x64xf32, #tpu.memory_space<hbm>>)
    %dma_start3A_296 = arith.constant 13 : i32
    %dma_start3A_297 = arith.constant 0 : i32
    %dma_start3A_298 = tpu.memref_slice %arg5[%dma_start3A_296, %dma_start3A_297] : memref<20x80xi32, #tpu.memory_space<vmem>> -> memref<1x80xi32, #tpu.memory_space<vmem>>
    %dma_start3A_299 = tpu.memref_squeeze %dma_start3A_298 : memref<1x80xi32, #tpu.memory_space<vmem>> -> memref<80xi32, #tpu.memory_space<vmem>>
    %dma_start3A_300 = arith.constant 0 : i32
    %dma_start3A_301 = arith.constant 0 : i32
    %dma_start3A_302 = tpu.memref_slice %arg2[%dma_start3A_300, %dma_start3A_301] : memref<625x64xf32, #tpu.memory_space<hbm>> -> memref<625x64xf32, #tpu.memory_space<hbm>>
    tpu.enqueue_indirect_dma source(%dma_start3A_302 : memref<625x64xf32, #tpu.memory_space<hbm>>) target(%arg7 : memref<80x64xf32, #tpu.memory_space<vmem>>) offsets(%dma_start3A_299 : memref<80xi32, #tpu.memory_space<vmem>>) semaphore(%arg9 : memref<!tpu.dma_semaphore, #tpu.memory_space<semaphore_mem>>)
    %dma_wait3A_303 = arith.constant 12 : i32
    %dma_wait3A_304 = arith.constant 0 : i32
    %dma_wait3A_305 = tpu.memref_slice %arg5[%dma_wait3A_303, %dma_wait3A_304] : memref<20x80xi32, #tpu.memory_space<vmem>> -> memref<1x80xi32, #tpu.memory_space<vmem>>
    %dma_wait3A_306 = tpu.memref_squeeze %dma_wait3A_305 : memref<1x80xi32, #tpu.memory_space<vmem>> -> memref<80xi32, #tpu.memory_space<vmem>>
    %dma_wait3A_307 = arith.constant 0 : i32
    %dma_wait3A_308 = arith.constant 0 : i32
    %dma_wait3A_309 = tpu.memref_slice %arg2[%dma_wait3A_307, %dma_wait3A_308] : memref<625x64xf32, #tpu.memory_space<hbm>> -> memref<625x64xf32, #tpu.memory_space<hbm>>
    tpu.wait_indirect_dma semaphore(%arg8 : memref<!tpu.dma_semaphore, #tpu.memory_space<semaphore_mem>>) src(%dma_wait3A_309 : memref<625x64xf32, #tpu.memory_space<hbm>>) dst(%arg6 : memref<80x64xf32, #tpu.memory_space<vmem>>)
    %add3A_310 = arith.constant 960 : i32
    %add3A_311 = arith.addi %mul3A_2, %add3A_310 : i32
    %dma_start3A_312 = arith.constant 0 : i32
    %dma_start3A_313 = tpu.memref_slice %arg4[%add3A_311, %dma_start3A_312] : memref<51200x64xf32, #tpu.memory_space<hbm>> -> memref<80x64xf32, #tpu.memory_space<hbm>>
    %dma_start3A_314 = arith.constant 0 : i32
    %dma_start3A_315 = tpu.memref_slice %arg4[%add3A_311, %dma_start3A_314] : memref<51200x64xf32, #tpu.memory_space<hbm>> -> memref<80x64xf32, #tpu.memory_space<hbm>>
    tpu.enqueue_dma source(%arg6 : memref<80x64xf32, #tpu.memory_space<vmem>>) target(%dma_start3A_315 : memref<80x64xf32, #tpu.memory_space<hbm>>) target_semaphore(%arg10 : memref<!tpu.dma_semaphore, #tpu.memory_space<semaphore_mem>>)
    %dma_wait3A_316 = arith.constant 0 : i32
    %dma_wait3A_317 = tpu.memref_slice %arg4[%add3A_311, %dma_wait3A_316] : memref<51200x64xf32, #tpu.memory_space<hbm>> -> memref<80x64xf32, #tpu.memory_space<hbm>>
    %dma_wait3A_318 = arith.constant 0 : i32
    %dma_wait3A_319 = tpu.memref_slice %arg4[%add3A_311, %dma_wait3A_318] : memref<51200x64xf32, #tpu.memory_space<hbm>> -> memref<80x64xf32, #tpu.memory_space<hbm>>
    tpu.wait_dma2 semaphore(%arg10 : memref<!tpu.dma_semaphore, #tpu.memory_space<semaphore_mem>>) src(%arg6 : memref<80x64xf32, #tpu.memory_space<vmem>>) dst(%dma_wait3A_319 : memref<80x64xf32, #tpu.memory_space<hbm>>)
    %dma_start3A_320 = arith.constant 14 : i32
    %dma_start3A_321 = arith.constant 0 : i32
    %dma_start3A_322 = tpu.memref_slice %arg5[%dma_start3A_320, %dma_start3A_321] : memref<20x80xi32, #tpu.memory_space<vmem>> -> memref<1x80xi32, #tpu.memory_space<vmem>>
    %dma_start3A_323 = tpu.memref_squeeze %dma_start3A_322 : memref<1x80xi32, #tpu.memory_space<vmem>> -> memref<80xi32, #tpu.memory_space<vmem>>
    %dma_start3A_324 = arith.constant 0 : i32
    %dma_start3A_325 = arith.constant 0 : i32
    %dma_start3A_326 = tpu.memref_slice %arg2[%dma_start3A_324, %dma_start3A_325] : memref<625x64xf32, #tpu.memory_space<hbm>> -> memref<625x64xf32, #tpu.memory_space<hbm>>
    tpu.enqueue_indirect_dma source(%dma_start3A_326 : memref<625x64xf32, #tpu.memory_space<hbm>>) target(%arg6 : memref<80x64xf32, #tpu.memory_space<vmem>>) offsets(%dma_start3A_323 : memref<80xi32, #tpu.memory_space<vmem>>) semaphore(%arg8 : memref<!tpu.dma_semaphore, #tpu.memory_space<semaphore_mem>>)
    %dma_wait3A_327 = arith.constant 13 : i32
    %dma_wait3A_328 = arith.constant 0 : i32
    %dma_wait3A_329 = tpu.memref_slice %arg5[%dma_wait3A_327, %dma_wait3A_328] : memref<20x80xi32, #tpu.memory_space<vmem>> -> memref<1x80xi32, #tpu.memory_space<vmem>>
    %dma_wait3A_330 = tpu.memref_squeeze %dma_wait3A_329 : memref<1x80xi32, #tpu.memory_space<vmem>> -> memref<80xi32, #tpu.memory_space<vmem>>
    %dma_wait3A_331 = arith.constant 0 : i32
    %dma_wait3A_332 = arith.constant 0 : i32
    %dma_wait3A_333 = tpu.memref_slice %arg2[%dma_wait3A_331, %dma_wait3A_332] : memref<625x64xf32, #tpu.memory_space<hbm>> -> memref<625x64xf32, #tpu.memory_space<hbm>>
    tpu.wait_indirect_dma semaphore(%arg9 : memref<!tpu.dma_semaphore, #tpu.memory_space<semaphore_mem>>) src(%dma_wait3A_333 : memref<625x64xf32, #tpu.memory_space<hbm>>) dst(%arg7 : memref<80x64xf32, #tpu.memory_space<vmem>>)
    %add3A_334 = arith.constant 1040 : i32
    %add3A_335 = arith.addi %mul3A_2, %add3A_334 : i32
    %dma_start3A_336 = arith.constant 0 : i32
    %dma_start3A_337 = tpu.memref_slice %arg4[%add3A_335, %dma_start3A_336] : memref<51200x64xf32, #tpu.memory_space<hbm>> -> memref<80x64xf32, #tpu.memory_space<hbm>>
    %dma_start3A_338 = arith.constant 0 : i32
    %dma_start3A_339 = tpu.memref_slice %arg4[%add3A_335, %dma_start3A_338] : memref<51200x64xf32, #tpu.memory_space<hbm>> -> memref<80x64xf32, #tpu.memory_space<hbm>>
    tpu.enqueue_dma source(%arg7 : memref<80x64xf32, #tpu.memory_space<vmem>>) target(%dma_start3A_339 : memref<80x64xf32, #tpu.memory_space<hbm>>) target_semaphore(%arg11 : memref<!tpu.dma_semaphore, #tpu.memory_space<semaphore_mem>>)
    %dma_wait3A_340 = arith.constant 0 : i32
    %dma_wait3A_341 = tpu.memref_slice %arg4[%add3A_335, %dma_wait3A_340] : memref<51200x64xf32, #tpu.memory_space<hbm>> -> memref<80x64xf32, #tpu.memory_space<hbm>>
    %dma_wait3A_342 = arith.constant 0 : i32
    %dma_wait3A_343 = tpu.memref_slice %arg4[%add3A_335, %dma_wait3A_342] : memref<51200x64xf32, #tpu.memory_space<hbm>> -> memref<80x64xf32, #tpu.memory_space<hbm>>
    tpu.wait_dma2 semaphore(%arg11 : memref<!tpu.dma_semaphore, #tpu.memory_space<semaphore_mem>>) src(%arg7 : memref<80x64xf32, #tpu.memory_space<vmem>>) dst(%dma_wait3A_343 : memref<80x64xf32, #tpu.memory_space<hbm>>)
    %dma_start3A_344 = arith.constant 15 : i32
    %dma_start3A_345 = arith.constant 0 : i32
    %dma_start3A_346 = tpu.memref_slice %arg5[%dma_start3A_344, %dma_start3A_345] : memref<20x80xi32, #tpu.memory_space<vmem>> -> memref<1x80xi32, #tpu.memory_space<vmem>>
    %dma_start3A_347 = tpu.memref_squeeze %dma_start3A_346 : memref<1x80xi32, #tpu.memory_space<vmem>> -> memref<80xi32, #tpu.memory_space<vmem>>
    %dma_start3A_348 = arith.constant 0 : i32
    %dma_start3A_349 = arith.constant 0 : i32
    %dma_start3A_350 = tpu.memref_slice %arg2[%dma_start3A_348, %dma_start3A_349] : memref<625x64xf32, #tpu.memory_space<hbm>> -> memref<625x64xf32, #tpu.memory_space<hbm>>
    tpu.enqueue_indirect_dma source(%dma_start3A_350 : memref<625x64xf32, #tpu.memory_space<hbm>>) target(%arg7 : memref<80x64xf32, #tpu.memory_space<vmem>>) offsets(%dma_start3A_347 : memref<80xi32, #tpu.memory_space<vmem>>) semaphore(%arg9 : memref<!tpu.dma_semaphore, #tpu.memory_space<semaphore_mem>>)
    %dma_wait3A_351 = arith.constant 14 : i32
    %dma_wait3A_352 = arith.constant 0 : i32
    %dma_wait3A_353 = tpu.memref_slice %arg5[%dma_wait3A_351, %dma_wait3A_352] : memref<20x80xi32, #tpu.memory_space<vmem>> -> memref<1x80xi32, #tpu.memory_space<vmem>>
    %dma_wait3A_354 = tpu.memref_squeeze %dma_wait3A_353 : memref<1x80xi32, #tpu.memory_space<vmem>> -> memref<80xi32, #tpu.memory_space<vmem>>
    %dma_wait3A_355 = arith.constant 0 : i32
    %dma_wait3A_356 = arith.constant 0 : i32
    %dma_wait3A_357 = tpu.memref_slice %arg2[%dma_wait3A_355, %dma_wait3A_356] : memref<625x64xf32, #tpu.memory_space<hbm>> -> memref<625x64xf32, #tpu.memory_space<hbm>>
    tpu.wait_indirect_dma semaphore(%arg8 : memref<!tpu.dma_semaphore, #tpu.memory_space<semaphore_mem>>) src(%dma_wait3A_357 : memref<625x64xf32, #tpu.memory_space<hbm>>) dst(%arg6 : memref<80x64xf32, #tpu.memory_space<vmem>>)
    %add3A_358 = arith.constant 1120 : i32
    %add3A_359 = arith.addi %mul3A_2, %add3A_358 : i32
    %dma_start3A_360 = arith.constant 0 : i32
    %dma_start3A_361 = tpu.memref_slice %arg4[%add3A_359, %dma_start3A_360] : memref<51200x64xf32, #tpu.memory_space<hbm>> -> memref<80x64xf32, #tpu.memory_space<hbm>>
    %dma_start3A_362 = arith.constant 0 : i32
    %dma_start3A_363 = tpu.memref_slice %arg4[%add3A_359, %dma_start3A_362] : memref<51200x64xf32, #tpu.memory_space<hbm>> -> memref<80x64xf32, #tpu.memory_space<hbm>>
    tpu.enqueue_dma source(%arg6 : memref<80x64xf32, #tpu.memory_space<vmem>>) target(%dma_start3A_363 : memref<80x64xf32, #tpu.memory_space<hbm>>) target_semaphore(%arg10 : memref<!tpu.dma_semaphore, #tpu.memory_space<semaphore_mem>>)
    %dma_wait3A_364 = arith.constant 0 : i32
    %dma_wait3A_365 = tpu.memref_slice %arg4[%add3A_359, %dma_wait3A_364] : memref<51200x64xf32, #tpu.memory_space<hbm>> -> memref<80x64xf32, #tpu.memory_space<hbm>>
    %dma_wait3A_366 = arith.constant 0 : i32
    %dma_wait3A_367 = tpu.memref_slice %arg4[%add3A_359, %dma_wait3A_366] : memref<51200x64xf32, #tpu.memory_space<hbm>> -> memref<80x64xf32, #tpu.memory_space<hbm>>
    tpu.wait_dma2 semaphore(%arg10 : memref<!tpu.dma_semaphore, #tpu.memory_space<semaphore_mem>>) src(%arg6 : memref<80x64xf32, #tpu.memory_space<vmem>>) dst(%dma_wait3A_367 : memref<80x64xf32, #tpu.memory_space<hbm>>)
    %dma_start3A_368 = arith.constant 16 : i32
    %dma_start3A_369 = arith.constant 0 : i32
    %dma_start3A_370 = tpu.memref_slice %arg5[%dma_start3A_368, %dma_start3A_369] : memref<20x80xi32, #tpu.memory_space<vmem>> -> memref<1x80xi32, #tpu.memory_space<vmem>>
    %dma_start3A_371 = tpu.memref_squeeze %dma_start3A_370 : memref<1x80xi32, #tpu.memory_space<vmem>> -> memref<80xi32, #tpu.memory_space<vmem>>
    %dma_start3A_372 = arith.constant 0 : i32
    %dma_start3A_373 = arith.constant 0 : i32
    %dma_start3A_374 = tpu.memref_slice %arg2[%dma_start3A_372, %dma_start3A_373] : memref<625x64xf32, #tpu.memory_space<hbm>> -> memref<625x64xf32, #tpu.memory_space<hbm>>
    tpu.enqueue_indirect_dma source(%dma_start3A_374 : memref<625x64xf32, #tpu.memory_space<hbm>>) target(%arg6 : memref<80x64xf32, #tpu.memory_space<vmem>>) offsets(%dma_start3A_371 : memref<80xi32, #tpu.memory_space<vmem>>) semaphore(%arg8 : memref<!tpu.dma_semaphore, #tpu.memory_space<semaphore_mem>>)
    %dma_wait3A_375 = arith.constant 15 : i32
    %dma_wait3A_376 = arith.constant 0 : i32
    %dma_wait3A_377 = tpu.memref_slice %arg5[%dma_wait3A_375, %dma_wait3A_376] : memref<20x80xi32, #tpu.memory_space<vmem>> -> memref<1x80xi32, #tpu.memory_space<vmem>>
    %dma_wait3A_378 = tpu.memref_squeeze %dma_wait3A_377 : memref<1x80xi32, #tpu.memory_space<vmem>> -> memref<80xi32, #tpu.memory_space<vmem>>
    %dma_wait3A_379 = arith.constant 0 : i32
    %dma_wait3A_380 = arith.constant 0 : i32
    %dma_wait3A_381 = tpu.memref_slice %arg2[%dma_wait3A_379, %dma_wait3A_380] : memref<625x64xf32, #tpu.memory_space<hbm>> -> memref<625x64xf32, #tpu.memory_space<hbm>>
    tpu.wait_indirect_dma semaphore(%arg9 : memref<!tpu.dma_semaphore, #tpu.memory_space<semaphore_mem>>) src(%dma_wait3A_381 : memref<625x64xf32, #tpu.memory_space<hbm>>) dst(%arg7 : memref<80x64xf32, #tpu.memory_space<vmem>>)
    %add3A_382 = arith.constant 1200 : i32
    %add3A_383 = arith.addi %mul3A_2, %add3A_382 : i32
    %dma_start3A_384 = arith.constant 0 : i32
    %dma_start3A_385 = tpu.memref_slice %arg4[%add3A_383, %dma_start3A_384] : memref<51200x64xf32, #tpu.memory_space<hbm>> -> memref<80x64xf32, #tpu.memory_space<hbm>>
    %dma_start3A_386 = arith.constant 0 : i32
    %dma_start3A_387 = tpu.memref_slice %arg4[%add3A_383, %dma_start3A_386] : memref<51200x64xf32, #tpu.memory_space<hbm>> -> memref<80x64xf32, #tpu.memory_space<hbm>>
    tpu.enqueue_dma source(%arg7 : memref<80x64xf32, #tpu.memory_space<vmem>>) target(%dma_start3A_387 : memref<80x64xf32, #tpu.memory_space<hbm>>) target_semaphore(%arg11 : memref<!tpu.dma_semaphore, #tpu.memory_space<semaphore_mem>>)
    %dma_wait3A_388 = arith.constant 0 : i32
    %dma_wait3A_389 = tpu.memref_slice %arg4[%add3A_383, %dma_wait3A_388] : memref<51200x64xf32, #tpu.memory_space<hbm>> -> memref<80x64xf32, #tpu.memory_space<hbm>>
    %dma_wait3A_390 = arith.constant 0 : i32
    %dma_wait3A_391 = tpu.memref_slice %arg4[%add3A_383, %dma_wait3A_390] : memref<51200x64xf32, #tpu.memory_space<hbm>> -> memref<80x64xf32, #tpu.memory_space<hbm>>
    tpu.wait_dma2 semaphore(%arg11 : memref<!tpu.dma_semaphore, #tpu.memory_space<semaphore_mem>>) src(%arg7 : memref<80x64xf32, #tpu.memory_space<vmem>>) dst(%dma_wait3A_391 : memref<80x64xf32, #tpu.memory_space<hbm>>)
    %dma_start3A_392 = arith.constant 17 : i32
    %dma_start3A_393 = arith.constant 0 : i32
    %dma_start3A_394 = tpu.memref_slice %arg5[%dma_start3A_392, %dma_start3A_393] : memref<20x80xi32, #tpu.memory_space<vmem>> -> memref<1x80xi32, #tpu.memory_space<vmem>>
    %dma_start3A_395 = tpu.memref_squeeze %dma_start3A_394 : memref<1x80xi32, #tpu.memory_space<vmem>> -> memref<80xi32, #tpu.memory_space<vmem>>
    %dma_start3A_396 = arith.constant 0 : i32
    %dma_start3A_397 = arith.constant 0 : i32
    %dma_start3A_398 = tpu.memref_slice %arg2[%dma_start3A_396, %dma_start3A_397] : memref<625x64xf32, #tpu.memory_space<hbm>> -> memref<625x64xf32, #tpu.memory_space<hbm>>
    tpu.enqueue_indirect_dma source(%dma_start3A_398 : memref<625x64xf32, #tpu.memory_space<hbm>>) target(%arg7 : memref<80x64xf32, #tpu.memory_space<vmem>>) offsets(%dma_start3A_395 : memref<80xi32, #tpu.memory_space<vmem>>) semaphore(%arg9 : memref<!tpu.dma_semaphore, #tpu.memory_space<semaphore_mem>>)
    %dma_wait3A_399 = arith.constant 16 : i32
    %dma_wait3A_400 = arith.constant 0 : i32
    %dma_wait3A_401 = tpu.memref_slice %arg5[%dma_wait3A_399, %dma_wait3A_400] : memref<20x80xi32, #tpu.memory_space<vmem>> -> memref<1x80xi32, #tpu.memory_space<vmem>>
    %dma_wait3A_402 = tpu.memref_squeeze %dma_wait3A_401 : memref<1x80xi32, #tpu.memory_space<vmem>> -> memref<80xi32, #tpu.memory_space<vmem>>
    %dma_wait3A_403 = arith.constant 0 : i32
    %dma_wait3A_404 = arith.constant 0 : i32
    %dma_wait3A_405 = tpu.memref_slice %arg2[%dma_wait3A_403, %dma_wait3A_404] : memref<625x64xf32, #tpu.memory_space<hbm>> -> memref<625x64xf32, #tpu.memory_space<hbm>>
    tpu.wait_indirect_dma semaphore(%arg8 : memref<!tpu.dma_semaphore, #tpu.memory_space<semaphore_mem>>) src(%dma_wait3A_405 : memref<625x64xf32, #tpu.memory_space<hbm>>) dst(%arg6 : memref<80x64xf32, #tpu.memory_space<vmem>>)
    %add3A_406 = arith.constant 1280 : i32
    %add3A_407 = arith.addi %mul3A_2, %add3A_406 : i32
    %dma_start3A_408 = arith.constant 0 : i32
    %dma_start3A_409 = tpu.memref_slice %arg4[%add3A_407, %dma_start3A_408] : memref<51200x64xf32, #tpu.memory_space<hbm>> -> memref<80x64xf32, #tpu.memory_space<hbm>>
    %dma_start3A_410 = arith.constant 0 : i32
    %dma_start3A_411 = tpu.memref_slice %arg4[%add3A_407, %dma_start3A_410] : memref<51200x64xf32, #tpu.memory_space<hbm>> -> memref<80x64xf32, #tpu.memory_space<hbm>>
    tpu.enqueue_dma source(%arg6 : memref<80x64xf32, #tpu.memory_space<vmem>>) target(%dma_start3A_411 : memref<80x64xf32, #tpu.memory_space<hbm>>) target_semaphore(%arg10 : memref<!tpu.dma_semaphore, #tpu.memory_space<semaphore_mem>>)
    %dma_wait3A_412 = arith.constant 0 : i32
    %dma_wait3A_413 = tpu.memref_slice %arg4[%add3A_407, %dma_wait3A_412] : memref<51200x64xf32, #tpu.memory_space<hbm>> -> memref<80x64xf32, #tpu.memory_space<hbm>>
    %dma_wait3A_414 = arith.constant 0 : i32
    %dma_wait3A_415 = tpu.memref_slice %arg4[%add3A_407, %dma_wait3A_414] : memref<51200x64xf32, #tpu.memory_space<hbm>> -> memref<80x64xf32, #tpu.memory_space<hbm>>
    tpu.wait_dma2 semaphore(%arg10 : memref<!tpu.dma_semaphore, #tpu.memory_space<semaphore_mem>>) src(%arg6 : memref<80x64xf32, #tpu.memory_space<vmem>>) dst(%dma_wait3A_415 : memref<80x64xf32, #tpu.memory_space<hbm>>)
    %dma_start3A_416 = arith.constant 18 : i32
    %dma_start3A_417 = arith.constant 0 : i32
    %dma_start3A_418 = tpu.memref_slice %arg5[%dma_start3A_416, %dma_start3A_417] : memref<20x80xi32, #tpu.memory_space<vmem>> -> memref<1x80xi32, #tpu.memory_space<vmem>>
    %dma_start3A_419 = tpu.memref_squeeze %dma_start3A_418 : memref<1x80xi32, #tpu.memory_space<vmem>> -> memref<80xi32, #tpu.memory_space<vmem>>
    %dma_start3A_420 = arith.constant 0 : i32
    %dma_start3A_421 = arith.constant 0 : i32
    %dma_start3A_422 = tpu.memref_slice %arg2[%dma_start3A_420, %dma_start3A_421] : memref<625x64xf32, #tpu.memory_space<hbm>> -> memref<625x64xf32, #tpu.memory_space<hbm>>
    tpu.enqueue_indirect_dma source(%dma_start3A_422 : memref<625x64xf32, #tpu.memory_space<hbm>>) target(%arg6 : memref<80x64xf32, #tpu.memory_space<vmem>>) offsets(%dma_start3A_419 : memref<80xi32, #tpu.memory_space<vmem>>) semaphore(%arg8 : memref<!tpu.dma_semaphore, #tpu.memory_space<semaphore_mem>>)
    %dma_wait3A_423 = arith.constant 17 : i32
    %dma_wait3A_424 = arith.constant 0 : i32
    %dma_wait3A_425 = tpu.memref_slice %arg5[%dma_wait3A_423, %dma_wait3A_424] : memref<20x80xi32, #tpu.memory_space<vmem>> -> memref<1x80xi32, #tpu.memory_space<vmem>>
    %dma_wait3A_426 = tpu.memref_squeeze %dma_wait3A_425 : memref<1x80xi32, #tpu.memory_space<vmem>> -> memref<80xi32, #tpu.memory_space<vmem>>
    %dma_wait3A_427 = arith.constant 0 : i32
    %dma_wait3A_428 = arith.constant 0 : i32
    %dma_wait3A_429 = tpu.memref_slice %arg2[%dma_wait3A_427, %dma_wait3A_428] : memref<625x64xf32, #tpu.memory_space<hbm>> -> memref<625x64xf32, #tpu.memory_space<hbm>>
    tpu.wait_indirect_dma semaphore(%arg9 : memref<!tpu.dma_semaphore, #tpu.memory_space<semaphore_mem>>) src(%dma_wait3A_429 : memref<625x64xf32, #tpu.memory_space<hbm>>) dst(%arg7 : memref<80x64xf32, #tpu.memory_space<vmem>>)
    %add3A_430 = arith.constant 1360 : i32
    %add3A_431 = arith.addi %mul3A_2, %add3A_430 : i32
    %dma_start3A_432 = arith.constant 0 : i32
    %dma_start3A_433 = tpu.memref_slice %arg4[%add3A_431, %dma_start3A_432] : memref<51200x64xf32, #tpu.memory_space<hbm>> -> memref<80x64xf32, #tpu.memory_space<hbm>>
    %dma_start3A_434 = arith.constant 0 : i32
    %dma_start3A_435 = tpu.memref_slice %arg4[%add3A_431, %dma_start3A_434] : memref<51200x64xf32, #tpu.memory_space<hbm>> -> memref<80x64xf32, #tpu.memory_space<hbm>>
    tpu.enqueue_dma source(%arg7 : memref<80x64xf32, #tpu.memory_space<vmem>>) target(%dma_start3A_435 : memref<80x64xf32, #tpu.memory_space<hbm>>) target_semaphore(%arg11 : memref<!tpu.dma_semaphore, #tpu.memory_space<semaphore_mem>>)
    %dma_wait3A_436 = arith.constant 0 : i32
    %dma_wait3A_437 = tpu.memref_slice %arg4[%add3A_431, %dma_wait3A_436] : memref<51200x64xf32, #tpu.memory_space<hbm>> -> memref<80x64xf32, #tpu.memory_space<hbm>>
    %dma_wait3A_438 = arith.constant 0 : i32
    %dma_wait3A_439 = tpu.memref_slice %arg4[%add3A_431, %dma_wait3A_438] : memref<51200x64xf32, #tpu.memory_space<hbm>> -> memref<80x64xf32, #tpu.memory_space<hbm>>
    tpu.wait_dma2 semaphore(%arg11 : memref<!tpu.dma_semaphore, #tpu.memory_space<semaphore_mem>>) src(%arg7 : memref<80x64xf32, #tpu.memory_space<vmem>>) dst(%dma_wait3A_439 : memref<80x64xf32, #tpu.memory_space<hbm>>)
    %dma_start3A_440 = arith.constant 19 : i32
    %dma_start3A_441 = arith.constant 0 : i32
    %dma_start3A_442 = tpu.memref_slice %arg5[%dma_start3A_440, %dma_start3A_441] : memref<20x80xi32, #tpu.memory_space<vmem>> -> memref<1x80xi32, #tpu.memory_space<vmem>>
    %dma_start3A_443 = tpu.memref_squeeze %dma_start3A_442 : memref<1x80xi32, #tpu.memory_space<vmem>> -> memref<80xi32, #tpu.memory_space<vmem>>
    %dma_start3A_444 = arith.constant 0 : i32
    %dma_start3A_445 = arith.constant 0 : i32
    %dma_start3A_446 = tpu.memref_slice %arg2[%dma_start3A_444, %dma_start3A_445] : memref<625x64xf32, #tpu.memory_space<hbm>> -> memref<625x64xf32, #tpu.memory_space<hbm>>
    tpu.enqueue_indirect_dma source(%dma_start3A_446 : memref<625x64xf32, #tpu.memory_space<hbm>>) target(%arg7 : memref<80x64xf32, #tpu.memory_space<vmem>>) offsets(%dma_start3A_443 : memref<80xi32, #tpu.memory_space<vmem>>) semaphore(%arg9 : memref<!tpu.dma_semaphore, #tpu.memory_space<semaphore_mem>>)
    %dma_wait3A_447 = arith.constant 18 : i32
    %dma_wait3A_448 = arith.constant 0 : i32
    %dma_wait3A_449 = tpu.memref_slice %arg5[%dma_wait3A_447, %dma_wait3A_448] : memref<20x80xi32, #tpu.memory_space<vmem>> -> memref<1x80xi32, #tpu.memory_space<vmem>>
    %dma_wait3A_450 = tpu.memref_squeeze %dma_wait3A_449 : memref<1x80xi32, #tpu.memory_space<vmem>> -> memref<80xi32, #tpu.memory_space<vmem>>
    %dma_wait3A_451 = arith.constant 0 : i32
    %dma_wait3A_452 = arith.constant 0 : i32
    %dma_wait3A_453 = tpu.memref_slice %arg2[%dma_wait3A_451, %dma_wait3A_452] : memref<625x64xf32, #tpu.memory_space<hbm>> -> memref<625x64xf32, #tpu.memory_space<hbm>>
    tpu.wait_indirect_dma semaphore(%arg8 : memref<!tpu.dma_semaphore, #tpu.memory_space<semaphore_mem>>) src(%dma_wait3A_453 : memref<625x64xf32, #tpu.memory_space<hbm>>) dst(%arg6 : memref<80x64xf32, #tpu.memory_space<vmem>>)
    %add3A_454 = arith.constant 1440 : i32
    %add3A_455 = arith.addi %mul3A_2, %add3A_454 : i32
    %dma_start3A_456 = arith.constant 0 : i32
    %dma_start3A_457 = tpu.memref_slice %arg4[%add3A_455, %dma_start3A_456] : memref<51200x64xf32, #tpu.memory_space<hbm>> -> memref<80x64xf32, #tpu.memory_space<hbm>>
    %dma_start3A_458 = arith.constant 0 : i32
    %dma_start3A_459 = tpu.memref_slice %arg4[%add3A_455, %dma_start3A_458] : memref<51200x64xf32, #tpu.memory_space<hbm>> -> memref<80x64xf32, #tpu.memory_space<hbm>>
    tpu.enqueue_dma source(%arg6 : memref<80x64xf32, #tpu.memory_space<vmem>>) target(%dma_start3A_459 : memref<80x64xf32, #tpu.memory_space<hbm>>) target_semaphore(%arg10 : memref<!tpu.dma_semaphore, #tpu.memory_space<semaphore_mem>>)
    %dma_wait3A_460 = arith.constant 19 : i32
    %dma_wait3A_461 = arith.constant 0 : i32
    %dma_wait3A_462 = tpu.memref_slice %arg5[%dma_wait3A_460, %dma_wait3A_461] : memref<20x80xi32, #tpu.memory_space<vmem>> -> memref<1x80xi32, #tpu.memory_space<vmem>>
    %dma_wait3A_463 = tpu.memref_squeeze %dma_wait3A_462 : memref<1x80xi32, #tpu.memory_space<vmem>> -> memref<80xi32, #tpu.memory_space<vmem>>
    %dma_wait3A_464 = arith.constant 0 : i32
    %dma_wait3A_465 = arith.constant 0 : i32
    %dma_wait3A_466 = tpu.memref_slice %arg2[%dma_wait3A_464, %dma_wait3A_465] : memref<625x64xf32, #tpu.memory_space<hbm>> -> memref<625x64xf32, #tpu.memory_space<hbm>>
    tpu.wait_indirect_dma semaphore(%arg9 : memref<!tpu.dma_semaphore, #tpu.memory_space<semaphore_mem>>) src(%dma_wait3A_466 : memref<625x64xf32, #tpu.memory_space<hbm>>) dst(%arg7 : memref<80x64xf32, #tpu.memory_space<vmem>>)
    %add3A_467 = arith.constant 1520 : i32
    %add3A_468 = arith.addi %mul3A_2, %add3A_467 : i32
    %dma_start3A_469 = arith.constant 0 : i32
    %dma_start3A_470 = tpu.memref_slice %arg4[%add3A_468, %dma_start3A_469] : memref<51200x64xf32, #tpu.memory_space<hbm>> -> memref<80x64xf32, #tpu.memory_space<hbm>>
    %dma_start3A_471 = arith.constant 0 : i32
    %dma_start3A_472 = tpu.memref_slice %arg4[%add3A_468, %dma_start3A_471] : memref<51200x64xf32, #tpu.memory_space<hbm>> -> memref<80x64xf32, #tpu.memory_space<hbm>>
    tpu.enqueue_dma source(%arg7 : memref<80x64xf32, #tpu.memory_space<vmem>>) target(%dma_start3A_472 : memref<80x64xf32, #tpu.memory_space<hbm>>) target_semaphore(%arg11 : memref<!tpu.dma_semaphore, #tpu.memory_space<semaphore_mem>>)
    %dma_wait3A_473 = arith.constant 0 : i32
    %dma_wait3A_474 = tpu.memref_slice %arg4[%add3A_455, %dma_wait3A_473] : memref<51200x64xf32, #tpu.memory_space<hbm>> -> memref<80x64xf32, #tpu.memory_space<hbm>>
    %dma_wait3A_475 = arith.constant 0 : i32
    %dma_wait3A_476 = tpu.memref_slice %arg4[%add3A_455, %dma_wait3A_475] : memref<51200x64xf32, #tpu.memory_space<hbm>> -> memref<80x64xf32, #tpu.memory_space<hbm>>
    tpu.wait_dma2 semaphore(%arg10 : memref<!tpu.dma_semaphore, #tpu.memory_space<semaphore_mem>>) src(%arg6 : memref<80x64xf32, #tpu.memory_space<vmem>>) dst(%dma_wait3A_476 : memref<80x64xf32, #tpu.memory_space<hbm>>)
    %dma_wait3A_477 = arith.constant 0 : i32
    %dma_wait3A_478 = tpu.memref_slice %arg4[%add3A_468, %dma_wait3A_477] : memref<51200x64xf32, #tpu.memory_space<hbm>> -> memref<80x64xf32, #tpu.memory_space<hbm>>
    %dma_wait3A_479 = arith.constant 0 : i32
    %dma_wait3A_480 = tpu.memref_slice %arg4[%add3A_468, %dma_wait3A_479] : memref<51200x64xf32, #tpu.memory_space<hbm>> -> memref<80x64xf32, #tpu.memory_space<hbm>>
    tpu.wait_dma2 semaphore(%arg11 : memref<!tpu.dma_semaphore, #tpu.memory_space<semaphore_mem>>) src(%arg7 : memref<80x64xf32, #tpu.memory_space<vmem>>) dst(%dma_wait3A_480 : memref<80x64xf32, #tpu.memory_space<hbm>>)
    return
  }
}

#map = affine_map<(d0, d1) -> (0, 0)>
#map1 = affine_map<(d0, d1) -> (0, 0, 0)>
module attributes {stable_mosaic.version = 14 : i64} {
  func.func @_sc_gather_body(%arg0: i32, %arg1: i32, %arg2: memref<625x64xf32, #tpu.memory_space<hbm>>, %arg3: memref<32x20x80xi32, #tpu.memory_space<hbm>>, %arg4: memref<51200x64xf32, #tpu.memory_space<hbm>>, %arg5: memref<20x80xi32, #tpu.memory_space<vmem>>, %arg6: memref<80x64xf32, #tpu.memory_space<vmem>>, %arg7: memref<80x64xf32, #tpu.memory_space<vmem>>, %arg8: memref<!tpu.dma_semaphore, #tpu.memory_space<semaphore_mem>>, %arg9: memref<!tpu.dma_semaphore, #tpu.memory_space<semaphore_mem>>, %arg10: memref<!tpu.dma_semaphore, #tpu.memory_space<semaphore_mem>>, %arg11: memref<!tpu.dma_semaphore, #tpu.memory_space<semaphore_mem>>) attributes {dimension_semantics = [#tpu.dimension_semantics<core_parallel>, #tpu.dimension_semantics<subcore_parallel>], iteration_bounds = array<i64: 2, 16>, scalar_prefetch = 0 : i64, scratch_operands = 7 : i64, tpu.core_type = #tpu.core_type<sc_vector_subcore>, window_params = [{transform_indices = #map}, {transform_indices = #map1}, {transform_indices = #map}]} {
    %mul3A = arith.constant 2 : i32
    %mul3A_0 = arith.muli %arg1, %mul3A : i32
    %add3A = arith.addi %mul3A_0, %arg0 : i32
    "tpu.region"() ({
      %run_scoped3A = tpu.sem_alloc : memref<!tpu.dma_semaphore, #tpu.memory_space<semaphore_mem>>
      %dma_start3A_481 = arith.constant 0 : i32
      %dma_start3A_482 = arith.constant 0 : i32
      %dma_start3A_483 = tpu.memref_slice %arg3[%add3A, %dma_start3A_481, %dma_start3A_482] : memref<32x20x80xi32, #tpu.memory_space<hbm>> -> memref<1x20x80xi32, #tpu.memory_space<hbm>>
      %dma_start3A_484 = tpu.memref_squeeze %dma_start3A_483 : memref<1x20x80xi32, #tpu.memory_space<hbm>> -> memref<20x80xi32, #tpu.memory_space<hbm>>
      %dma_start3A_485 = arith.constant 0 : i32
      %dma_start3A_486 = arith.constant 0 : i32
      %dma_start3A_487 = tpu.memref_slice %arg3[%add3A, %dma_start3A_485, %dma_start3A_486] : memref<32x20x80xi32, #tpu.memory_space<hbm>> -> memref<1x20x80xi32, #tpu.memory_space<hbm>>
      %dma_start3A_488 = tpu.memref_squeeze %dma_start3A_487 : memref<1x20x80xi32, #tpu.memory_space<hbm>> -> memref<20x80xi32, #tpu.memory_space<hbm>>
      tpu.enqueue_dma source(%dma_start3A_488 : memref<20x80xi32, #tpu.memory_space<hbm>>) target(%arg5 : memref<20x80xi32, #tpu.memory_space<vmem>>) target_semaphore(%run_scoped3A : memref<!tpu.dma_semaphore, #tpu.memory_space<semaphore_mem>>)
      %dma_wait3A_489 = arith.constant 0 : i32
      %dma_wait3A_490 = arith.constant 0 : i32
      %dma_wait3A_491 = tpu.memref_slice %arg3[%add3A, %dma_wait3A_489, %dma_wait3A_490] : memref<32x20x80xi32, #tpu.memory_space<hbm>> -> memref<1x20x80xi32, #tpu.memory_space<hbm>>
      %dma_wait3A_492 = tpu.memref_squeeze %dma_wait3A_491 : memref<1x20x80xi32, #tpu.memory_space<hbm>> -> memref<20x80xi32, #tpu.memory_space<hbm>>
      %dma_wait3A_493 = arith.constant 0 : i32
      %dma_wait3A_494 = arith.constant 0 : i32
      %dma_wait3A_495 = tpu.memref_slice %arg3[%add3A, %dma_wait3A_493, %dma_wait3A_494] : memref<32x20x80xi32, #tpu.memory_space<hbm>> -> memref<1x20x80xi32, #tpu.memory_space<hbm>>
      %dma_wait3A_496 = tpu.memref_squeeze %dma_wait3A_495 : memref<1x20x80xi32, #tpu.memory_space<hbm>> -> memref<20x80xi32, #tpu.memory_space<hbm>>
      tpu.wait_dma2 semaphore(%run_scoped3A : memref<!tpu.dma_semaphore, #tpu.memory_space<semaphore_mem>>) src(%dma_wait3A_496 : memref<20x80xi32, #tpu.memory_space<hbm>>) dst(%arg5 : memref<20x80xi32, #tpu.memory_space<vmem>>)
      tpu.yield
    }) : () -> ()
    %mul3A_1 = arith.constant 1600 : i32
    %mul3A_2 = arith.muli %add3A, %mul3A_1 : i32
    %dma_start3A = arith.constant 0 : i32
    %dma_start3A_3 = arith.constant 0 : i32
    %dma_start3A_4 = tpu.memref_slice %arg5[%dma_start3A, %dma_start3A_3] : memref<20x80xi32, #tpu.memory_space<vmem>> -> memref<1x80xi32, #tpu.memory_space<vmem>>
    %dma_start3A_5 = tpu.memref_squeeze %dma_start3A_4 : memref<1x80xi32, #tpu.memory_space<vmem>> -> memref<80xi32, #tpu.memory_space<vmem>>
    %dma_start3A_6 = arith.constant 0 : i32
    %dma_start3A_7 = arith.constant 0 : i32
    %dma_start3A_8 = tpu.memref_slice %arg2[%dma_start3A_6, %dma_start3A_7] : memref<625x64xf32, #tpu.memory_space<hbm>> -> memref<625x64xf32, #tpu.memory_space<hbm>>
    tpu.enqueue_indirect_dma source(%dma_start3A_8 : memref<625x64xf32, #tpu.memory_space<hbm>>) target(%arg6 : memref<80x64xf32, #tpu.memory_space<vmem>>) offsets(%dma_start3A_5 : memref<80xi32, #tpu.memory_space<vmem>>) semaphore(%arg8 : memref<!tpu.dma_semaphore, #tpu.memory_space<semaphore_mem>>)
    %dma_start3A_9 = arith.constant 1 : i32
    %dma_start3A_10 = arith.constant 0 : i32
    %dma_start3A_11 = tpu.memref_slice %arg5[%dma_start3A_9, %dma_start3A_10] : memref<20x80xi32, #tpu.memory_space<vmem>> -> memref<1x80xi32, #tpu.memory_space<vmem>>
    %dma_start3A_12 = tpu.memref_squeeze %dma_start3A_11 : memref<1x80xi32, #tpu.memory_space<vmem>> -> memref<80xi32, #tpu.memory_space<vmem>>
    %dma_start3A_13 = arith.constant 0 : i32
    %dma_start3A_14 = arith.constant 0 : i32
    %dma_start3A_15 = tpu.memref_slice %arg2[%dma_start3A_13, %dma_start3A_14] : memref<625x64xf32, #tpu.memory_space<hbm>> -> memref<625x64xf32, #tpu.memory_space<hbm>>
    tpu.enqueue_indirect_dma source(%dma_start3A_15 : memref<625x64xf32, #tpu.memory_space<hbm>>) target(%arg7 : memref<80x64xf32, #tpu.memory_space<vmem>>) offsets(%dma_start3A_12 : memref<80xi32, #tpu.memory_space<vmem>>) semaphore(%arg9 : memref<!tpu.dma_semaphore, #tpu.memory_space<semaphore_mem>>)
    %dma_wait3A = arith.constant 0 : i32
    %dma_wait3A_16 = arith.constant 0 : i32
    %dma_wait3A_17 = tpu.memref_slice %arg5[%dma_wait3A, %dma_wait3A_16] : memref<20x80xi32, #tpu.memory_space<vmem>> -> memref<1x80xi32, #tpu.memory_space<vmem>>
    %dma_wait3A_18 = tpu.memref_squeeze %dma_wait3A_17 : memref<1x80xi32, #tpu.memory_space<vmem>> -> memref<80xi32, #tpu.memory_space<vmem>>
    %dma_wait3A_19 = arith.constant 0 : i32
    %dma_wait3A_20 = arith.constant 0 : i32
    %dma_wait3A_21 = tpu.memref_slice %arg2[%dma_wait3A_19, %dma_wait3A_20] : memref<625x64xf32, #tpu.memory_space<hbm>> -> memref<625x64xf32, #tpu.memory_space<hbm>>
    tpu.wait_indirect_dma semaphore(%arg8 : memref<!tpu.dma_semaphore, #tpu.memory_space<semaphore_mem>>) src(%dma_wait3A_21 : memref<625x64xf32, #tpu.memory_space<hbm>>) dst(%arg6 : memref<80x64xf32, #tpu.memory_space<vmem>>)
    %add3A_22 = arith.constant 0 : i32
    %add3A_23 = arith.addi %mul3A_2, %add3A_22 : i32
    %dma_start3A_24 = arith.constant 0 : i32
    %dma_start3A_25 = tpu.memref_slice %arg4[%add3A_23, %dma_start3A_24] : memref<51200x64xf32, #tpu.memory_space<hbm>> -> memref<80x64xf32, #tpu.memory_space<hbm>>
    %dma_start3A_26 = arith.constant 0 : i32
    %dma_start3A_27 = tpu.memref_slice %arg4[%add3A_23, %dma_start3A_26] : memref<51200x64xf32, #tpu.memory_space<hbm>> -> memref<80x64xf32, #tpu.memory_space<hbm>>
    tpu.enqueue_dma source(%arg6 : memref<80x64xf32, #tpu.memory_space<vmem>>) target(%dma_start3A_27 : memref<80x64xf32, #tpu.memory_space<hbm>>) target_semaphore(%arg10 : memref<!tpu.dma_semaphore, #tpu.memory_space<semaphore_mem>>)
    %dma_wait3A_28 = arith.constant 0 : i32
    %dma_wait3A_29 = tpu.memref_slice %arg4[%add3A_23, %dma_wait3A_28] : memref<51200x64xf32, #tpu.memory_space<hbm>> -> memref<80x64xf32, #tpu.memory_space<hbm>>
    %dma_wait3A_30 = arith.constant 0 : i32
    %dma_wait3A_31 = tpu.memref_slice %arg4[%add3A_23, %dma_wait3A_30] : memref<51200x64xf32, #tpu.memory_space<hbm>> -> memref<80x64xf32, #tpu.memory_space<hbm>>
    tpu.wait_dma2 semaphore(%arg10 : memref<!tpu.dma_semaphore, #tpu.memory_space<semaphore_mem>>) src(%arg6 : memref<80x64xf32, #tpu.memory_space<vmem>>) dst(%dma_wait3A_31 : memref<80x64xf32, #tpu.memory_space<hbm>>)
    %dma_start3A_32 = arith.constant 2 : i32
    %dma_start3A_33 = arith.constant 0 : i32
    %dma_start3A_34 = tpu.memref_slice %arg5[%dma_start3A_32, %dma_start3A_33] : memref<20x80xi32, #tpu.memory_space<vmem>> -> memref<1x80xi32, #tpu.memory_space<vmem>>
    %dma_start3A_35 = tpu.memref_squeeze %dma_start3A_34 : memref<1x80xi32, #tpu.memory_space<vmem>> -> memref<80xi32, #tpu.memory_space<vmem>>
    %dma_start3A_36 = arith.constant 0 : i32
    %dma_start3A_37 = arith.constant 0 : i32
    %dma_start3A_38 = tpu.memref_slice %arg2[%dma_start3A_36, %dma_start3A_37] : memref<625x64xf32, #tpu.memory_space<hbm>> -> memref<625x64xf32, #tpu.memory_space<hbm>>
    tpu.enqueue_indirect_dma source(%dma_start3A_38 : memref<625x64xf32, #tpu.memory_space<hbm>>) target(%arg6 : memref<80x64xf32, #tpu.memory_space<vmem>>) offsets(%dma_start3A_35 : memref<80xi32, #tpu.memory_space<vmem>>) semaphore(%arg8 : memref<!tpu.dma_semaphore, #tpu.memory_space<semaphore_mem>>)
    %dma_wait3A_39 = arith.constant 1 : i32
    %dma_wait3A_40 = arith.constant 0 : i32
    %dma_wait3A_41 = tpu.memref_slice %arg5[%dma_wait3A_39, %dma_wait3A_40] : memref<20x80xi32, #tpu.memory_space<vmem>> -> memref<1x80xi32, #tpu.memory_space<vmem>>
    %dma_wait3A_42 = tpu.memref_squeeze %dma_wait3A_41 : memref<1x80xi32, #tpu.memory_space<vmem>> -> memref<80xi32, #tpu.memory_space<vmem>>
    %dma_wait3A_43 = arith.constant 0 : i32
    %dma_wait3A_44 = arith.constant 0 : i32
    %dma_wait3A_45 = tpu.memref_slice %arg2[%dma_wait3A_43, %dma_wait3A_44] : memref<625x64xf32, #tpu.memory_space<hbm>> -> memref<625x64xf32, #tpu.memory_space<hbm>>
    tpu.wait_indirect_dma semaphore(%arg9 : memref<!tpu.dma_semaphore, #tpu.memory_space<semaphore_mem>>) src(%dma_wait3A_45 : memref<625x64xf32, #tpu.memory_space<hbm>>) dst(%arg7 : memref<80x64xf32, #tpu.memory_space<vmem>>)
    %add3A_46 = arith.constant 80 : i32
    %add3A_47 = arith.addi %mul3A_2, %add3A_46 : i32
    %dma_start3A_48 = arith.constant 0 : i32
    %dma_start3A_49 = tpu.memref_slice %arg4[%add3A_47, %dma_start3A_48] : memref<51200x64xf32, #tpu.memory_space<hbm>> -> memref<80x64xf32, #tpu.memory_space<hbm>>
    %dma_start3A_50 = arith.constant 0 : i32
    %dma_start3A_51 = tpu.memref_slice %arg4[%add3A_47, %dma_start3A_50] : memref<51200x64xf32, #tpu.memory_space<hbm>> -> memref<80x64xf32, #tpu.memory_space<hbm>>
    tpu.enqueue_dma source(%arg7 : memref<80x64xf32, #tpu.memory_space<vmem>>) target(%dma_start3A_51 : memref<80x64xf32, #tpu.memory_space<hbm>>) target_semaphore(%arg11 : memref<!tpu.dma_semaphore, #tpu.memory_space<semaphore_mem>>)
    %dma_wait3A_52 = arith.constant 0 : i32
    %dma_wait3A_53 = tpu.memref_slice %arg4[%add3A_47, %dma_wait3A_52] : memref<51200x64xf32, #tpu.memory_space<hbm>> -> memref<80x64xf32, #tpu.memory_space<hbm>>
    %dma_wait3A_54 = arith.constant 0 : i32
    %dma_wait3A_55 = tpu.memref_slice %arg4[%add3A_47, %dma_wait3A_54] : memref<51200x64xf32, #tpu.memory_space<hbm>> -> memref<80x64xf32, #tpu.memory_space<hbm>>
    tpu.wait_dma2 semaphore(%arg11 : memref<!tpu.dma_semaphore, #tpu.memory_space<semaphore_mem>>) src(%arg7 : memref<80x64xf32, #tpu.memory_space<vmem>>) dst(%dma_wait3A_55 : memref<80x64xf32, #tpu.memory_space<hbm>>)
    %dma_start3A_56 = arith.constant 3 : i32
    %dma_start3A_57 = arith.constant 0 : i32
    %dma_start3A_58 = tpu.memref_slice %arg5[%dma_start3A_56, %dma_start3A_57] : memref<20x80xi32, #tpu.memory_space<vmem>> -> memref<1x80xi32, #tpu.memory_space<vmem>>
    %dma_start3A_59 = tpu.memref_squeeze %dma_start3A_58 : memref<1x80xi32, #tpu.memory_space<vmem>> -> memref<80xi32, #tpu.memory_space<vmem>>
    %dma_start3A_60 = arith.constant 0 : i32
    %dma_start3A_61 = arith.constant 0 : i32
    %dma_start3A_62 = tpu.memref_slice %arg2[%dma_start3A_60, %dma_start3A_61] : memref<625x64xf32, #tpu.memory_space<hbm>> -> memref<625x64xf32, #tpu.memory_space<hbm>>
    tpu.enqueue_indirect_dma source(%dma_start3A_62 : memref<625x64xf32, #tpu.memory_space<hbm>>) target(%arg7 : memref<80x64xf32, #tpu.memory_space<vmem>>) offsets(%dma_start3A_59 : memref<80xi32, #tpu.memory_space<vmem>>) semaphore(%arg9 : memref<!tpu.dma_semaphore, #tpu.memory_space<semaphore_mem>>)
    %dma_wait3A_63 = arith.constant 2 : i32
    %dma_wait3A_64 = arith.constant 0 : i32
    %dma_wait3A_65 = tpu.memref_slice %arg5[%dma_wait3A_63, %dma_wait3A_64] : memref<20x80xi32, #tpu.memory_space<vmem>> -> memref<1x80xi32, #tpu.memory_space<vmem>>
    %dma_wait3A_66 = tpu.memref_squeeze %dma_wait3A_65 : memref<1x80xi32, #tpu.memory_space<vmem>> -> memref<80xi32, #tpu.memory_space<vmem>>
    %dma_wait3A_67 = arith.constant 0 : i32
    %dma_wait3A_68 = arith.constant 0 : i32
    %dma_wait3A_69 = tpu.memref_slice %arg2[%dma_wait3A_67, %dma_wait3A_68] : memref<625x64xf32, #tpu.memory_space<hbm>> -> memref<625x64xf32, #tpu.memory_space<hbm>>
    tpu.wait_indirect_dma semaphore(%arg8 : memref<!tpu.dma_semaphore, #tpu.memory_space<semaphore_mem>>) src(%dma_wait3A_69 : memref<625x64xf32, #tpu.memory_space<hbm>>) dst(%arg6 : memref<80x64xf32, #tpu.memory_space<vmem>>)
    %add3A_70 = arith.constant 160 : i32
    %add3A_71 = arith.addi %mul3A_2, %add3A_70 : i32
    %dma_start3A_72 = arith.constant 0 : i32
    %dma_start3A_73 = tpu.memref_slice %arg4[%add3A_71, %dma_start3A_72] : memref<51200x64xf32, #tpu.memory_space<hbm>> -> memref<80x64xf32, #tpu.memory_space<hbm>>
    %dma_start3A_74 = arith.constant 0 : i32
    %dma_start3A_75 = tpu.memref_slice %arg4[%add3A_71, %dma_start3A_74] : memref<51200x64xf32, #tpu.memory_space<hbm>> -> memref<80x64xf32, #tpu.memory_space<hbm>>
    tpu.enqueue_dma source(%arg6 : memref<80x64xf32, #tpu.memory_space<vmem>>) target(%dma_start3A_75 : memref<80x64xf32, #tpu.memory_space<hbm>>) target_semaphore(%arg10 : memref<!tpu.dma_semaphore, #tpu.memory_space<semaphore_mem>>)
    %dma_wait3A_76 = arith.constant 0 : i32
    %dma_wait3A_77 = tpu.memref_slice %arg4[%add3A_71, %dma_wait3A_76] : memref<51200x64xf32, #tpu.memory_space<hbm>> -> memref<80x64xf32, #tpu.memory_space<hbm>>
    %dma_wait3A_78 = arith.constant 0 : i32
    %dma_wait3A_79 = tpu.memref_slice %arg4[%add3A_71, %dma_wait3A_78] : memref<51200x64xf32, #tpu.memory_space<hbm>> -> memref<80x64xf32, #tpu.memory_space<hbm>>
    tpu.wait_dma2 semaphore(%arg10 : memref<!tpu.dma_semaphore, #tpu.memory_space<semaphore_mem>>) src(%arg6 : memref<80x64xf32, #tpu.memory_space<vmem>>) dst(%dma_wait3A_79 : memref<80x64xf32, #tpu.memory_space<hbm>>)
    %dma_start3A_80 = arith.constant 4 : i32
    %dma_start3A_81 = arith.constant 0 : i32
    %dma_start3A_82 = tpu.memref_slice %arg5[%dma_start3A_80, %dma_start3A_81] : memref<20x80xi32, #tpu.memory_space<vmem>> -> memref<1x80xi32, #tpu.memory_space<vmem>>
    %dma_start3A_83 = tpu.memref_squeeze %dma_start3A_82 : memref<1x80xi32, #tpu.memory_space<vmem>> -> memref<80xi32, #tpu.memory_space<vmem>>
    %dma_start3A_84 = arith.constant 0 : i32
    %dma_start3A_85 = arith.constant 0 : i32
    %dma_start3A_86 = tpu.memref_slice %arg2[%dma_start3A_84, %dma_start3A_85] : memref<625x64xf32, #tpu.memory_space<hbm>> -> memref<625x64xf32, #tpu.memory_space<hbm>>
    tpu.enqueue_indirect_dma source(%dma_start3A_86 : memref<625x64xf32, #tpu.memory_space<hbm>>) target(%arg6 : memref<80x64xf32, #tpu.memory_space<vmem>>) offsets(%dma_start3A_83 : memref<80xi32, #tpu.memory_space<vmem>>) semaphore(%arg8 : memref<!tpu.dma_semaphore, #tpu.memory_space<semaphore_mem>>)
    %dma_wait3A_87 = arith.constant 3 : i32
    %dma_wait3A_88 = arith.constant 0 : i32
    %dma_wait3A_89 = tpu.memref_slice %arg5[%dma_wait3A_87, %dma_wait3A_88] : memref<20x80xi32, #tpu.memory_space<vmem>> -> memref<1x80xi32, #tpu.memory_space<vmem>>
    %dma_wait3A_90 = tpu.memref_squeeze %dma_wait3A_89 : memref<1x80xi32, #tpu.memory_space<vmem>> -> memref<80xi32, #tpu.memory_space<vmem>>
    %dma_wait3A_91 = arith.constant 0 : i32
    %dma_wait3A_92 = arith.constant 0 : i32
    %dma_wait3A_93 = tpu.memref_slice %arg2[%dma_wait3A_91, %dma_wait3A_92] : memref<625x64xf32, #tpu.memory_space<hbm>> -> memref<625x64xf32, #tpu.memory_space<hbm>>
    tpu.wait_indirect_dma semaphore(%arg9 : memref<!tpu.dma_semaphore, #tpu.memory_space<semaphore_mem>>) src(%dma_wait3A_93 : memref<625x64xf32, #tpu.memory_space<hbm>>) dst(%arg7 : memref<80x64xf32, #tpu.memory_space<vmem>>)
    %add3A_94 = arith.constant 240 : i32
    %add3A_95 = arith.addi %mul3A_2, %add3A_94 : i32
    %dma_start3A_96 = arith.constant 0 : i32
    %dma_start3A_97 = tpu.memref_slice %arg4[%add3A_95, %dma_start3A_96] : memref<51200x64xf32, #tpu.memory_space<hbm>> -> memref<80x64xf32, #tpu.memory_space<hbm>>
    %dma_start3A_98 = arith.constant 0 : i32
    %dma_start3A_99 = tpu.memref_slice %arg4[%add3A_95, %dma_start3A_98] : memref<51200x64xf32, #tpu.memory_space<hbm>> -> memref<80x64xf32, #tpu.memory_space<hbm>>
    tpu.enqueue_dma source(%arg7 : memref<80x64xf32, #tpu.memory_space<vmem>>) target(%dma_start3A_99 : memref<80x64xf32, #tpu.memory_space<hbm>>) target_semaphore(%arg11 : memref<!tpu.dma_semaphore, #tpu.memory_space<semaphore_mem>>)
    %dma_wait3A_100 = arith.constant 0 : i32
    %dma_wait3A_101 = tpu.memref_slice %arg4[%add3A_95, %dma_wait3A_100] : memref<51200x64xf32, #tpu.memory_space<hbm>> -> memref<80x64xf32, #tpu.memory_space<hbm>>
    %dma_wait3A_102 = arith.constant 0 : i32
    %dma_wait3A_103 = tpu.memref_slice %arg4[%add3A_95, %dma_wait3A_102] : memref<51200x64xf32, #tpu.memory_space<hbm>> -> memref<80x64xf32, #tpu.memory_space<hbm>>
    tpu.wait_dma2 semaphore(%arg11 : memref<!tpu.dma_semaphore, #tpu.memory_space<semaphore_mem>>) src(%arg7 : memref<80x64xf32, #tpu.memory_space<vmem>>) dst(%dma_wait3A_103 : memref<80x64xf32, #tpu.memory_space<hbm>>)
    %dma_start3A_104 = arith.constant 5 : i32
    %dma_start3A_105 = arith.constant 0 : i32
    %dma_start3A_106 = tpu.memref_slice %arg5[%dma_start3A_104, %dma_start3A_105] : memref<20x80xi32, #tpu.memory_space<vmem>> -> memref<1x80xi32, #tpu.memory_space<vmem>>
    %dma_start3A_107 = tpu.memref_squeeze %dma_start3A_106 : memref<1x80xi32, #tpu.memory_space<vmem>> -> memref<80xi32, #tpu.memory_space<vmem>>
    %dma_start3A_108 = arith.constant 0 : i32
    %dma_start3A_109 = arith.constant 0 : i32
    %dma_start3A_110 = tpu.memref_slice %arg2[%dma_start3A_108, %dma_start3A_109] : memref<625x64xf32, #tpu.memory_space<hbm>> -> memref<625x64xf32, #tpu.memory_space<hbm>>
    tpu.enqueue_indirect_dma source(%dma_start3A_110 : memref<625x64xf32, #tpu.memory_space<hbm>>) target(%arg7 : memref<80x64xf32, #tpu.memory_space<vmem>>) offsets(%dma_start3A_107 : memref<80xi32, #tpu.memory_space<vmem>>) semaphore(%arg9 : memref<!tpu.dma_semaphore, #tpu.memory_space<semaphore_mem>>)
    %dma_wait3A_111 = arith.constant 4 : i32
    %dma_wait3A_112 = arith.constant 0 : i32
    %dma_wait3A_113 = tpu.memref_slice %arg5[%dma_wait3A_111, %dma_wait3A_112] : memref<20x80xi32, #tpu.memory_space<vmem>> -> memref<1x80xi32, #tpu.memory_space<vmem>>
    %dma_wait3A_114 = tpu.memref_squeeze %dma_wait3A_113 : memref<1x80xi32, #tpu.memory_space<vmem>> -> memref<80xi32, #tpu.memory_space<vmem>>
    %dma_wait3A_115 = arith.constant 0 : i32
    %dma_wait3A_116 = arith.constant 0 : i32
    %dma_wait3A_117 = tpu.memref_slice %arg2[%dma_wait3A_115, %dma_wait3A_116] : memref<625x64xf32, #tpu.memory_space<hbm>> -> memref<625x64xf32, #tpu.memory_space<hbm>>
    tpu.wait_indirect_dma semaphore(%arg8 : memref<!tpu.dma_semaphore, #tpu.memory_space<semaphore_mem>>) src(%dma_wait3A_117 : memref<625x64xf32, #tpu.memory_space<hbm>>) dst(%arg6 : memref<80x64xf32, #tpu.memory_space<vmem>>)
    %add3A_118 = arith.constant 320 : i32
    %add3A_119 = arith.addi %mul3A_2, %add3A_118 : i32
    %dma_start3A_120 = arith.constant 0 : i32
    %dma_start3A_121 = tpu.memref_slice %arg4[%add3A_119, %dma_start3A_120] : memref<51200x64xf32, #tpu.memory_space<hbm>> -> memref<80x64xf32, #tpu.memory_space<hbm>>
    %dma_start3A_122 = arith.constant 0 : i32
    %dma_start3A_123 = tpu.memref_slice %arg4[%add3A_119, %dma_start3A_122] : memref<51200x64xf32, #tpu.memory_space<hbm>> -> memref<80x64xf32, #tpu.memory_space<hbm>>
    tpu.enqueue_dma source(%arg6 : memref<80x64xf32, #tpu.memory_space<vmem>>) target(%dma_start3A_123 : memref<80x64xf32, #tpu.memory_space<hbm>>) target_semaphore(%arg10 : memref<!tpu.dma_semaphore, #tpu.memory_space<semaphore_mem>>)
    %dma_wait3A_124 = arith.constant 0 : i32
    %dma_wait3A_125 = tpu.memref_slice %arg4[%add3A_119, %dma_wait3A_124] : memref<51200x64xf32, #tpu.memory_space<hbm>> -> memref<80x64xf32, #tpu.memory_space<hbm>>
    %dma_wait3A_126 = arith.constant 0 : i32
    %dma_wait3A_127 = tpu.memref_slice %arg4[%add3A_119, %dma_wait3A_126] : memref<51200x64xf32, #tpu.memory_space<hbm>> -> memref<80x64xf32, #tpu.memory_space<hbm>>
    tpu.wait_dma2 semaphore(%arg10 : memref<!tpu.dma_semaphore, #tpu.memory_space<semaphore_mem>>) src(%arg6 : memref<80x64xf32, #tpu.memory_space<vmem>>) dst(%dma_wait3A_127 : memref<80x64xf32, #tpu.memory_space<hbm>>)
    %dma_start3A_128 = arith.constant 6 : i32
    %dma_start3A_129 = arith.constant 0 : i32
    %dma_start3A_130 = tpu.memref_slice %arg5[%dma_start3A_128, %dma_start3A_129] : memref<20x80xi32, #tpu.memory_space<vmem>> -> memref<1x80xi32, #tpu.memory_space<vmem>>
    %dma_start3A_131 = tpu.memref_squeeze %dma_start3A_130 : memref<1x80xi32, #tpu.memory_space<vmem>> -> memref<80xi32, #tpu.memory_space<vmem>>
    %dma_start3A_132 = arith.constant 0 : i32
    %dma_start3A_133 = arith.constant 0 : i32
    %dma_start3A_134 = tpu.memref_slice %arg2[%dma_start3A_132, %dma_start3A_133] : memref<625x64xf32, #tpu.memory_space<hbm>> -> memref<625x64xf32, #tpu.memory_space<hbm>>
    tpu.enqueue_indirect_dma source(%dma_start3A_134 : memref<625x64xf32, #tpu.memory_space<hbm>>) target(%arg6 : memref<80x64xf32, #tpu.memory_space<vmem>>) offsets(%dma_start3A_131 : memref<80xi32, #tpu.memory_space<vmem>>) semaphore(%arg8 : memref<!tpu.dma_semaphore, #tpu.memory_space<semaphore_mem>>)
    %dma_wait3A_135 = arith.constant 5 : i32
    %dma_wait3A_136 = arith.constant 0 : i32
    %dma_wait3A_137 = tpu.memref_slice %arg5[%dma_wait3A_135, %dma_wait3A_136] : memref<20x80xi32, #tpu.memory_space<vmem>> -> memref<1x80xi32, #tpu.memory_space<vmem>>
    %dma_wait3A_138 = tpu.memref_squeeze %dma_wait3A_137 : memref<1x80xi32, #tpu.memory_space<vmem>> -> memref<80xi32, #tpu.memory_space<vmem>>
    %dma_wait3A_139 = arith.constant 0 : i32
    %dma_wait3A_140 = arith.constant 0 : i32
    %dma_wait3A_141 = tpu.memref_slice %arg2[%dma_wait3A_139, %dma_wait3A_140] : memref<625x64xf32, #tpu.memory_space<hbm>> -> memref<625x64xf32, #tpu.memory_space<hbm>>
    tpu.wait_indirect_dma semaphore(%arg9 : memref<!tpu.dma_semaphore, #tpu.memory_space<semaphore_mem>>) src(%dma_wait3A_141 : memref<625x64xf32, #tpu.memory_space<hbm>>) dst(%arg7 : memref<80x64xf32, #tpu.memory_space<vmem>>)
    %add3A_142 = arith.constant 400 : i32
    %add3A_143 = arith.addi %mul3A_2, %add3A_142 : i32
    %dma_start3A_144 = arith.constant 0 : i32
    %dma_start3A_145 = tpu.memref_slice %arg4[%add3A_143, %dma_start3A_144] : memref<51200x64xf32, #tpu.memory_space<hbm>> -> memref<80x64xf32, #tpu.memory_space<hbm>>
    %dma_start3A_146 = arith.constant 0 : i32
    %dma_start3A_147 = tpu.memref_slice %arg4[%add3A_143, %dma_start3A_146] : memref<51200x64xf32, #tpu.memory_space<hbm>> -> memref<80x64xf32, #tpu.memory_space<hbm>>
    tpu.enqueue_dma source(%arg7 : memref<80x64xf32, #tpu.memory_space<vmem>>) target(%dma_start3A_147 : memref<80x64xf32, #tpu.memory_space<hbm>>) target_semaphore(%arg11 : memref<!tpu.dma_semaphore, #tpu.memory_space<semaphore_mem>>)
    %dma_wait3A_148 = arith.constant 0 : i32
    %dma_wait3A_149 = tpu.memref_slice %arg4[%add3A_143, %dma_wait3A_148] : memref<51200x64xf32, #tpu.memory_space<hbm>> -> memref<80x64xf32, #tpu.memory_space<hbm>>
    %dma_wait3A_150 = arith.constant 0 : i32
    %dma_wait3A_151 = tpu.memref_slice %arg4[%add3A_143, %dma_wait3A_150] : memref<51200x64xf32, #tpu.memory_space<hbm>> -> memref<80x64xf32, #tpu.memory_space<hbm>>
    tpu.wait_dma2 semaphore(%arg11 : memref<!tpu.dma_semaphore, #tpu.memory_space<semaphore_mem>>) src(%arg7 : memref<80x64xf32, #tpu.memory_space<vmem>>) dst(%dma_wait3A_151 : memref<80x64xf32, #tpu.memory_space<hbm>>)
    %dma_start3A_152 = arith.constant 7 : i32
    %dma_start3A_153 = arith.constant 0 : i32
    %dma_start3A_154 = tpu.memref_slice %arg5[%dma_start3A_152, %dma_start3A_153] : memref<20x80xi32, #tpu.memory_space<vmem>> -> memref<1x80xi32, #tpu.memory_space<vmem>>
    %dma_start3A_155 = tpu.memref_squeeze %dma_start3A_154 : memref<1x80xi32, #tpu.memory_space<vmem>> -> memref<80xi32, #tpu.memory_space<vmem>>
    %dma_start3A_156 = arith.constant 0 : i32
    %dma_start3A_157 = arith.constant 0 : i32
    %dma_start3A_158 = tpu.memref_slice %arg2[%dma_start3A_156, %dma_start3A_157] : memref<625x64xf32, #tpu.memory_space<hbm>> -> memref<625x64xf32, #tpu.memory_space<hbm>>
    tpu.enqueue_indirect_dma source(%dma_start3A_158 : memref<625x64xf32, #tpu.memory_space<hbm>>) target(%arg7 : memref<80x64xf32, #tpu.memory_space<vmem>>) offsets(%dma_start3A_155 : memref<80xi32, #tpu.memory_space<vmem>>) semaphore(%arg9 : memref<!tpu.dma_semaphore, #tpu.memory_space<semaphore_mem>>)
    %dma_wait3A_159 = arith.constant 6 : i32
    %dma_wait3A_160 = arith.constant 0 : i32
    %dma_wait3A_161 = tpu.memref_slice %arg5[%dma_wait3A_159, %dma_wait3A_160] : memref<20x80xi32, #tpu.memory_space<vmem>> -> memref<1x80xi32, #tpu.memory_space<vmem>>
    %dma_wait3A_162 = tpu.memref_squeeze %dma_wait3A_161 : memref<1x80xi32, #tpu.memory_space<vmem>> -> memref<80xi32, #tpu.memory_space<vmem>>
    %dma_wait3A_163 = arith.constant 0 : i32
    %dma_wait3A_164 = arith.constant 0 : i32
    %dma_wait3A_165 = tpu.memref_slice %arg2[%dma_wait3A_163, %dma_wait3A_164] : memref<625x64xf32, #tpu.memory_space<hbm>> -> memref<625x64xf32, #tpu.memory_space<hbm>>
    tpu.wait_indirect_dma semaphore(%arg8 : memref<!tpu.dma_semaphore, #tpu.memory_space<semaphore_mem>>) src(%dma_wait3A_165 : memref<625x64xf32, #tpu.memory_space<hbm>>) dst(%arg6 : memref<80x64xf32, #tpu.memory_space<vmem>>)
    %add3A_166 = arith.constant 480 : i32
    %add3A_167 = arith.addi %mul3A_2, %add3A_166 : i32
    %dma_start3A_168 = arith.constant 0 : i32
    %dma_start3A_169 = tpu.memref_slice %arg4[%add3A_167, %dma_start3A_168] : memref<51200x64xf32, #tpu.memory_space<hbm>> -> memref<80x64xf32, #tpu.memory_space<hbm>>
    %dma_start3A_170 = arith.constant 0 : i32
    %dma_start3A_171 = tpu.memref_slice %arg4[%add3A_167, %dma_start3A_170] : memref<51200x64xf32, #tpu.memory_space<hbm>> -> memref<80x64xf32, #tpu.memory_space<hbm>>
    tpu.enqueue_dma source(%arg6 : memref<80x64xf32, #tpu.memory_space<vmem>>) target(%dma_start3A_171 : memref<80x64xf32, #tpu.memory_space<hbm>>) target_semaphore(%arg10 : memref<!tpu.dma_semaphore, #tpu.memory_space<semaphore_mem>>)
    %dma_wait3A_172 = arith.constant 0 : i32
    %dma_wait3A_173 = tpu.memref_slice %arg4[%add3A_167, %dma_wait3A_172] : memref<51200x64xf32, #tpu.memory_space<hbm>> -> memref<80x64xf32, #tpu.memory_space<hbm>>
    %dma_wait3A_174 = arith.constant 0 : i32
    %dma_wait3A_175 = tpu.memref_slice %arg4[%add3A_167, %dma_wait3A_174] : memref<51200x64xf32, #tpu.memory_space<hbm>> -> memref<80x64xf32, #tpu.memory_space<hbm>>
    tpu.wait_dma2 semaphore(%arg10 : memref<!tpu.dma_semaphore, #tpu.memory_space<semaphore_mem>>) src(%arg6 : memref<80x64xf32, #tpu.memory_space<vmem>>) dst(%dma_wait3A_175 : memref<80x64xf32, #tpu.memory_space<hbm>>)
    %dma_start3A_176 = arith.constant 8 : i32
    %dma_start3A_177 = arith.constant 0 : i32
    %dma_start3A_178 = tpu.memref_slice %arg5[%dma_start3A_176, %dma_start3A_177] : memref<20x80xi32, #tpu.memory_space<vmem>> -> memref<1x80xi32, #tpu.memory_space<vmem>>
    %dma_start3A_179 = tpu.memref_squeeze %dma_start3A_178 : memref<1x80xi32, #tpu.memory_space<vmem>> -> memref<80xi32, #tpu.memory_space<vmem>>
    %dma_start3A_180 = arith.constant 0 : i32
    %dma_start3A_181 = arith.constant 0 : i32
    %dma_start3A_182 = tpu.memref_slice %arg2[%dma_start3A_180, %dma_start3A_181] : memref<625x64xf32, #tpu.memory_space<hbm>> -> memref<625x64xf32, #tpu.memory_space<hbm>>
    tpu.enqueue_indirect_dma source(%dma_start3A_182 : memref<625x64xf32, #tpu.memory_space<hbm>>) target(%arg6 : memref<80x64xf32, #tpu.memory_space<vmem>>) offsets(%dma_start3A_179 : memref<80xi32, #tpu.memory_space<vmem>>) semaphore(%arg8 : memref<!tpu.dma_semaphore, #tpu.memory_space<semaphore_mem>>)
    %dma_wait3A_183 = arith.constant 7 : i32
    %dma_wait3A_184 = arith.constant 0 : i32
    %dma_wait3A_185 = tpu.memref_slice %arg5[%dma_wait3A_183, %dma_wait3A_184] : memref<20x80xi32, #tpu.memory_space<vmem>> -> memref<1x80xi32, #tpu.memory_space<vmem>>
    %dma_wait3A_186 = tpu.memref_squeeze %dma_wait3A_185 : memref<1x80xi32, #tpu.memory_space<vmem>> -> memref<80xi32, #tpu.memory_space<vmem>>
    %dma_wait3A_187 = arith.constant 0 : i32
    %dma_wait3A_188 = arith.constant 0 : i32
    %dma_wait3A_189 = tpu.memref_slice %arg2[%dma_wait3A_187, %dma_wait3A_188] : memref<625x64xf32, #tpu.memory_space<hbm>> -> memref<625x64xf32, #tpu.memory_space<hbm>>
    tpu.wait_indirect_dma semaphore(%arg9 : memref<!tpu.dma_semaphore, #tpu.memory_space<semaphore_mem>>) src(%dma_wait3A_189 : memref<625x64xf32, #tpu.memory_space<hbm>>) dst(%arg7 : memref<80x64xf32, #tpu.memory_space<vmem>>)
    %add3A_190 = arith.constant 560 : i32
    %add3A_191 = arith.addi %mul3A_2, %add3A_190 : i32
    %dma_start3A_192 = arith.constant 0 : i32
    %dma_start3A_193 = tpu.memref_slice %arg4[%add3A_191, %dma_start3A_192] : memref<51200x64xf32, #tpu.memory_space<hbm>> -> memref<80x64xf32, #tpu.memory_space<hbm>>
    %dma_start3A_194 = arith.constant 0 : i32
    %dma_start3A_195 = tpu.memref_slice %arg4[%add3A_191, %dma_start3A_194] : memref<51200x64xf32, #tpu.memory_space<hbm>> -> memref<80x64xf32, #tpu.memory_space<hbm>>
    tpu.enqueue_dma source(%arg7 : memref<80x64xf32, #tpu.memory_space<vmem>>) target(%dma_start3A_195 : memref<80x64xf32, #tpu.memory_space<hbm>>) target_semaphore(%arg11 : memref<!tpu.dma_semaphore, #tpu.memory_space<semaphore_mem>>)
    %dma_wait3A_196 = arith.constant 0 : i32
    %dma_wait3A_197 = tpu.memref_slice %arg4[%add3A_191, %dma_wait3A_196] : memref<51200x64xf32, #tpu.memory_space<hbm>> -> memref<80x64xf32, #tpu.memory_space<hbm>>
    %dma_wait3A_198 = arith.constant 0 : i32
    %dma_wait3A_199 = tpu.memref_slice %arg4[%add3A_191, %dma_wait3A_198] : memref<51200x64xf32, #tpu.memory_space<hbm>> -> memref<80x64xf32, #tpu.memory_space<hbm>>
    tpu.wait_dma2 semaphore(%arg11 : memref<!tpu.dma_semaphore, #tpu.memory_space<semaphore_mem>>) src(%arg7 : memref<80x64xf32, #tpu.memory_space<vmem>>) dst(%dma_wait3A_199 : memref<80x64xf32, #tpu.memory_space<hbm>>)
    %dma_start3A_200 = arith.constant 9 : i32
    %dma_start3A_201 = arith.constant 0 : i32
    %dma_start3A_202 = tpu.memref_slice %arg5[%dma_start3A_200, %dma_start3A_201] : memref<20x80xi32, #tpu.memory_space<vmem>> -> memref<1x80xi32, #tpu.memory_space<vmem>>
    %dma_start3A_203 = tpu.memref_squeeze %dma_start3A_202 : memref<1x80xi32, #tpu.memory_space<vmem>> -> memref<80xi32, #tpu.memory_space<vmem>>
    %dma_start3A_204 = arith.constant 0 : i32
    %dma_start3A_205 = arith.constant 0 : i32
    %dma_start3A_206 = tpu.memref_slice %arg2[%dma_start3A_204, %dma_start3A_205] : memref<625x64xf32, #tpu.memory_space<hbm>> -> memref<625x64xf32, #tpu.memory_space<hbm>>
    tpu.enqueue_indirect_dma source(%dma_start3A_206 : memref<625x64xf32, #tpu.memory_space<hbm>>) target(%arg7 : memref<80x64xf32, #tpu.memory_space<vmem>>) offsets(%dma_start3A_203 : memref<80xi32, #tpu.memory_space<vmem>>) semaphore(%arg9 : memref<!tpu.dma_semaphore, #tpu.memory_space<semaphore_mem>>)
    %dma_wait3A_207 = arith.constant 8 : i32
    %dma_wait3A_208 = arith.constant 0 : i32
    %dma_wait3A_209 = tpu.memref_slice %arg5[%dma_wait3A_207, %dma_wait3A_208] : memref<20x80xi32, #tpu.memory_space<vmem>> -> memref<1x80xi32, #tpu.memory_space<vmem>>
    %dma_wait3A_210 = tpu.memref_squeeze %dma_wait3A_209 : memref<1x80xi32, #tpu.memory_space<vmem>> -> memref<80xi32, #tpu.memory_space<vmem>>
    %dma_wait3A_211 = arith.constant 0 : i32
    %dma_wait3A_212 = arith.constant 0 : i32
    %dma_wait3A_213 = tpu.memref_slice %arg2[%dma_wait3A_211, %dma_wait3A_212] : memref<625x64xf32, #tpu.memory_space<hbm>> -> memref<625x64xf32, #tpu.memory_space<hbm>>
    tpu.wait_indirect_dma semaphore(%arg8 : memref<!tpu.dma_semaphore, #tpu.memory_space<semaphore_mem>>) src(%dma_wait3A_213 : memref<625x64xf32, #tpu.memory_space<hbm>>) dst(%arg6 : memref<80x64xf32, #tpu.memory_space<vmem>>)
    %add3A_214 = arith.constant 640 : i32
    %add3A_215 = arith.addi %mul3A_2, %add3A_214 : i32
    %dma_start3A_216 = arith.constant 0 : i32
    %dma_start3A_217 = tpu.memref_slice %arg4[%add3A_215, %dma_start3A_216] : memref<51200x64xf32, #tpu.memory_space<hbm>> -> memref<80x64xf32, #tpu.memory_space<hbm>>
    %dma_start3A_218 = arith.constant 0 : i32
    %dma_start3A_219 = tpu.memref_slice %arg4[%add3A_215, %dma_start3A_218] : memref<51200x64xf32, #tpu.memory_space<hbm>> -> memref<80x64xf32, #tpu.memory_space<hbm>>
    tpu.enqueue_dma source(%arg6 : memref<80x64xf32, #tpu.memory_space<vmem>>) target(%dma_start3A_219 : memref<80x64xf32, #tpu.memory_space<hbm>>) target_semaphore(%arg10 : memref<!tpu.dma_semaphore, #tpu.memory_space<semaphore_mem>>)
    %dma_wait3A_220 = arith.constant 0 : i32
    %dma_wait3A_221 = tpu.memref_slice %arg4[%add3A_215, %dma_wait3A_220] : memref<51200x64xf32, #tpu.memory_space<hbm>> -> memref<80x64xf32, #tpu.memory_space<hbm>>
    %dma_wait3A_222 = arith.constant 0 : i32
    %dma_wait3A_223 = tpu.memref_slice %arg4[%add3A_215, %dma_wait3A_222] : memref<51200x64xf32, #tpu.memory_space<hbm>> -> memref<80x64xf32, #tpu.memory_space<hbm>>
    tpu.wait_dma2 semaphore(%arg10 : memref<!tpu.dma_semaphore, #tpu.memory_space<semaphore_mem>>) src(%arg6 : memref<80x64xf32, #tpu.memory_space<vmem>>) dst(%dma_wait3A_223 : memref<80x64xf32, #tpu.memory_space<hbm>>)
    %dma_start3A_224 = arith.constant 10 : i32
    %dma_start3A_225 = arith.constant 0 : i32
    %dma_start3A_226 = tpu.memref_slice %arg5[%dma_start3A_224, %dma_start3A_225] : memref<20x80xi32, #tpu.memory_space<vmem>> -> memref<1x80xi32, #tpu.memory_space<vmem>>
    %dma_start3A_227 = tpu.memref_squeeze %dma_start3A_226 : memref<1x80xi32, #tpu.memory_space<vmem>> -> memref<80xi32, #tpu.memory_space<vmem>>
    %dma_start3A_228 = arith.constant 0 : i32
    %dma_start3A_229 = arith.constant 0 : i32
    %dma_start3A_230 = tpu.memref_slice %arg2[%dma_start3A_228, %dma_start3A_229] : memref<625x64xf32, #tpu.memory_space<hbm>> -> memref<625x64xf32, #tpu.memory_space<hbm>>
    tpu.enqueue_indirect_dma source(%dma_start3A_230 : memref<625x64xf32, #tpu.memory_space<hbm>>) target(%arg6 : memref<80x64xf32, #tpu.memory_space<vmem>>) offsets(%dma_start3A_227 : memref<80xi32, #tpu.memory_space<vmem>>) semaphore(%arg8 : memref<!tpu.dma_semaphore, #tpu.memory_space<semaphore_mem>>)
    %dma_wait3A_231 = arith.constant 9 : i32
    %dma_wait3A_232 = arith.constant 0 : i32
    %dma_wait3A_233 = tpu.memref_slice %arg5[%dma_wait3A_231, %dma_wait3A_232] : memref<20x80xi32, #tpu.memory_space<vmem>> -> memref<1x80xi32, #tpu.memory_space<vmem>>
    %dma_wait3A_234 = tpu.memref_squeeze %dma_wait3A_233 : memref<1x80xi32, #tpu.memory_space<vmem>> -> memref<80xi32, #tpu.memory_space<vmem>>
    %dma_wait3A_235 = arith.constant 0 : i32
    %dma_wait3A_236 = arith.constant 0 : i32
    %dma_wait3A_237 = tpu.memref_slice %arg2[%dma_wait3A_235, %dma_wait3A_236] : memref<625x64xf32, #tpu.memory_space<hbm>> -> memref<625x64xf32, #tpu.memory_space<hbm>>
    tpu.wait_indirect_dma semaphore(%arg9 : memref<!tpu.dma_semaphore, #tpu.memory_space<semaphore_mem>>) src(%dma_wait3A_237 : memref<625x64xf32, #tpu.memory_space<hbm>>) dst(%arg7 : memref<80x64xf32, #tpu.memory_space<vmem>>)
    %add3A_238 = arith.constant 720 : i32
    %add3A_239 = arith.addi %mul3A_2, %add3A_238 : i32
    %dma_start3A_240 = arith.constant 0 : i32
    %dma_start3A_241 = tpu.memref_slice %arg4[%add3A_239, %dma_start3A_240] : memref<51200x64xf32, #tpu.memory_space<hbm>> -> memref<80x64xf32, #tpu.memory_space<hbm>>
    %dma_start3A_242 = arith.constant 0 : i32
    %dma_start3A_243 = tpu.memref_slice %arg4[%add3A_239, %dma_start3A_242] : memref<51200x64xf32, #tpu.memory_space<hbm>> -> memref<80x64xf32, #tpu.memory_space<hbm>>
    tpu.enqueue_dma source(%arg7 : memref<80x64xf32, #tpu.memory_space<vmem>>) target(%dma_start3A_243 : memref<80x64xf32, #tpu.memory_space<hbm>>) target_semaphore(%arg11 : memref<!tpu.dma_semaphore, #tpu.memory_space<semaphore_mem>>)
    %dma_wait3A_244 = arith.constant 0 : i32
    %dma_wait3A_245 = tpu.memref_slice %arg4[%add3A_239, %dma_wait3A_244] : memref<51200x64xf32, #tpu.memory_space<hbm>> -> memref<80x64xf32, #tpu.memory_space<hbm>>
    %dma_wait3A_246 = arith.constant 0 : i32
    %dma_wait3A_247 = tpu.memref_slice %arg4[%add3A_239, %dma_wait3A_246] : memref<51200x64xf32, #tpu.memory_space<hbm>> -> memref<80x64xf32, #tpu.memory_space<hbm>>
    tpu.wait_dma2 semaphore(%arg11 : memref<!tpu.dma_semaphore, #tpu.memory_space<semaphore_mem>>) src(%arg7 : memref<80x64xf32, #tpu.memory_space<vmem>>) dst(%dma_wait3A_247 : memref<80x64xf32, #tpu.memory_space<hbm>>)
    %dma_start3A_248 = arith.constant 11 : i32
    %dma_start3A_249 = arith.constant 0 : i32
    %dma_start3A_250 = tpu.memref_slice %arg5[%dma_start3A_248, %dma_start3A_249] : memref<20x80xi32, #tpu.memory_space<vmem>> -> memref<1x80xi32, #tpu.memory_space<vmem>>
    %dma_start3A_251 = tpu.memref_squeeze %dma_start3A_250 : memref<1x80xi32, #tpu.memory_space<vmem>> -> memref<80xi32, #tpu.memory_space<vmem>>
    %dma_start3A_252 = arith.constant 0 : i32
    %dma_start3A_253 = arith.constant 0 : i32
    %dma_start3A_254 = tpu.memref_slice %arg2[%dma_start3A_252, %dma_start3A_253] : memref<625x64xf32, #tpu.memory_space<hbm>> -> memref<625x64xf32, #tpu.memory_space<hbm>>
    tpu.enqueue_indirect_dma source(%dma_start3A_254 : memref<625x64xf32, #tpu.memory_space<hbm>>) target(%arg7 : memref<80x64xf32, #tpu.memory_space<vmem>>) offsets(%dma_start3A_251 : memref<80xi32, #tpu.memory_space<vmem>>) semaphore(%arg9 : memref<!tpu.dma_semaphore, #tpu.memory_space<semaphore_mem>>)
    %dma_wait3A_255 = arith.constant 10 : i32
    %dma_wait3A_256 = arith.constant 0 : i32
    %dma_wait3A_257 = tpu.memref_slice %arg5[%dma_wait3A_255, %dma_wait3A_256] : memref<20x80xi32, #tpu.memory_space<vmem>> -> memref<1x80xi32, #tpu.memory_space<vmem>>
    %dma_wait3A_258 = tpu.memref_squeeze %dma_wait3A_257 : memref<1x80xi32, #tpu.memory_space<vmem>> -> memref<80xi32, #tpu.memory_space<vmem>>
    %dma_wait3A_259 = arith.constant 0 : i32
    %dma_wait3A_260 = arith.constant 0 : i32
    %dma_wait3A_261 = tpu.memref_slice %arg2[%dma_wait3A_259, %dma_wait3A_260] : memref<625x64xf32, #tpu.memory_space<hbm>> -> memref<625x64xf32, #tpu.memory_space<hbm>>
    tpu.wait_indirect_dma semaphore(%arg8 : memref<!tpu.dma_semaphore, #tpu.memory_space<semaphore_mem>>) src(%dma_wait3A_261 : memref<625x64xf32, #tpu.memory_space<hbm>>) dst(%arg6 : memref<80x64xf32, #tpu.memory_space<vmem>>)
    %add3A_262 = arith.constant 800 : i32
    %add3A_263 = arith.addi %mul3A_2, %add3A_262 : i32
    %dma_start3A_264 = arith.constant 0 : i32
    %dma_start3A_265 = tpu.memref_slice %arg4[%add3A_263, %dma_start3A_264] : memref<51200x64xf32, #tpu.memory_space<hbm>> -> memref<80x64xf32, #tpu.memory_space<hbm>>
    %dma_start3A_266 = arith.constant 0 : i32
    %dma_start3A_267 = tpu.memref_slice %arg4[%add3A_263, %dma_start3A_266] : memref<51200x64xf32, #tpu.memory_space<hbm>> -> memref<80x64xf32, #tpu.memory_space<hbm>>
    tpu.enqueue_dma source(%arg6 : memref<80x64xf32, #tpu.memory_space<vmem>>) target(%dma_start3A_267 : memref<80x64xf32, #tpu.memory_space<hbm>>) target_semaphore(%arg10 : memref<!tpu.dma_semaphore, #tpu.memory_space<semaphore_mem>>)
    %dma_wait3A_268 = arith.constant 0 : i32
    %dma_wait3A_269 = tpu.memref_slice %arg4[%add3A_263, %dma_wait3A_268] : memref<51200x64xf32, #tpu.memory_space<hbm>> -> memref<80x64xf32, #tpu.memory_space<hbm>>
    %dma_wait3A_270 = arith.constant 0 : i32
    %dma_wait3A_271 = tpu.memref_slice %arg4[%add3A_263, %dma_wait3A_270] : memref<51200x64xf32, #tpu.memory_space<hbm>> -> memref<80x64xf32, #tpu.memory_space<hbm>>
    tpu.wait_dma2 semaphore(%arg10 : memref<!tpu.dma_semaphore, #tpu.memory_space<semaphore_mem>>) src(%arg6 : memref<80x64xf32, #tpu.memory_space<vmem>>) dst(%dma_wait3A_271 : memref<80x64xf32, #tpu.memory_space<hbm>>)
    %dma_start3A_272 = arith.constant 12 : i32
    %dma_start3A_273 = arith.constant 0 : i32
    %dma_start3A_274 = tpu.memref_slice %arg5[%dma_start3A_272, %dma_start3A_273] : memref<20x80xi32, #tpu.memory_space<vmem>> -> memref<1x80xi32, #tpu.memory_space<vmem>>
    %dma_start3A_275 = tpu.memref_squeeze %dma_start3A_274 : memref<1x80xi32, #tpu.memory_space<vmem>> -> memref<80xi32, #tpu.memory_space<vmem>>
    %dma_start3A_276 = arith.constant 0 : i32
    %dma_start3A_277 = arith.constant 0 : i32
    %dma_start3A_278 = tpu.memref_slice %arg2[%dma_start3A_276, %dma_start3A_277] : memref<625x64xf32, #tpu.memory_space<hbm>> -> memref<625x64xf32, #tpu.memory_space<hbm>>
    tpu.enqueue_indirect_dma source(%dma_start3A_278 : memref<625x64xf32, #tpu.memory_space<hbm>>) target(%arg6 : memref<80x64xf32, #tpu.memory_space<vmem>>) offsets(%dma_start3A_275 : memref<80xi32, #tpu.memory_space<vmem>>) semaphore(%arg8 : memref<!tpu.dma_semaphore, #tpu.memory_space<semaphore_mem>>)
    %dma_wait3A_279 = arith.constant 11 : i32
    %dma_wait3A_280 = arith.constant 0 : i32
    %dma_wait3A_281 = tpu.memref_slice %arg5[%dma_wait3A_279, %dma_wait3A_280] : memref<20x80xi32, #tpu.memory_space<vmem>> -> memref<1x80xi32, #tpu.memory_space<vmem>>
    %dma_wait3A_282 = tpu.memref_squeeze %dma_wait3A_281 : memref<1x80xi32, #tpu.memory_space<vmem>> -> memref<80xi32, #tpu.memory_space<vmem>>
    %dma_wait3A_283 = arith.constant 0 : i32
    %dma_wait3A_284 = arith.constant 0 : i32
    %dma_wait3A_285 = tpu.memref_slice %arg2[%dma_wait3A_283, %dma_wait3A_284] : memref<625x64xf32, #tpu.memory_space<hbm>> -> memref<625x64xf32, #tpu.memory_space<hbm>>
    tpu.wait_indirect_dma semaphore(%arg9 : memref<!tpu.dma_semaphore, #tpu.memory_space<semaphore_mem>>) src(%dma_wait3A_285 : memref<625x64xf32, #tpu.memory_space<hbm>>) dst(%arg7 : memref<80x64xf32, #tpu.memory_space<vmem>>)
    %add3A_286 = arith.constant 880 : i32
    %add3A_287 = arith.addi %mul3A_2, %add3A_286 : i32
    %dma_start3A_288 = arith.constant 0 : i32
    %dma_start3A_289 = tpu.memref_slice %arg4[%add3A_287, %dma_start3A_288] : memref<51200x64xf32, #tpu.memory_space<hbm>> -> memref<80x64xf32, #tpu.memory_space<hbm>>
    %dma_start3A_290 = arith.constant 0 : i32
    %dma_start3A_291 = tpu.memref_slice %arg4[%add3A_287, %dma_start3A_290] : memref<51200x64xf32, #tpu.memory_space<hbm>> -> memref<80x64xf32, #tpu.memory_space<hbm>>
    tpu.enqueue_dma source(%arg7 : memref<80x64xf32, #tpu.memory_space<vmem>>) target(%dma_start3A_291 : memref<80x64xf32, #tpu.memory_space<hbm>>) target_semaphore(%arg11 : memref<!tpu.dma_semaphore, #tpu.memory_space<semaphore_mem>>)
    %dma_wait3A_292 = arith.constant 0 : i32
    %dma_wait3A_293 = tpu.memref_slice %arg4[%add3A_287, %dma_wait3A_292] : memref<51200x64xf32, #tpu.memory_space<hbm>> -> memref<80x64xf32, #tpu.memory_space<hbm>>
    %dma_wait3A_294 = arith.constant 0 : i32
    %dma_wait3A_295 = tpu.memref_slice %arg4[%add3A_287, %dma_wait3A_294] : memref<51200x64xf32, #tpu.memory_space<hbm>> -> memref<80x64xf32, #tpu.memory_space<hbm>>
    tpu.wait_dma2 semaphore(%arg11 : memref<!tpu.dma_semaphore, #tpu.memory_space<semaphore_mem>>) src(%arg7 : memref<80x64xf32, #tpu.memory_space<vmem>>) dst(%dma_wait3A_295 : memref<80x64xf32, #tpu.memory_space<hbm>>)
    %dma_start3A_296 = arith.constant 13 : i32
    %dma_start3A_297 = arith.constant 0 : i32
    %dma_start3A_298 = tpu.memref_slice %arg5[%dma_start3A_296, %dma_start3A_297] : memref<20x80xi32, #tpu.memory_space<vmem>> -> memref<1x80xi32, #tpu.memory_space<vmem>>
    %dma_start3A_299 = tpu.memref_squeeze %dma_start3A_298 : memref<1x80xi32, #tpu.memory_space<vmem>> -> memref<80xi32, #tpu.memory_space<vmem>>
    %dma_start3A_300 = arith.constant 0 : i32
    %dma_start3A_301 = arith.constant 0 : i32
    %dma_start3A_302 = tpu.memref_slice %arg2[%dma_start3A_300, %dma_start3A_301] : memref<625x64xf32, #tpu.memory_space<hbm>> -> memref<625x64xf32, #tpu.memory_space<hbm>>
    tpu.enqueue_indirect_dma source(%dma_start3A_302 : memref<625x64xf32, #tpu.memory_space<hbm>>) target(%arg7 : memref<80x64xf32, #tpu.memory_space<vmem>>) offsets(%dma_start3A_299 : memref<80xi32, #tpu.memory_space<vmem>>) semaphore(%arg9 : memref<!tpu.dma_semaphore, #tpu.memory_space<semaphore_mem>>)
    %dma_wait3A_303 = arith.constant 12 : i32
    %dma_wait3A_304 = arith.constant 0 : i32
    %dma_wait3A_305 = tpu.memref_slice %arg5[%dma_wait3A_303, %dma_wait3A_304] : memref<20x80xi32, #tpu.memory_space<vmem>> -> memref<1x80xi32, #tpu.memory_space<vmem>>
    %dma_wait3A_306 = tpu.memref_squeeze %dma_wait3A_305 : memref<1x80xi32, #tpu.memory_space<vmem>> -> memref<80xi32, #tpu.memory_space<vmem>>
    %dma_wait3A_307 = arith.constant 0 : i32
    %dma_wait3A_308 = arith.constant 0 : i32
    %dma_wait3A_309 = tpu.memref_slice %arg2[%dma_wait3A_307, %dma_wait3A_308] : memref<625x64xf32, #tpu.memory_space<hbm>> -> memref<625x64xf32, #tpu.memory_space<hbm>>
    tpu.wait_indirect_dma semaphore(%arg8 : memref<!tpu.dma_semaphore, #tpu.memory_space<semaphore_mem>>) src(%dma_wait3A_309 : memref<625x64xf32, #tpu.memory_space<hbm>>) dst(%arg6 : memref<80x64xf32, #tpu.memory_space<vmem>>)
    %add3A_310 = arith.constant 960 : i32
    %add3A_311 = arith.addi %mul3A_2, %add3A_310 : i32
    %dma_start3A_312 = arith.constant 0 : i32
    %dma_start3A_313 = tpu.memref_slice %arg4[%add3A_311, %dma_start3A_312] : memref<51200x64xf32, #tpu.memory_space<hbm>> -> memref<80x64xf32, #tpu.memory_space<hbm>>
    %dma_start3A_314 = arith.constant 0 : i32
    %dma_start3A_315 = tpu.memref_slice %arg4[%add3A_311, %dma_start3A_314] : memref<51200x64xf32, #tpu.memory_space<hbm>> -> memref<80x64xf32, #tpu.memory_space<hbm>>
    tpu.enqueue_dma source(%arg6 : memref<80x64xf32, #tpu.memory_space<vmem>>) target(%dma_start3A_315 : memref<80x64xf32, #tpu.memory_space<hbm>>) target_semaphore(%arg10 : memref<!tpu.dma_semaphore, #tpu.memory_space<semaphore_mem>>)
    %dma_wait3A_316 = arith.constant 0 : i32
    %dma_wait3A_317 = tpu.memref_slice %arg4[%add3A_311, %dma_wait3A_316] : memref<51200x64xf32, #tpu.memory_space<hbm>> -> memref<80x64xf32, #tpu.memory_space<hbm>>
    %dma_wait3A_318 = arith.constant 0 : i32
    %dma_wait3A_319 = tpu.memref_slice %arg4[%add3A_311, %dma_wait3A_318] : memref<51200x64xf32, #tpu.memory_space<hbm>> -> memref<80x64xf32, #tpu.memory_space<hbm>>
    tpu.wait_dma2 semaphore(%arg10 : memref<!tpu.dma_semaphore, #tpu.memory_space<semaphore_mem>>) src(%arg6 : memref<80x64xf32, #tpu.memory_space<vmem>>) dst(%dma_wait3A_319 : memref<80x64xf32, #tpu.memory_space<hbm>>)
    %dma_start3A_320 = arith.constant 14 : i32
    %dma_start3A_321 = arith.constant 0 : i32
    %dma_start3A_322 = tpu.memref_slice %arg5[%dma_start3A_320, %dma_start3A_321] : memref<20x80xi32, #tpu.memory_space<vmem>> -> memref<1x80xi32, #tpu.memory_space<vmem>>
    %dma_start3A_323 = tpu.memref_squeeze %dma_start3A_322 : memref<1x80xi32, #tpu.memory_space<vmem>> -> memref<80xi32, #tpu.memory_space<vmem>>
    %dma_start3A_324 = arith.constant 0 : i32
    %dma_start3A_325 = arith.constant 0 : i32
    %dma_start3A_326 = tpu.memref_slice %arg2[%dma_start3A_324, %dma_start3A_325] : memref<625x64xf32, #tpu.memory_space<hbm>> -> memref<625x64xf32, #tpu.memory_space<hbm>>
    tpu.enqueue_indirect_dma source(%dma_start3A_326 : memref<625x64xf32, #tpu.memory_space<hbm>>) target(%arg6 : memref<80x64xf32, #tpu.memory_space<vmem>>) offsets(%dma_start3A_323 : memref<80xi32, #tpu.memory_space<vmem>>) semaphore(%arg8 : memref<!tpu.dma_semaphore, #tpu.memory_space<semaphore_mem>>)
    %dma_wait3A_327 = arith.constant 13 : i32
    %dma_wait3A_328 = arith.constant 0 : i32
    %dma_wait3A_329 = tpu.memref_slice %arg5[%dma_wait3A_327, %dma_wait3A_328] : memref<20x80xi32, #tpu.memory_space<vmem>> -> memref<1x80xi32, #tpu.memory_space<vmem>>
    %dma_wait3A_330 = tpu.memref_squeeze %dma_wait3A_329 : memref<1x80xi32, #tpu.memory_space<vmem>> -> memref<80xi32, #tpu.memory_space<vmem>>
    %dma_wait3A_331 = arith.constant 0 : i32
    %dma_wait3A_332 = arith.constant 0 : i32
    %dma_wait3A_333 = tpu.memref_slice %arg2[%dma_wait3A_331, %dma_wait3A_332] : memref<625x64xf32, #tpu.memory_space<hbm>> -> memref<625x64xf32, #tpu.memory_space<hbm>>
    tpu.wait_indirect_dma semaphore(%arg9 : memref<!tpu.dma_semaphore, #tpu.memory_space<semaphore_mem>>) src(%dma_wait3A_333 : memref<625x64xf32, #tpu.memory_space<hbm>>) dst(%arg7 : memref<80x64xf32, #tpu.memory_space<vmem>>)
    %add3A_334 = arith.constant 1040 : i32
    %add3A_335 = arith.addi %mul3A_2, %add3A_334 : i32
    %dma_start3A_336 = arith.constant 0 : i32
    %dma_start3A_337 = tpu.memref_slice %arg4[%add3A_335, %dma_start3A_336] : memref<51200x64xf32, #tpu.memory_space<hbm>> -> memref<80x64xf32, #tpu.memory_space<hbm>>
    %dma_start3A_338 = arith.constant 0 : i32
    %dma_start3A_339 = tpu.memref_slice %arg4[%add3A_335, %dma_start3A_338] : memref<51200x64xf32, #tpu.memory_space<hbm>> -> memref<80x64xf32, #tpu.memory_space<hbm>>
    tpu.enqueue_dma source(%arg7 : memref<80x64xf32, #tpu.memory_space<vmem>>) target(%dma_start3A_339 : memref<80x64xf32, #tpu.memory_space<hbm>>) target_semaphore(%arg11 : memref<!tpu.dma_semaphore, #tpu.memory_space<semaphore_mem>>)
    %dma_wait3A_340 = arith.constant 0 : i32
    %dma_wait3A_341 = tpu.memref_slice %arg4[%add3A_335, %dma_wait3A_340] : memref<51200x64xf32, #tpu.memory_space<hbm>> -> memref<80x64xf32, #tpu.memory_space<hbm>>
    %dma_wait3A_342 = arith.constant 0 : i32
    %dma_wait3A_343 = tpu.memref_slice %arg4[%add3A_335, %dma_wait3A_342] : memref<51200x64xf32, #tpu.memory_space<hbm>> -> memref<80x64xf32, #tpu.memory_space<hbm>>
    tpu.wait_dma2 semaphore(%arg11 : memref<!tpu.dma_semaphore, #tpu.memory_space<semaphore_mem>>) src(%arg7 : memref<80x64xf32, #tpu.memory_space<vmem>>) dst(%dma_wait3A_343 : memref<80x64xf32, #tpu.memory_space<hbm>>)
    %dma_start3A_344 = arith.constant 15 : i32
    %dma_start3A_345 = arith.constant 0 : i32
    %dma_start3A_346 = tpu.memref_slice %arg5[%dma_start3A_344, %dma_start3A_345] : memref<20x80xi32, #tpu.memory_space<vmem>> -> memref<1x80xi32, #tpu.memory_space<vmem>>
    %dma_start3A_347 = tpu.memref_squeeze %dma_start3A_346 : memref<1x80xi32, #tpu.memory_space<vmem>> -> memref<80xi32, #tpu.memory_space<vmem>>
    %dma_start3A_348 = arith.constant 0 : i32
    %dma_start3A_349 = arith.constant 0 : i32
    %dma_start3A_350 = tpu.memref_slice %arg2[%dma_start3A_348, %dma_start3A_349] : memref<625x64xf32, #tpu.memory_space<hbm>> -> memref<625x64xf32, #tpu.memory_space<hbm>>
    tpu.enqueue_indirect_dma source(%dma_start3A_350 : memref<625x64xf32, #tpu.memory_space<hbm>>) target(%arg7 : memref<80x64xf32, #tpu.memory_space<vmem>>) offsets(%dma_start3A_347 : memref<80xi32, #tpu.memory_space<vmem>>) semaphore(%arg9 : memref<!tpu.dma_semaphore, #tpu.memory_space<semaphore_mem>>)
    %dma_wait3A_351 = arith.constant 14 : i32
    %dma_wait3A_352 = arith.constant 0 : i32
    %dma_wait3A_353 = tpu.memref_slice %arg5[%dma_wait3A_351, %dma_wait3A_352] : memref<20x80xi32, #tpu.memory_space<vmem>> -> memref<1x80xi32, #tpu.memory_space<vmem>>
    %dma_wait3A_354 = tpu.memref_squeeze %dma_wait3A_353 : memref<1x80xi32, #tpu.memory_space<vmem>> -> memref<80xi32, #tpu.memory_space<vmem>>
    %dma_wait3A_355 = arith.constant 0 : i32
    %dma_wait3A_356 = arith.constant 0 : i32
    %dma_wait3A_357 = tpu.memref_slice %arg2[%dma_wait3A_355, %dma_wait3A_356] : memref<625x64xf32, #tpu.memory_space<hbm>> -> memref<625x64xf32, #tpu.memory_space<hbm>>
    tpu.wait_indirect_dma semaphore(%arg8 : memref<!tpu.dma_semaphore, #tpu.memory_space<semaphore_mem>>) src(%dma_wait3A_357 : memref<625x64xf32, #tpu.memory_space<hbm>>) dst(%arg6 : memref<80x64xf32, #tpu.memory_space<vmem>>)
    %add3A_358 = arith.constant 1120 : i32
    %add3A_359 = arith.addi %mul3A_2, %add3A_358 : i32
    %dma_start3A_360 = arith.constant 0 : i32
    %dma_start3A_361 = tpu.memref_slice %arg4[%add3A_359, %dma_start3A_360] : memref<51200x64xf32, #tpu.memory_space<hbm>> -> memref<80x64xf32, #tpu.memory_space<hbm>>
    %dma_start3A_362 = arith.constant 0 : i32
    %dma_start3A_363 = tpu.memref_slice %arg4[%add3A_359, %dma_start3A_362] : memref<51200x64xf32, #tpu.memory_space<hbm>> -> memref<80x64xf32, #tpu.memory_space<hbm>>
    tpu.enqueue_dma source(%arg6 : memref<80x64xf32, #tpu.memory_space<vmem>>) target(%dma_start3A_363 : memref<80x64xf32, #tpu.memory_space<hbm>>) target_semaphore(%arg10 : memref<!tpu.dma_semaphore, #tpu.memory_space<semaphore_mem>>)
    %dma_wait3A_364 = arith.constant 0 : i32
    %dma_wait3A_365 = tpu.memref_slice %arg4[%add3A_359, %dma_wait3A_364] : memref<51200x64xf32, #tpu.memory_space<hbm>> -> memref<80x64xf32, #tpu.memory_space<hbm>>
    %dma_wait3A_366 = arith.constant 0 : i32
    %dma_wait3A_367 = tpu.memref_slice %arg4[%add3A_359, %dma_wait3A_366] : memref<51200x64xf32, #tpu.memory_space<hbm>> -> memref<80x64xf32, #tpu.memory_space<hbm>>
    tpu.wait_dma2 semaphore(%arg10 : memref<!tpu.dma_semaphore, #tpu.memory_space<semaphore_mem>>) src(%arg6 : memref<80x64xf32, #tpu.memory_space<vmem>>) dst(%dma_wait3A_367 : memref<80x64xf32, #tpu.memory_space<hbm>>)
    %dma_start3A_368 = arith.constant 16 : i32
    %dma_start3A_369 = arith.constant 0 : i32
    %dma_start3A_370 = tpu.memref_slice %arg5[%dma_start3A_368, %dma_start3A_369] : memref<20x80xi32, #tpu.memory_space<vmem>> -> memref<1x80xi32, #tpu.memory_space<vmem>>
    %dma_start3A_371 = tpu.memref_squeeze %dma_start3A_370 : memref<1x80xi32, #tpu.memory_space<vmem>> -> memref<80xi32, #tpu.memory_space<vmem>>
    %dma_start3A_372 = arith.constant 0 : i32
    %dma_start3A_373 = arith.constant 0 : i32
    %dma_start3A_374 = tpu.memref_slice %arg2[%dma_start3A_372, %dma_start3A_373] : memref<625x64xf32, #tpu.memory_space<hbm>> -> memref<625x64xf32, #tpu.memory_space<hbm>>
    tpu.enqueue_indirect_dma source(%dma_start3A_374 : memref<625x64xf32, #tpu.memory_space<hbm>>) target(%arg6 : memref<80x64xf32, #tpu.memory_space<vmem>>) offsets(%dma_start3A_371 : memref<80xi32, #tpu.memory_space<vmem>>) semaphore(%arg8 : memref<!tpu.dma_semaphore, #tpu.memory_space<semaphore_mem>>)
    %dma_wait3A_375 = arith.constant 15 : i32
    %dma_wait3A_376 = arith.constant 0 : i32
    %dma_wait3A_377 = tpu.memref_slice %arg5[%dma_wait3A_375, %dma_wait3A_376] : memref<20x80xi32, #tpu.memory_space<vmem>> -> memref<1x80xi32, #tpu.memory_space<vmem>>
    %dma_wait3A_378 = tpu.memref_squeeze %dma_wait3A_377 : memref<1x80xi32, #tpu.memory_space<vmem>> -> memref<80xi32, #tpu.memory_space<vmem>>
    %dma_wait3A_379 = arith.constant 0 : i32
    %dma_wait3A_380 = arith.constant 0 : i32
    %dma_wait3A_381 = tpu.memref_slice %arg2[%dma_wait3A_379, %dma_wait3A_380] : memref<625x64xf32, #tpu.memory_space<hbm>> -> memref<625x64xf32, #tpu.memory_space<hbm>>
    tpu.wait_indirect_dma semaphore(%arg9 : memref<!tpu.dma_semaphore, #tpu.memory_space<semaphore_mem>>) src(%dma_wait3A_381 : memref<625x64xf32, #tpu.memory_space<hbm>>) dst(%arg7 : memref<80x64xf32, #tpu.memory_space<vmem>>)
    %add3A_382 = arith.constant 1200 : i32
    %add3A_383 = arith.addi %mul3A_2, %add3A_382 : i32
    %dma_start3A_384 = arith.constant 0 : i32
    %dma_start3A_385 = tpu.memref_slice %arg4[%add3A_383, %dma_start3A_384] : memref<51200x64xf32, #tpu.memory_space<hbm>> -> memref<80x64xf32, #tpu.memory_space<hbm>>
    %dma_start3A_386 = arith.constant 0 : i32
    %dma_start3A_387 = tpu.memref_slice %arg4[%add3A_383, %dma_start3A_386] : memref<51200x64xf32, #tpu.memory_space<hbm>> -> memref<80x64xf32, #tpu.memory_space<hbm>>
    tpu.enqueue_dma source(%arg7 : memref<80x64xf32, #tpu.memory_space<vmem>>) target(%dma_start3A_387 : memref<80x64xf32, #tpu.memory_space<hbm>>) target_semaphore(%arg11 : memref<!tpu.dma_semaphore, #tpu.memory_space<semaphore_mem>>)
    %dma_wait3A_388 = arith.constant 0 : i32
    %dma_wait3A_389 = tpu.memref_slice %arg4[%add3A_383, %dma_wait3A_388] : memref<51200x64xf32, #tpu.memory_space<hbm>> -> memref<80x64xf32, #tpu.memory_space<hbm>>
    %dma_wait3A_390 = arith.constant 0 : i32
    %dma_wait3A_391 = tpu.memref_slice %arg4[%add3A_383, %dma_wait3A_390] : memref<51200x64xf32, #tpu.memory_space<hbm>> -> memref<80x64xf32, #tpu.memory_space<hbm>>
    tpu.wait_dma2 semaphore(%arg11 : memref<!tpu.dma_semaphore, #tpu.memory_space<semaphore_mem>>) src(%arg7 : memref<80x64xf32, #tpu.memory_space<vmem>>) dst(%dma_wait3A_391 : memref<80x64xf32, #tpu.memory_space<hbm>>)
    %dma_start3A_392 = arith.constant 17 : i32
    %dma_start3A_393 = arith.constant 0 : i32
    %dma_start3A_394 = tpu.memref_slice %arg5[%dma_start3A_392, %dma_start3A_393] : memref<20x80xi32, #tpu.memory_space<vmem>> -> memref<1x80xi32, #tpu.memory_space<vmem>>
    %dma_start3A_395 = tpu.memref_squeeze %dma_start3A_394 : memref<1x80xi32, #tpu.memory_space<vmem>> -> memref<80xi32, #tpu.memory_space<vmem>>
    %dma_start3A_396 = arith.constant 0 : i32
    %dma_start3A_397 = arith.constant 0 : i32
    %dma_start3A_398 = tpu.memref_slice %arg2[%dma_start3A_396, %dma_start3A_397] : memref<625x64xf32, #tpu.memory_space<hbm>> -> memref<625x64xf32, #tpu.memory_space<hbm>>
    tpu.enqueue_indirect_dma source(%dma_start3A_398 : memref<625x64xf32, #tpu.memory_space<hbm>>) target(%arg7 : memref<80x64xf32, #tpu.memory_space<vmem>>) offsets(%dma_start3A_395 : memref<80xi32, #tpu.memory_space<vmem>>) semaphore(%arg9 : memref<!tpu.dma_semaphore, #tpu.memory_space<semaphore_mem>>)
    %dma_wait3A_399 = arith.constant 16 : i32
    %dma_wait3A_400 = arith.constant 0 : i32
    %dma_wait3A_401 = tpu.memref_slice %arg5[%dma_wait3A_399, %dma_wait3A_400] : memref<20x80xi32, #tpu.memory_space<vmem>> -> memref<1x80xi32, #tpu.memory_space<vmem>>
    %dma_wait3A_402 = tpu.memref_squeeze %dma_wait3A_401 : memref<1x80xi32, #tpu.memory_space<vmem>> -> memref<80xi32, #tpu.memory_space<vmem>>
    %dma_wait3A_403 = arith.constant 0 : i32
    %dma_wait3A_404 = arith.constant 0 : i32
    %dma_wait3A_405 = tpu.memref_slice %arg2[%dma_wait3A_403, %dma_wait3A_404] : memref<625x64xf32, #tpu.memory_space<hbm>> -> memref<625x64xf32, #tpu.memory_space<hbm>>
    tpu.wait_indirect_dma semaphore(%arg8 : memref<!tpu.dma_semaphore, #tpu.memory_space<semaphore_mem>>) src(%dma_wait3A_405 : memref<625x64xf32, #tpu.memory_space<hbm>>) dst(%arg6 : memref<80x64xf32, #tpu.memory_space<vmem>>)
    %add3A_406 = arith.constant 1280 : i32
    %add3A_407 = arith.addi %mul3A_2, %add3A_406 : i32
    %dma_start3A_408 = arith.constant 0 : i32
    %dma_start3A_409 = tpu.memref_slice %arg4[%add3A_407, %dma_start3A_408] : memref<51200x64xf32, #tpu.memory_space<hbm>> -> memref<80x64xf32, #tpu.memory_space<hbm>>
    %dma_start3A_410 = arith.constant 0 : i32
    %dma_start3A_411 = tpu.memref_slice %arg4[%add3A_407, %dma_start3A_410] : memref<51200x64xf32, #tpu.memory_space<hbm>> -> memref<80x64xf32, #tpu.memory_space<hbm>>
    tpu.enqueue_dma source(%arg6 : memref<80x64xf32, #tpu.memory_space<vmem>>) target(%dma_start3A_411 : memref<80x64xf32, #tpu.memory_space<hbm>>) target_semaphore(%arg10 : memref<!tpu.dma_semaphore, #tpu.memory_space<semaphore_mem>>)
    %dma_wait3A_412 = arith.constant 0 : i32
    %dma_wait3A_413 = tpu.memref_slice %arg4[%add3A_407, %dma_wait3A_412] : memref<51200x64xf32, #tpu.memory_space<hbm>> -> memref<80x64xf32, #tpu.memory_space<hbm>>
    %dma_wait3A_414 = arith.constant 0 : i32
    %dma_wait3A_415 = tpu.memref_slice %arg4[%add3A_407, %dma_wait3A_414] : memref<51200x64xf32, #tpu.memory_space<hbm>> -> memref<80x64xf32, #tpu.memory_space<hbm>>
    tpu.wait_dma2 semaphore(%arg10 : memref<!tpu.dma_semaphore, #tpu.memory_space<semaphore_mem>>) src(%arg6 : memref<80x64xf32, #tpu.memory_space<vmem>>) dst(%dma_wait3A_415 : memref<80x64xf32, #tpu.memory_space<hbm>>)
    %dma_start3A_416 = arith.constant 18 : i32
    %dma_start3A_417 = arith.constant 0 : i32
    %dma_start3A_418 = tpu.memref_slice %arg5[%dma_start3A_416, %dma_start3A_417] : memref<20x80xi32, #tpu.memory_space<vmem>> -> memref<1x80xi32, #tpu.memory_space<vmem>>
    %dma_start3A_419 = tpu.memref_squeeze %dma_start3A_418 : memref<1x80xi32, #tpu.memory_space<vmem>> -> memref<80xi32, #tpu.memory_space<vmem>>
    %dma_start3A_420 = arith.constant 0 : i32
    %dma_start3A_421 = arith.constant 0 : i32
    %dma_start3A_422 = tpu.memref_slice %arg2[%dma_start3A_420, %dma_start3A_421] : memref<625x64xf32, #tpu.memory_space<hbm>> -> memref<625x64xf32, #tpu.memory_space<hbm>>
    tpu.enqueue_indirect_dma source(%dma_start3A_422 : memref<625x64xf32, #tpu.memory_space<hbm>>) target(%arg6 : memref<80x64xf32, #tpu.memory_space<vmem>>) offsets(%dma_start3A_419 : memref<80xi32, #tpu.memory_space<vmem>>) semaphore(%arg8 : memref<!tpu.dma_semaphore, #tpu.memory_space<semaphore_mem>>)
    %dma_wait3A_423 = arith.constant 17 : i32
    %dma_wait3A_424 = arith.constant 0 : i32
    %dma_wait3A_425 = tpu.memref_slice %arg5[%dma_wait3A_423, %dma_wait3A_424] : memref<20x80xi32, #tpu.memory_space<vmem>> -> memref<1x80xi32, #tpu.memory_space<vmem>>
    %dma_wait3A_426 = tpu.memref_squeeze %dma_wait3A_425 : memref<1x80xi32, #tpu.memory_space<vmem>> -> memref<80xi32, #tpu.memory_space<vmem>>
    %dma_wait3A_427 = arith.constant 0 : i32
    %dma_wait3A_428 = arith.constant 0 : i32
    %dma_wait3A_429 = tpu.memref_slice %arg2[%dma_wait3A_427, %dma_wait3A_428] : memref<625x64xf32, #tpu.memory_space<hbm>> -> memref<625x64xf32, #tpu.memory_space<hbm>>
    tpu.wait_indirect_dma semaphore(%arg9 : memref<!tpu.dma_semaphore, #tpu.memory_space<semaphore_mem>>) src(%dma_wait3A_429 : memref<625x64xf32, #tpu.memory_space<hbm>>) dst(%arg7 : memref<80x64xf32, #tpu.memory_space<vmem>>)
    %add3A_430 = arith.constant 1360 : i32
    %add3A_431 = arith.addi %mul3A_2, %add3A_430 : i32
    %dma_start3A_432 = arith.constant 0 : i32
    %dma_start3A_433 = tpu.memref_slice %arg4[%add3A_431, %dma_start3A_432] : memref<51200x64xf32, #tpu.memory_space<hbm>> -> memref<80x64xf32, #tpu.memory_space<hbm>>
    %dma_start3A_434 = arith.constant 0 : i32
    %dma_start3A_435 = tpu.memref_slice %arg4[%add3A_431, %dma_start3A_434] : memref<51200x64xf32, #tpu.memory_space<hbm>> -> memref<80x64xf32, #tpu.memory_space<hbm>>
    tpu.enqueue_dma source(%arg7 : memref<80x64xf32, #tpu.memory_space<vmem>>) target(%dma_start3A_435 : memref<80x64xf32, #tpu.memory_space<hbm>>) target_semaphore(%arg11 : memref<!tpu.dma_semaphore, #tpu.memory_space<semaphore_mem>>)
    %dma_wait3A_436 = arith.constant 0 : i32
    %dma_wait3A_437 = tpu.memref_slice %arg4[%add3A_431, %dma_wait3A_436] : memref<51200x64xf32, #tpu.memory_space<hbm>> -> memref<80x64xf32, #tpu.memory_space<hbm>>
    %dma_wait3A_438 = arith.constant 0 : i32
    %dma_wait3A_439 = tpu.memref_slice %arg4[%add3A_431, %dma_wait3A_438] : memref<51200x64xf32, #tpu.memory_space<hbm>> -> memref<80x64xf32, #tpu.memory_space<hbm>>
    tpu.wait_dma2 semaphore(%arg11 : memref<!tpu.dma_semaphore, #tpu.memory_space<semaphore_mem>>) src(%arg7 : memref<80x64xf32, #tpu.memory_space<vmem>>) dst(%dma_wait3A_439 : memref<80x64xf32, #tpu.memory_space<hbm>>)
    %dma_start3A_440 = arith.constant 19 : i32
    %dma_start3A_441 = arith.constant 0 : i32
    %dma_start3A_442 = tpu.memref_slice %arg5[%dma_start3A_440, %dma_start3A_441] : memref<20x80xi32, #tpu.memory_space<vmem>> -> memref<1x80xi32, #tpu.memory_space<vmem>>
    %dma_start3A_443 = tpu.memref_squeeze %dma_start3A_442 : memref<1x80xi32, #tpu.memory_space<vmem>> -> memref<80xi32, #tpu.memory_space<vmem>>
    %dma_start3A_444 = arith.constant 0 : i32
    %dma_start3A_445 = arith.constant 0 : i32
    %dma_start3A_446 = tpu.memref_slice %arg2[%dma_start3A_444, %dma_start3A_445] : memref<625x64xf32, #tpu.memory_space<hbm>> -> memref<625x64xf32, #tpu.memory_space<hbm>>
    tpu.enqueue_indirect_dma source(%dma_start3A_446 : memref<625x64xf32, #tpu.memory_space<hbm>>) target(%arg7 : memref<80x64xf32, #tpu.memory_space<vmem>>) offsets(%dma_start3A_443 : memref<80xi32, #tpu.memory_space<vmem>>) semaphore(%arg9 : memref<!tpu.dma_semaphore, #tpu.memory_space<semaphore_mem>>)
    %dma_wait3A_447 = arith.constant 18 : i32
    %dma_wait3A_448 = arith.constant 0 : i32
    %dma_wait3A_449 = tpu.memref_slice %arg5[%dma_wait3A_447, %dma_wait3A_448] : memref<20x80xi32, #tpu.memory_space<vmem>> -> memref<1x80xi32, #tpu.memory_space<vmem>>
    %dma_wait3A_450 = tpu.memref_squeeze %dma_wait3A_449 : memref<1x80xi32, #tpu.memory_space<vmem>> -> memref<80xi32, #tpu.memory_space<vmem>>
    %dma_wait3A_451 = arith.constant 0 : i32
    %dma_wait3A_452 = arith.constant 0 : i32
    %dma_wait3A_453 = tpu.memref_slice %arg2[%dma_wait3A_451, %dma_wait3A_452] : memref<625x64xf32, #tpu.memory_space<hbm>> -> memref<625x64xf32, #tpu.memory_space<hbm>>
    tpu.wait_indirect_dma semaphore(%arg8 : memref<!tpu.dma_semaphore, #tpu.memory_space<semaphore_mem>>) src(%dma_wait3A_453 : memref<625x64xf32, #tpu.memory_space<hbm>>) dst(%arg6 : memref<80x64xf32, #tpu.memory_space<vmem>>)
    %add3A_454 = arith.constant 1440 : i32
    %add3A_455 = arith.addi %mul3A_2, %add3A_454 : i32
    %dma_start3A_456 = arith.constant 0 : i32
    %dma_start3A_457 = tpu.memref_slice %arg4[%add3A_455, %dma_start3A_456] : memref<51200x64xf32, #tpu.memory_space<hbm>> -> memref<80x64xf32, #tpu.memory_space<hbm>>
    %dma_start3A_458 = arith.constant 0 : i32
    %dma_start3A_459 = tpu.memref_slice %arg4[%add3A_455, %dma_start3A_458] : memref<51200x64xf32, #tpu.memory_space<hbm>> -> memref<80x64xf32, #tpu.memory_space<hbm>>
    tpu.enqueue_dma source(%arg6 : memref<80x64xf32, #tpu.memory_space<vmem>>) target(%dma_start3A_459 : memref<80x64xf32, #tpu.memory_space<hbm>>) target_semaphore(%arg10 : memref<!tpu.dma_semaphore, #tpu.memory_space<semaphore_mem>>)
    %dma_wait3A_460 = arith.constant 19 : i32
    %dma_wait3A_461 = arith.constant 0 : i32
    %dma_wait3A_462 = tpu.memref_slice %arg5[%dma_wait3A_460, %dma_wait3A_461] : memref<20x80xi32, #tpu.memory_space<vmem>> -> memref<1x80xi32, #tpu.memory_space<vmem>>
    %dma_wait3A_463 = tpu.memref_squeeze %dma_wait3A_462 : memref<1x80xi32, #tpu.memory_space<vmem>> -> memref<80xi32, #tpu.memory_space<vmem>>
    %dma_wait3A_464 = arith.constant 0 : i32
    %dma_wait3A_465 = arith.constant 0 : i32
    %dma_wait3A_466 = tpu.memref_slice %arg2[%dma_wait3A_464, %dma_wait3A_465] : memref<625x64xf32, #tpu.memory_space<hbm>> -> memref<625x64xf32, #tpu.memory_space<hbm>>
    tpu.wait_indirect_dma semaphore(%arg9 : memref<!tpu.dma_semaphore, #tpu.memory_space<semaphore_mem>>) src(%dma_wait3A_466 : memref<625x64xf32, #tpu.memory_space<hbm>>) dst(%arg7 : memref<80x64xf32, #tpu.memory_space<vmem>>)
    %add3A_467 = arith.constant 1520 : i32
    %add3A_468 = arith.addi %mul3A_2, %add3A_467 : i32
    %dma_start3A_469 = arith.constant 0 : i32
    %dma_start3A_470 = tpu.memref_slice %arg4[%add3A_468, %dma_start3A_469] : memref<51200x64xf32, #tpu.memory_space<hbm>> -> memref<80x64xf32, #tpu.memory_space<hbm>>
    %dma_start3A_471 = arith.constant 0 : i32
    %dma_start3A_472 = tpu.memref_slice %arg4[%add3A_468, %dma_start3A_471] : memref<51200x64xf32, #tpu.memory_space<hbm>> -> memref<80x64xf32, #tpu.memory_space<hbm>>
    tpu.enqueue_dma source(%arg7 : memref<80x64xf32, #tpu.memory_space<vmem>>) target(%dma_start3A_472 : memref<80x64xf32, #tpu.memory_space<hbm>>) target_semaphore(%arg11 : memref<!tpu.dma_semaphore, #tpu.memory_space<semaphore_mem>>)
    %dma_wait3A_473 = arith.constant 0 : i32
    %dma_wait3A_474 = tpu.memref_slice %arg4[%add3A_455, %dma_wait3A_473] : memref<51200x64xf32, #tpu.memory_space<hbm>> -> memref<80x64xf32, #tpu.memory_space<hbm>>
    %dma_wait3A_475 = arith.constant 0 : i32
    %dma_wait3A_476 = tpu.memref_slice %arg4[%add3A_455, %dma_wait3A_475] : memref<51200x64xf32, #tpu.memory_space<hbm>> -> memref<80x64xf32, #tpu.memory_space<hbm>>
    tpu.wait_dma2 semaphore(%arg10 : memref<!tpu.dma_semaphore, #tpu.memory_space<semaphore_mem>>) src(%arg6 : memref<80x64xf32, #tpu.memory_space<vmem>>) dst(%dma_wait3A_476 : memref<80x64xf32, #tpu.memory_space<hbm>>)
    %dma_wait3A_477 = arith.constant 0 : i32
    %dma_wait3A_478 = tpu.memref_slice %arg4[%add3A_468, %dma_wait3A_477] : memref<51200x64xf32, #tpu.memory_space<hbm>> -> memref<80x64xf32, #tpu.memory_space<hbm>>
    %dma_wait3A_479 = arith.constant 0 : i32
    %dma_wait3A_480 = tpu.memref_slice %arg4[%add3A_468, %dma_wait3A_479] : memref<51200x64xf32, #tpu.memory_space<hbm>> -> memref<80x64xf32, #tpu.memory_space<hbm>>
    tpu.wait_dma2 semaphore(%arg11 : memref<!tpu.dma_semaphore, #tpu.memory_space<semaphore_mem>>) src(%arg7 : memref<80x64xf32, #tpu.memory_space<vmem>>) dst(%dma_wait3A_480 : memref<80x64xf32, #tpu.memory_space<hbm>>)
    return
  }
}

module attributes {stable_mosaic.version = 14 : i64} {
  func.func @_k1_body(%arg0: i32, %arg1: memref<32x400x64xf32, #tpu.memory_space<vmem>>, %arg2: memref<64x384xf32, #tpu.memory_space<vmem>>, %arg3: memref<64x384xf32, #tpu.memory_space<vmem>>, %arg4: memref<128x384xf32, #tpu.memory_space<vmem>>, %arg5: memref<128x384xf32, #tpu.memory_space<vmem>>, %arg6: memref<4x384xf32, #tpu.memory_space<vmem>>, %arg7: memref<256x128xf32, #tpu.memory_space<vmem>>, %arg8: memref<1x128xf32, #tpu.memory_space<vmem>>, %arg9: memref<1x128xf32, #tpu.memory_space<vmem>>, %arg10: memref<400x256xf32, #tpu.memory_space<vmem>>, %arg11: memref<32x400x256xf32, #tpu.memory_space<vmem>>) attributes {dimension_semantics = [#tpu.dimension_semantics<parallel>], iteration_bounds = array<i64: 4>, scalar_prefetch = 0 : i64, scratch_operands = 1 : i64, tpu.core_type = #tpu.core_type<tc>, window_params = [{transform_indices = @transform_0, window_bounds = array<i64: 32, 400, 64>}, {pipeline_mode = #tpu.pipeline_mode<synchronous>, transform_indices = @transform_1, window_bounds = array<i64: 64, 384>}, {pipeline_mode = #tpu.pipeline_mode<synchronous>, transform_indices = @transform_2, window_bounds = array<i64: 64, 384>}, {pipeline_mode = #tpu.pipeline_mode<synchronous>, transform_indices = @transform_3, window_bounds = array<i64: 128, 384>}, {pipeline_mode = #tpu.pipeline_mode<synchronous>, transform_indices = @transform_4, window_bounds = array<i64: 128, 384>}, {pipeline_mode = #tpu.pipeline_mode<synchronous>, transform_indices = @transform_5, window_bounds = array<i64: 4, 384>}, {pipeline_mode = #tpu.pipeline_mode<synchronous>, transform_indices = @transform_6, window_bounds = array<i64: 256, 128>}, {pipeline_mode = #tpu.pipeline_mode<synchronous>, transform_indices = @transform_7, window_bounds = array<i64: 1, 128>}, {pipeline_mode = #tpu.pipeline_mode<synchronous>, transform_indices = @transform_8, window_bounds = array<i64: 1, 128>}, {transform_indices = @transform_9, window_bounds = array<i64: 400, 256>}]} {
    %get3A = arith.constant 0 : index
    %get3A_0 = arith.constant 0 : index
    %get3A_1 = vector.load %arg2[%get3A, %get3A_0] : memref<64x384xf32, #tpu.memory_space<vmem>>, vector<64x384xf32>
    %get3A_2 = arith.constant 0 : index
    %get3A_3 = arith.constant 0 : index
    %get3A_4 = vector.load %arg3[%get3A_2, %get3A_3] : memref<64x384xf32, #tpu.memory_space<vmem>>, vector<64x384xf32>
    %get3A_5 = arith.constant 0 : index
    %get3A_6 = arith.constant 0 : index
    %get3A_7 = vector.load %arg4[%get3A_5, %get3A_6] : memref<128x384xf32, #tpu.memory_space<vmem>>, vector<128x384xf32>
    %get3A_8 = arith.constant 0 : index
    %get3A_9 = arith.constant 0 : index
    %get3A_10 = vector.load %arg5[%get3A_8, %get3A_9] : memref<128x384xf32, #tpu.memory_space<vmem>>, vector<128x384xf32>
    %get3A_11 = arith.constant 0 : index
    %get3A_12 = arith.constant 0 : index
    %get3A_13 = vector.load %arg6[%get3A_11, %get3A_12] : memref<4x384xf32, #tpu.memory_space<vmem>>, vector<1x384xf32>
    %get3A_14 = arith.constant 1 : index
    %get3A_15 = arith.constant 0 : index
    %get3A_16 = vector.load %arg6[%get3A_14, %get3A_15] : memref<4x384xf32, #tpu.memory_space<vmem>>, vector<1x384xf32>
    %get3A_17 = arith.constant 2 : index
    %get3A_18 = arith.constant 0 : index
    %get3A_19 = vector.load %arg6[%get3A_17, %get3A_18] : memref<4x384xf32, #tpu.memory_space<vmem>>, vector<1x384xf32>
    %get3A_20 = arith.constant 3 : index
    %get3A_21 = arith.constant 0 : index
    %get3A_22 = vector.load %arg6[%get3A_20, %get3A_21] : memref<4x384xf32, #tpu.memory_space<vmem>>, vector<1x384xf32>
    %broadcast_in_dim3A = arith.constant 0.000000e+00 : f32
    %broadcast_in_dim3A_23 = vector.broadcast %broadcast_in_dim3A : f32 to vector<400x128xf32>
    %scan3A = arith.constant 0 : i32
    %scan3A_24 = arith.constant 32 : i32
    %scan3A_25 = arith.addi %scan3A, %scan3A_24 : i32
    %scan3A_26 = arith.constant 1 : i32
    %scan3A_27:2 = scf.for %scan3A_62 = %scan3A to %scan3A_25 step %scan3A_26 iter_args(%scan3A_63 = %broadcast_in_dim3A_23, %scan3A_64 = %broadcast_in_dim3A_23) -> (vector<400x128xf32>, vector<400x128xf32>)  : i32 {
      %sub3A_65 = arith.constant 31 : i32
      %sub3A_66 = arith.subi %sub3A_65, %scan3A_62 : i32
      %get3A_67 = arith.index_cast %scan3A_62 : i32 to index
      %get3A_68 = arith.constant 0 : index
      %get3A_69 = arith.constant 0 : index
      %get3A_70 = vector.load %arg1[%get3A_67, %get3A_68, %get3A_69] : memref<32x400x64xf32, #tpu.memory_space<vmem>>, vector<1x400x64xf32>
      %get3A_71 = vector.shape_cast %get3A_70 : vector<1x400x64xf32> to vector<400x64xf32>
      %get3A_72 = arith.index_cast %sub3A_66 : i32 to index
      %get3A_73 = arith.constant 0 : index
      %get3A_74 = arith.constant 0 : index
      %get3A_75 = vector.load %arg1[%get3A_72, %get3A_73, %get3A_74] : memref<32x400x64xf32, #tpu.memory_space<vmem>>, vector<1x400x64xf32>
      %get3A_76 = vector.shape_cast %get3A_75 : vector<1x400x64xf32> to vector<400x64xf32>
      %dot_general3A_77 = arith.constant dense<0.000000e+00> : vector<400x384xf32>
      %dot_general3A_78 = tpu.matmul %get3A_71, %get3A_1, %dot_general3A_77 {dimension_numbers = #tpu.dot_dimension_numbers<[1], [0], [0], [1], [0, 0, 1, 1], [], []>, transpose_lhs_hint = false} : vector<400x64xf32>, vector<64x384xf32>, vector<400x384xf32> -> vector<400x384xf32>
      %add3A_79 = vector.broadcast %get3A_13 : vector<1x384xf32> to vector<400x384xf32>
      %add3A_80 = arith.addf %dot_general3A_78, %add3A_79 : vector<400x384xf32>
      %dot_general3A_81 = arith.constant dense<0.000000e+00> : vector<400x384xf32>
      %dot_general3A_82 = tpu.matmul %scan3A_63, %get3A_7, %dot_general3A_81 {dimension_numbers = #tpu.dot_dimension_numbers<[1], [0], [0], [1], [0, 0, 1, 1], [], []>, transpose_lhs_hint = false} : vector<400x128xf32>, vector<128x384xf32>, vector<400x384xf32> -> vector<400x384xf32>
      %add3A_83 = vector.broadcast %get3A_16 : vector<1x384xf32> to vector<400x384xf32>
      %add3A_84 = arith.addf %dot_general3A_82, %add3A_83 : vector<400x384xf32>
      %dot_general3A_85 = arith.constant dense<0.000000e+00> : vector<400x384xf32>
      %dot_general3A_86 = tpu.matmul %get3A_76, %get3A_4, %dot_general3A_85 {dimension_numbers = #tpu.dot_dimension_numbers<[1], [0], [0], [1], [0, 0, 1, 1], [], []>, transpose_lhs_hint = false} : vector<400x64xf32>, vector<64x384xf32>, vector<400x384xf32> -> vector<400x384xf32>
      %add3A_87 = vector.broadcast %get3A_19 : vector<1x384xf32> to vector<400x384xf32>
      %add3A_88 = arith.addf %dot_general3A_86, %add3A_87 : vector<400x384xf32>
      %dot_general3A_89 = arith.constant dense<0.000000e+00> : vector<400x384xf32>
      %dot_general3A_90 = tpu.matmul %scan3A_64, %get3A_10, %dot_general3A_89 {dimension_numbers = #tpu.dot_dimension_numbers<[1], [0], [0], [1], [0, 0, 1, 1], [], []>, transpose_lhs_hint = false} : vector<400x128xf32>, vector<128x384xf32>, vector<400x384xf32> -> vector<400x384xf32>
      %add3A_91 = vector.broadcast %get3A_22 : vector<1x384xf32> to vector<400x384xf32>
      %add3A_92 = arith.addf %dot_general3A_90, %add3A_91 : vector<400x384xf32>
      %slice3A = vector.extract_strided_slice %add3A_80 {offsets = [0, 0], sizes = [400, 128], strides = [1, 1]} : vector<400x384xf32> to vector<400x128xf32>
      %slice3A_93 = vector.extract_strided_slice %add3A_84 {offsets = [0, 0], sizes = [400, 128], strides = [1, 1]} : vector<400x384xf32> to vector<400x128xf32>
      %add3A_94 = arith.addf %slice3A, %slice3A_93 : vector<400x128xf32>
      %logistic3A = arith.negf %add3A_94 : vector<400x128xf32>
      %logistic3A_95 = math.exp %logistic3A : vector<400x128xf32>
      %logistic3A_96 = arith.constant 1.000000e+00 : f32
      %logistic3A_97 = vector.broadcast %logistic3A_96 : f32 to vector<400x128xf32>
      %logistic3A_98 = arith.addf %logistic3A_97, %logistic3A_95 : vector<400x128xf32>
      %logistic3A_99 = arith.divf %logistic3A_97, %logistic3A_98 : vector<400x128xf32>
      %slice3A_100 = vector.extract_strided_slice %add3A_80 {offsets = [0, 128], sizes = [400, 128], strides = [1, 1]} : vector<400x384xf32> to vector<400x128xf32>
      %slice3A_101 = vector.extract_strided_slice %add3A_84 {offsets = [0, 128], sizes = [400, 128], strides = [1, 1]} : vector<400x384xf32> to vector<400x128xf32>
      %add3A_102 = arith.addf %slice3A_100, %slice3A_101 : vector<400x128xf32>
      %logistic3A_103 = arith.negf %add3A_102 : vector<400x128xf32>
      %logistic3A_104 = math.exp %logistic3A_103 : vector<400x128xf32>
      %logistic3A_105 = arith.constant 1.000000e+00 : f32
      %logistic3A_106 = vector.broadcast %logistic3A_105 : f32 to vector<400x128xf32>
      %logistic3A_107 = arith.addf %logistic3A_106, %logistic3A_104 : vector<400x128xf32>
      %logistic3A_108 = arith.divf %logistic3A_106, %logistic3A_107 : vector<400x128xf32>
      %slice3A_109 = vector.extract_strided_slice %add3A_80 {offsets = [0, 256], sizes = [400, 128], strides = [1, 1]} : vector<400x384xf32> to vector<400x128xf32>
      %slice3A_110 = vector.extract_strided_slice %add3A_84 {offsets = [0, 256], sizes = [400, 128], strides = [1, 1]} : vector<400x384xf32> to vector<400x128xf32>
      %mul3A_111 = arith.mulf %logistic3A_108, %slice3A_110 : vector<400x128xf32>
      %add3A_112 = arith.addf %slice3A_109, %mul3A_111 : vector<400x128xf32>
      %tanh3A_113 = math.tanh %add3A_112 : vector<400x128xf32>
      %sub3A_114 = arith.subf %scan3A_63, %tanh3A_113 : vector<400x128xf32>
      %mul3A_115 = arith.mulf %logistic3A_99, %sub3A_114 : vector<400x128xf32>
      %add3A_116 = arith.addf %tanh3A_113, %mul3A_115 : vector<400x128xf32>
      %slice3A_117 = vector.extract_strided_slice %add3A_88 {offsets = [0, 0], sizes = [400, 128], strides = [1, 1]} : vector<400x384xf32> to vector<400x128xf32>
      %slice3A_118 = vector.extract_strided_slice %add3A_92 {offsets = [0, 0], sizes = [400, 128], strides = [1, 1]} : vector<400x384xf32> to vector<400x128xf32>
      %add3A_119 = arith.addf %slice3A_117, %slice3A_118 : vector<400x128xf32>
      %logistic3A_120 = arith.negf %add3A_119 : vector<400x128xf32>
      %logistic3A_121 = math.exp %logistic3A_120 : vector<400x128xf32>
      %logistic3A_122 = arith.constant 1.000000e+00 : f32
      %logistic3A_123 = vector.broadcast %logistic3A_122 : f32 to vector<400x128xf32>
      %logistic3A_124 = arith.addf %logistic3A_123, %logistic3A_121 : vector<400x128xf32>
      %logistic3A_125 = arith.divf %logistic3A_123, %logistic3A_124 : vector<400x128xf32>
      %slice3A_126 = vector.extract_strided_slice %add3A_88 {offsets = [0, 128], sizes = [400, 128], strides = [1, 1]} : vector<400x384xf32> to vector<400x128xf32>
      %slice3A_127 = vector.extract_strided_slice %add3A_92 {offsets = [0, 128], sizes = [400, 128], strides = [1, 1]} : vector<400x384xf32> to vector<400x128xf32>
      %add3A_128 = arith.addf %slice3A_126, %slice3A_127 : vector<400x128xf32>
      %logistic3A_129 = arith.negf %add3A_128 : vector<400x128xf32>
      %logistic3A_130 = math.exp %logistic3A_129 : vector<400x128xf32>
      %logistic3A_131 = arith.constant 1.000000e+00 : f32
      %logistic3A_132 = vector.broadcast %logistic3A_131 : f32 to vector<400x128xf32>
      %logistic3A_133 = arith.addf %logistic3A_132, %logistic3A_130 : vector<400x128xf32>
      %logistic3A_134 = arith.divf %logistic3A_132, %logistic3A_133 : vector<400x128xf32>
      %slice3A_135 = vector.extract_strided_slice %add3A_88 {offsets = [0, 256], sizes = [400, 128], strides = [1, 1]} : vector<400x384xf32> to vector<400x128xf32>
      %slice3A_136 = vector.extract_strided_slice %add3A_92 {offsets = [0, 256], sizes = [400, 128], strides = [1, 1]} : vector<400x384xf32> to vector<400x128xf32>
      %mul3A_137 = arith.mulf %logistic3A_134, %slice3A_136 : vector<400x128xf32>
      %add3A_138 = arith.addf %slice3A_135, %mul3A_137 : vector<400x128xf32>
      %tanh3A_139 = math.tanh %add3A_138 : vector<400x128xf32>
      %sub3A_140 = arith.subf %scan3A_64, %tanh3A_139 : vector<400x128xf32>
      %mul3A_141 = arith.mulf %logistic3A_125, %sub3A_140 : vector<400x128xf32>
      %add3A_142 = arith.addf %tanh3A_139, %mul3A_141 : vector<400x128xf32>
      %swap3A_143 = arith.index_cast %scan3A_62 : i32 to index
      %swap3A_144 = arith.constant 0 : index
      %swap3A_145 = arith.constant 0 : index
      %swap3A_146 = vector.load %arg11[%swap3A_143, %swap3A_144, %swap3A_145] : memref<32x400x256xf32, #tpu.memory_space<vmem>>, vector<1x400x128xf32>
      %swap3A_147 = vector.shape_cast %swap3A_146 : vector<1x400x128xf32> to vector<400x128xf32>
      %swap3A_148 = vector.shape_cast %add3A_116 : vector<400x128xf32> to vector<1x400x128xf32>
      tpu.vector_store %arg11[%swap3A_143, %swap3A_144, %swap3A_145], %swap3A_148 {strides = array<i32>} : memref<32x400x256xf32, #tpu.memory_space<vmem>>, vector<1x400x128xf32>,
      %swap3A_149 = arith.index_cast %sub3A_66 : i32 to index
      %swap3A_150 = arith.constant 0 : index
      %swap3A_151 = arith.constant 128 : index
      %swap3A_152 = vector.load %arg11[%swap3A_149, %swap3A_150, %swap3A_151] : memref<32x400x256xf32, #tpu.memory_space<vmem>>, vector<1x400x128xf32>
      %swap3A_153 = vector.shape_cast %swap3A_152 : vector<1x400x128xf32> to vector<400x128xf32>
      %swap3A_154 = vector.shape_cast %add3A_142 : vector<400x128xf32> to vector<1x400x128xf32>
      tpu.vector_store %arg11[%swap3A_149, %swap3A_150, %swap3A_151], %swap3A_154 {strides = array<i32>} : memref<32x400x256xf32, #tpu.memory_space<vmem>>, vector<1x400x128xf32>,
      scf.yield %add3A_116, %add3A_142 : vector<400x128xf32>, vector<400x128xf32>
    }
    %scan3A_28 = arith.constant 32 : i32
    %get3A_29 = arith.constant 0 : index
    %get3A_30 = arith.constant 0 : index
    %get3A_31 = arith.constant 0 : index
    %get3A_32 = vector.load %arg11[%get3A_29, %get3A_30, %get3A_31] : memref<32x400x256xf32, #tpu.memory_space<vmem>>, vector<32x400x256xf32>
    %reshape3A = vector.shape_cast %get3A_32 : vector<32x400x256xf32> to vector<12800x256xf32>
    %get3A_33 = arith.constant 0 : index
    %get3A_34 = arith.constant 0 : index
    %get3A_35 = vector.load %arg7[%get3A_33, %get3A_34] : memref<256x128xf32, #tpu.memory_space<vmem>>, vector<256x128xf32>
    %dot_general3A = arith.constant dense<0.000000e+00> : vector<12800x128xf32>
    %dot_general3A_36 = tpu.matmul %reshape3A, %get3A_35, %dot_general3A {dimension_numbers = #tpu.dot_dimension_numbers<[1], [0], [0], [1], [0, 0, 1, 1], [], []>, transpose_lhs_hint = false} : vector<12800x256xf32>, vector<256x128xf32>, vector<12800x128xf32> -> vector<12800x128xf32>
    %get3A_37 = arith.constant 0 : index
    %get3A_38 = arith.constant 0 : index
    %get3A_39 = vector.load %arg8[%get3A_37, %get3A_38] : memref<1x128xf32, #tpu.memory_space<vmem>>, vector<1x128xf32>
    %add3A = vector.broadcast %get3A_39 : vector<1x128xf32> to vector<12800x128xf32>
    %add3A_40 = arith.addf %dot_general3A_36, %add3A : vector<12800x128xf32>
    %tanh3A = math.tanh %add3A_40 : vector<12800x128xf32>
    %reshape3A_41 = vector.shape_cast %tanh3A : vector<12800x128xf32> to vector<32x400x128xf32>
    %get3A_42 = arith.constant 0 : index
    %get3A_43 = arith.constant 0 : index
    %get3A_44 = vector.load %arg9[%get3A_42, %get3A_43] : memref<1x128xf32, #tpu.memory_space<vmem>>, vector<1x128xf32>
    %broadcast_in_dim3A_45 = vector.shape_cast %get3A_44 : vector<1x128xf32> to vector<1x1x128xf32>
    %mul3A = vector.broadcast %broadcast_in_dim3A_45 : vector<1x1x128xf32> to vector<32x400x128xf32>
    %mul3A_46 = arith.mulf %reshape3A_41, %mul3A : vector<32x400x128xf32>
    %reduce_sum3A = arith.constant dense<0.000000e+00> : vector<32x400xf32>
    %reduce_sum3A_47 = vector.multi_reduction <add>, %mul3A_46, %reduce_sum3A [2] : vector<32x400x128xf32> to vector<32x400xf32>
    %reduce_max3A = arith.constant dense<0xFF800000> : vector<400xf32>
    %reduce_max3A_48 = vector.multi_reduction <maximumf>, %reduce_sum3A_47, %reduce_max3A [0] : vector<32x400xf32> to vector<400xf32>
    %broadcast_in_dim3A_49 = vector.shape_cast %reduce_max3A_48 : vector<400xf32> to vector<1x400xf32>
    %sub3A = vector.broadcast %broadcast_in_dim3A_49 : vector<1x400xf32> to vector<32x400xf32>
    %sub3A_50 = arith.subf %reduce_sum3A_47, %sub3A : vector<32x400xf32>
    %exp3A = math.exp %sub3A_50 : vector<32x400xf32>
    %reduce_sum3A_51 = arith.constant dense<0.000000e+00> : vector<400xf32>
    %reduce_sum3A_52 = vector.multi_reduction <add>, %exp3A, %reduce_sum3A_51 [0] : vector<32x400xf32> to vector<400xf32>
    %broadcast_in_dim3A_53 = vector.shape_cast %reduce_sum3A_52 : vector<400xf32> to vector<1x400xf32>
    %div3A = vector.broadcast %broadcast_in_dim3A_53 : vector<1x400xf32> to vector<32x400xf32>
    %div3A_54 = arith.divf %exp3A, %div3A : vector<32x400xf32>
    %broadcast_in_dim3A_55 = vector.shape_cast %div3A_54 : vector<32x400xf32> to vector<32x400x1xf32>
    %mul3A_56 = vector.broadcast %broadcast_in_dim3A_55 : vector<32x400x1xf32> to vector<32x400x256xf32>
    %mul3A_57 = arith.mulf %mul3A_56, %get3A_32 : vector<32x400x256xf32>
    %reduce_sum3A_58 = arith.constant dense<0.000000e+00> : vector<400x256xf32>
    %reduce_sum3A_59 = vector.multi_reduction <add>, %mul3A_57, %reduce_sum3A_58 [0] : vector<32x400x256xf32> to vector<400x256xf32>
    %swap3A = arith.constant 0 : index
    %swap3A_60 = arith.constant 0 : index
    %swap3A_61 = vector.load %arg10[%swap3A, %swap3A_60] : memref<400x256xf32, #tpu.memory_space<vmem>>, vector<400x256xf32>
    tpu.vector_store %arg10[%swap3A, %swap3A_60], %reduce_sum3A_59 {strides = array<i32>} : memref<400x256xf32, #tpu.memory_space<vmem>>, vector<400x256xf32>,
    return
  }
  func.func @transform_0(%arg0: i32) -> (i32, i32, i32) {
    %c0_i32 = arith.constant 0 : i32
    %c0_i32_0 = arith.constant 0 : i32
    %c0_i32_1 = arith.constant 0 : i32
    return %c0_i32, %arg0, %c0_i32_0 : i32, i32, i32
  }
  func.func @transform_1(%arg0: i32) -> (i32, i32) {
    %c0_i32 = arith.constant 0 : i32
    %c0_i32_0 = arith.constant 0 : i32
    %c0_i32_1 = arith.constant 0 : i32
    return %c0_i32, %c0_i32_0 : i32, i32
  }
  func.func @transform_2(%arg0: i32) -> (i32, i32) {
    %c0_i32 = arith.constant 0 : i32
    %c0_i32_0 = arith.constant 0 : i32
    %c0_i32_1 = arith.constant 0 : i32
    return %c0_i32, %c0_i32_0 : i32, i32
  }
  func.func @transform_3(%arg0: i32) -> (i32, i32) {
    %c0_i32 = arith.constant 0 : i32
    %c0_i32_0 = arith.constant 0 : i32
    %c0_i32_1 = arith.constant 0 : i32
    return %c0_i32, %c0_i32_0 : i32, i32
  }
  func.func @transform_4(%arg0: i32) -> (i32, i32) {
    %c0_i32 = arith.constant 0 : i32
    %c0_i32_0 = arith.constant 0 : i32
    %c0_i32_1 = arith.constant 0 : i32
    return %c0_i32, %c0_i32_0 : i32, i32
  }
  func.func @transform_5(%arg0: i32) -> (i32, i32) {
    %c0_i32 = arith.constant 0 : i32
    %c0_i32_0 = arith.constant 0 : i32
    %c0_i32_1 = arith.constant 0 : i32
    return %c0_i32, %c0_i32_0 : i32, i32
  }
  func.func @transform_6(%arg0: i32) -> (i32, i32) {
    %c0_i32 = arith.constant 0 : i32
    %c0_i32_0 = arith.constant 0 : i32
    %c0_i32_1 = arith.constant 0 : i32
    return %c0_i32, %c0_i32_0 : i32, i32
  }
  func.func @transform_7(%arg0: i32) -> (i32, i32) {
    %c0_i32 = arith.constant 0 : i32
    %c0_i32_0 = arith.constant 0 : i32
    %c0_i32_1 = arith.constant 0 : i32
    return %c0_i32, %c0_i32_0 : i32, i32
  }
  func.func @transform_8(%arg0: i32) -> (i32, i32) {
    %c0_i32 = arith.constant 0 : i32
    %c0_i32_0 = arith.constant 0 : i32
    %c0_i32_1 = arith.constant 0 : i32
    return %c0_i32, %c0_i32_0 : i32, i32
  }
  func.func @transform_9(%arg0: i32) -> (i32, i32) {
    %c0_i32 = arith.constant 0 : i32
    %c0_i32_0 = arith.constant 0 : i32
    return %arg0, %c0_i32 : i32, i32
  }
}

module attributes {stable_mosaic.version = 14 : i64} {
  func.func @_k2_body(%arg0: memref<32x50x256xf32, #tpu.memory_space<vmem>>, %arg1: memref<32x50x256xf32, #tpu.memory_space<vmem>>, %arg2: memref<32x1xi32, #tpu.memory_space<vmem>>, %arg3: memref<32x1xi32, #tpu.memory_space<vmem>>, %arg4: memref<256x128xf32, #tpu.memory_space<vmem>>, %arg5: memref<1x128xf32, #tpu.memory_space<vmem>>, %arg6: memref<1x128xf32, #tpu.memory_space<vmem>>, %arg7: memref<256x128xf32, #tpu.memory_space<vmem>>, %arg8: memref<1x128xf32, #tpu.memory_space<vmem>>, %arg9: memref<1x128xf32, #tpu.memory_space<vmem>>, %arg10: memref<512x256xf32, #tpu.memory_space<vmem>>, %arg11: memref<1x256xf32, #tpu.memory_space<vmem>>, %arg12: memref<1x256xf32, #tpu.memory_space<vmem>>, %arg13: memref<1x1xf32, #tpu.memory_space<vmem>>, %arg14: memref<32x1xf32, #tpu.memory_space<vmem>>, %arg15: memref<32x50xf32, #tpu.memory_space<vmem>>, %arg16: memref<32x50xf32, #tpu.memory_space<vmem>>, %arg17: memref<32x50x256xf32, #tpu.memory_space<vmem>>, %arg18: memref<32x50x256xf32, #tpu.memory_space<vmem>>) attributes {dimension_semantics = [], scalar_prefetch = 0 : i64, scratch_operands = 4 : i64, tpu.core_type = #tpu.core_type<tc>} {
    %iota3A = tpu.iota {dimensions = array<i32: 1>} : vector<32x50xi32>
    %get3A = arith.constant 0 : index
    %get3A_0 = arith.constant 0 : index
    %get3A_1 = vector.load %arg2[%get3A, %get3A_0] : memref<32x1xi32, #tpu.memory_space<vmem>>, vector<32x1xi32>
    %lt3A = vector.broadcast %get3A_1 : vector<32x1xi32> to vector<32x50xi32>
    %lt3A_2 = arith.cmpi slt, %iota3A, %lt3A : vector<32x50xi32>
    %convert_element_type3A = arith.extui %lt3A_2 : vector<32x50xi1> to vector<32x50xi32>
    %convert_element_type3A_3 = arith.sitofp %convert_element_type3A : vector<32x50xi32> to vector<32x50xf32>
    %swap3A = arith.constant 0 : index
    %swap3A_4 = arith.constant 0 : index
    %swap3A_5 = vector.load %arg15[%swap3A, %swap3A_4] : memref<32x50xf32, #tpu.memory_space<vmem>>, vector<32x50xf32>
    tpu.vector_store %arg15[%swap3A, %swap3A_4], %convert_element_type3A_3 {strides = array<i32>} : memref<32x50xf32, #tpu.memory_space<vmem>>, vector<32x50xf32>,
    %get3A_6 = arith.constant 0 : index
    %get3A_7 = arith.constant 0 : index
    %get3A_8 = vector.load %arg3[%get3A_6, %get3A_7] : memref<32x1xi32, #tpu.memory_space<vmem>>, vector<32x1xi32>
    %lt3A_9 = vector.broadcast %get3A_8 : vector<32x1xi32> to vector<32x50xi32>
    %lt3A_10 = arith.cmpi slt, %iota3A, %lt3A_9 : vector<32x50xi32>
    %convert_element_type3A_11 = arith.extui %lt3A_10 : vector<32x50xi1> to vector<32x50xi32>
    %convert_element_type3A_12 = arith.sitofp %convert_element_type3A_11 : vector<32x50xi32> to vector<32x50xf32>
    %swap3A_13 = arith.constant 0 : index
    %swap3A_14 = arith.constant 0 : index
    %swap3A_15 = vector.load %arg16[%swap3A_13, %swap3A_14] : memref<32x50xf32, #tpu.memory_space<vmem>>, vector<32x50xf32>
    tpu.vector_store %arg16[%swap3A_13, %swap3A_14], %convert_element_type3A_12 {strides = array<i32>} : memref<32x50xf32, #tpu.memory_space<vmem>>, vector<32x50xf32>,
    %scan3A = arith.constant 0 : i32
    %scan3A_16 = arith.constant 32 : i32
    %scan3A_17 = arith.addi %scan3A, %scan3A_16 : i32
    %scan3A_18 = arith.constant 1 : i32
    scf.for %scan3A_140 = %scan3A to %scan3A_17 step %scan3A_18  : i32 {
      %get3A_141 = arith.index_cast %scan3A_140 : i32 to index
      %get3A_142 = arith.constant 0 : index
      %get3A_143 = arith.constant 0 : index
      %get3A_144 = vector.load %arg0[%get3A_141, %get3A_142, %get3A_143] : memref<32x50x256xf32, #tpu.memory_space<vmem>>, vector<1x50x256xf32>
      %get3A_145 = vector.shape_cast %get3A_144 : vector<1x50x256xf32> to vector<50x256xf32>
      %get3A_146 = arith.index_cast %scan3A_140 : i32 to index
      %get3A_147 = arith.constant 0 : index
      %get3A_148 = arith.constant 0 : index
      %get3A_149 = vector.load %arg1[%get3A_146, %get3A_147, %get3A_148] : memref<32x50x256xf32, #tpu.memory_space<vmem>>, vector<1x50x256xf32>
      %get3A_150 = vector.shape_cast %get3A_149 : vector<1x50x256xf32> to vector<50x256xf32>
      %get3A_151 = arith.index_cast %scan3A_140 : i32 to index
      %get3A_152 = arith.constant 0 : index
      %get3A_153 = vector.load %arg15[%get3A_151, %get3A_152] : memref<32x50xf32, #tpu.memory_space<vmem>>, vector<1x50xf32>
      %get3A_154 = vector.shape_cast %get3A_153 : vector<1x50xf32> to vector<50xf32>
      %get3A_155 = arith.index_cast %scan3A_140 : i32 to index
      %get3A_156 = arith.constant 0 : index
      %get3A_157 = vector.load %arg16[%get3A_155, %get3A_156] : memref<32x50xf32, #tpu.memory_space<vmem>>, vector<1x50xf32>
      %get3A_158 = vector.shape_cast %get3A_157 : vector<1x50xf32> to vector<50xf32>
      %dot_general3A_159 = arith.constant dense<0.000000e+00> : vector<50x50xf32>
      %dot_general3A_160 = tpu.matmul %get3A_150, %get3A_145, %dot_general3A_159 {dimension_numbers = #tpu.dot_dimension_numbers<[1], [1], [0], [0], [0, 0, 1, 0], [], []>, transpose_lhs_hint = false} : vector<50x256xf32>, vector<50x256xf32>, vector<50x50xf32> -> vector<50x50xf32>
      %sub3A_161 = arith.constant 1.000000e+00 : f32
      %sub3A_162 = vector.broadcast %sub3A_161 : f32 to vector<50xf32>
      %sub3A_163 = arith.subf %sub3A_162, %get3A_154 : vector<50xf32>
      %mul3A_164 = arith.constant -1.000000e+09 : f32
      %mul3A_165 = vector.broadcast %mul3A_164 : f32 to vector<50xf32>
      %mul3A_166 = arith.mulf %sub3A_163, %mul3A_165 : vector<50xf32>
      %broadcast_in_dim3A_167 = vector.shape_cast %mul3A_166 : vector<50xf32> to vector<1x50xf32>
      %add3A_168 = vector.broadcast %broadcast_in_dim3A_167 : vector<1x50xf32> to vector<50x50xf32>
      %add3A_169 = arith.addf %dot_general3A_160, %add3A_168 : vector<50x50xf32>
      %reduce_max3A_170 = arith.constant dense<0xFF800000> : vector<50xf32>
      %reduce_max3A_171 = vector.multi_reduction <maximumf>, %add3A_169, %reduce_max3A_170 [1] : vector<50x50xf32> to vector<50xf32>
      %broadcast_in_dim3A_172 = vector.shape_cast %reduce_max3A_171 : vector<50xf32> to vector<50x1xf32>
      %sub3A_173 = vector.broadcast %broadcast_in_dim3A_172 : vector<50x1xf32> to vector<50x50xf32>
      %sub3A_174 = arith.subf %add3A_169, %sub3A_173 : vector<50x50xf32>
      %exp3A_175 = math.exp %sub3A_174 : vector<50x50xf32>
      %reduce_sum3A_176 = arith.constant dense<0.000000e+00> : vector<50xf32>
      %reduce_sum3A_177 = vector.multi_reduction <add>, %exp3A_175, %reduce_sum3A_176 [1] : vector<50x50xf32> to vector<50xf32>
      %broadcast_in_dim3A_178 = vector.shape_cast %reduce_sum3A_177 : vector<50xf32> to vector<50x1xf32>
      %div3A_179 = vector.broadcast %broadcast_in_dim3A_178 : vector<50x1xf32> to vector<50x50xf32>
      %div3A_180 = arith.divf %exp3A_175, %div3A_179 : vector<50x50xf32>
      %dot_general3A_181 = arith.constant dense<0.000000e+00> : vector<50x256xf32>
      %dot_general3A_182 = tpu.matmul %div3A_180, %get3A_145, %dot_general3A_181 {dimension_numbers = #tpu.dot_dimension_numbers<[1], [0], [0], [1], [0, 0, 1, 1], [], []>, transpose_lhs_hint = false} : vector<50x50xf32>, vector<50x256xf32>, vector<50x256xf32> -> vector<50x256xf32>
      %swap3A_183 = arith.index_cast %scan3A_140 : i32 to index
      %swap3A_184 = arith.constant 0 : index
      %swap3A_185 = arith.constant 0 : index
      %swap3A_186 = vector.load %arg17[%swap3A_183, %swap3A_184, %swap3A_185] : memref<32x50x256xf32, #tpu.memory_space<vmem>>, vector<1x50x256xf32>
      %swap3A_187 = vector.shape_cast %swap3A_186 : vector<1x50x256xf32> to vector<50x256xf32>
      %swap3A_188 = vector.shape_cast %dot_general3A_182 : vector<50x256xf32> to vector<1x50x256xf32>
      tpu.vector_store %arg17[%swap3A_183, %swap3A_184, %swap3A_185], %swap3A_188 {strides = array<i32>} : memref<32x50x256xf32, #tpu.memory_space<vmem>>, vector<1x50x256xf32>,
      %dot_general3A_189 = arith.constant dense<0.000000e+00> : vector<50x50xf32>
      %dot_general3A_190 = tpu.matmul %get3A_145, %get3A_150, %dot_general3A_189 {dimension_numbers = #tpu.dot_dimension_numbers<[1], [1], [0], [0], [0, 0, 1, 0], [], []>, transpose_lhs_hint = false} : vector<50x256xf32>, vector<50x256xf32>, vector<50x50xf32> -> vector<50x50xf32>
      %sub3A_191 = arith.constant 1.000000e+00 : f32
      %sub3A_192 = vector.broadcast %sub3A_191 : f32 to vector<50xf32>
      %sub3A_193 = arith.subf %sub3A_192, %get3A_158 : vector<50xf32>
      %mul3A_194 = arith.constant -1.000000e+09 : f32
      %mul3A_195 = vector.broadcast %mul3A_194 : f32 to vector<50xf32>
      %mul3A_196 = arith.mulf %sub3A_193, %mul3A_195 : vector<50xf32>
      %broadcast_in_dim3A_197 = vector.shape_cast %mul3A_196 : vector<50xf32> to vector<1x50xf32>
      %add3A_198 = vector.broadcast %broadcast_in_dim3A_197 : vector<1x50xf32> to vector<50x50xf32>
      %add3A_199 = arith.addf %dot_general3A_190, %add3A_198 : vector<50x50xf32>
      %reduce_max3A_200 = arith.constant dense<0xFF800000> : vector<50xf32>
      %reduce_max3A_201 = vector.multi_reduction <maximumf>, %add3A_199, %reduce_max3A_200 [1] : vector<50x50xf32> to vector<50xf32>
      %broadcast_in_dim3A_202 = vector.shape_cast %reduce_max3A_201 : vector<50xf32> to vector<50x1xf32>
      %sub3A_203 = vector.broadcast %broadcast_in_dim3A_202 : vector<50x1xf32> to vector<50x50xf32>
      %sub3A_204 = arith.subf %add3A_199, %sub3A_203 : vector<50x50xf32>
      %exp3A_205 = math.exp %sub3A_204 : vector<50x50xf32>
      %reduce_sum3A_206 = arith.constant dense<0.000000e+00> : vector<50xf32>
      %reduce_sum3A_207 = vector.multi_reduction <add>, %exp3A_205, %reduce_sum3A_206 [1] : vector<50x50xf32> to vector<50xf32>
      %broadcast_in_dim3A_208 = vector.shape_cast %reduce_sum3A_207 : vector<50xf32> to vector<50x1xf32>
      %div3A_209 = vector.broadcast %broadcast_in_dim3A_208 : vector<50x1xf32> to vector<50x50xf32>
      %div3A_210 = arith.divf %exp3A_205, %div3A_209 : vector<50x50xf32>
      %dot_general3A_211 = arith.constant dense<0.000000e+00> : vector<50x256xf32>
      %dot_general3A_212 = tpu.matmul %div3A_210, %get3A_150, %dot_general3A_211 {dimension_numbers = #tpu.dot_dimension_numbers<[1], [0], [0], [1], [0, 0, 1, 1], [], []>, transpose_lhs_hint = false} : vector<50x50xf32>, vector<50x256xf32>, vector<50x256xf32> -> vector<50x256xf32>
      %swap3A_213 = arith.index_cast %scan3A_140 : i32 to index
      %swap3A_214 = arith.constant 0 : index
      %swap3A_215 = arith.constant 0 : index
      %swap3A_216 = vector.load %arg18[%swap3A_213, %swap3A_214, %swap3A_215] : memref<32x50x256xf32, #tpu.memory_space<vmem>>, vector<1x50x256xf32>
      %swap3A_217 = vector.shape_cast %swap3A_216 : vector<1x50x256xf32> to vector<50x256xf32>
      %swap3A_218 = vector.shape_cast %dot_general3A_212 : vector<50x256xf32> to vector<1x50x256xf32>
      tpu.vector_store %arg18[%swap3A_213, %swap3A_214, %swap3A_215], %swap3A_218 {strides = array<i32>} : memref<32x50x256xf32, #tpu.memory_space<vmem>>, vector<1x50x256xf32>,
    }
    %scan3A_19 = arith.constant 32 : i32
    %get3A_20 = arith.constant 0 : index
    %get3A_21 = arith.constant 0 : index
    %get3A_22 = arith.constant 0 : index
    %get3A_23 = vector.load %arg17[%get3A_20, %get3A_21, %get3A_22] : memref<32x50x256xf32, #tpu.memory_space<vmem>>, vector<32x50x256xf32>
    %get3A_24 = arith.constant 0 : index
    %get3A_25 = arith.constant 0 : index
    %get3A_26 = vector.load %arg16[%get3A_24, %get3A_25] : memref<32x50xf32, #tpu.memory_space<vmem>>, vector<32x50xf32>
    %broadcast_in_dim3A = vector.shape_cast %get3A_26 : vector<32x50xf32> to vector<32x50x1xf32>
    %mul3A = vector.broadcast %broadcast_in_dim3A : vector<32x50x1xf32> to vector<32x50x256xf32>
    %mul3A_27 = arith.mulf %get3A_23, %mul3A : vector<32x50x256xf32>
    %get3A_28 = arith.constant 0 : index
    %get3A_29 = arith.constant 0 : index
    %get3A_30 = arith.constant 0 : index
    %get3A_31 = vector.load %arg18[%get3A_28, %get3A_29, %get3A_30] : memref<32x50x256xf32, #tpu.memory_space<vmem>>, vector<32x50x256xf32>
    %get3A_32 = arith.constant 0 : index
    %get3A_33 = arith.constant 0 : index
    %get3A_34 = vector.load %arg15[%get3A_32, %get3A_33] : memref<32x50xf32, #tpu.memory_space<vmem>>, vector<32x50xf32>
    %broadcast_in_dim3A_35 = vector.shape_cast %get3A_34 : vector<32x50xf32> to vector<32x50x1xf32>
    %mul3A_36 = vector.broadcast %broadcast_in_dim3A_35 : vector<32x50x1xf32> to vector<32x50x256xf32>
    %mul3A_37 = arith.mulf %get3A_31, %mul3A_36 : vector<32x50x256xf32>
    %reshape3A = vector.shape_cast %mul3A_27 : vector<32x50x256xf32> to vector<1600x256xf32>
    %get3A_38 = arith.constant 0 : index
    %get3A_39 = arith.constant 0 : index
    %get3A_40 = vector.load %arg4[%get3A_38, %get3A_39] : memref<256x128xf32, #tpu.memory_space<vmem>>, vector<256x128xf32>
    %dot_general3A = arith.constant dense<0.000000e+00> : vector<1600x128xf32>
    %dot_general3A_41 = tpu.matmul %reshape3A, %get3A_40, %dot_general3A {dimension_numbers = #tpu.dot_dimension_numbers<[1], [0], [0], [1], [0, 0, 1, 1], [], []>, transpose_lhs_hint = false} : vector<1600x256xf32>, vector<256x128xf32>, vector<1600x128xf32> -> vector<1600x128xf32>
    %get3A_42 = arith.constant 0 : index
    %get3A_43 = arith.constant 0 : index
    %get3A_44 = vector.load %arg5[%get3A_42, %get3A_43] : memref<1x128xf32, #tpu.memory_space<vmem>>, vector<1x128xf32>
    %add3A = vector.broadcast %get3A_44 : vector<1x128xf32> to vector<1600x128xf32>
    %add3A_45 = arith.addf %dot_general3A_41, %add3A : vector<1600x128xf32>
    %tanh3A = math.tanh %add3A_45 : vector<1600x128xf32>
    %reshape3A_46 = vector.shape_cast %tanh3A : vector<1600x128xf32> to vector<32x50x128xf32>
    %get3A_47 = arith.constant 0 : index
    %get3A_48 = arith.constant 0 : index
    %get3A_49 = vector.load %arg6[%get3A_47, %get3A_48] : memref<1x128xf32, #tpu.memory_space<vmem>>, vector<1x128xf32>
    %broadcast_in_dim3A_50 = vector.shape_cast %get3A_49 : vector<1x128xf32> to vector<1x1x128xf32>
    %mul3A_51 = vector.broadcast %broadcast_in_dim3A_50 : vector<1x1x128xf32> to vector<32x50x128xf32>
    %mul3A_52 = arith.mulf %reshape3A_46, %mul3A_51 : vector<32x50x128xf32>
    %reduce_sum3A = arith.constant dense<0.000000e+00> : vector<32x50xf32>
    %reduce_sum3A_53 = vector.multi_reduction <add>, %mul3A_52, %reduce_sum3A [2] : vector<32x50x128xf32> to vector<32x50xf32>
    %reduce_max3A = arith.constant dense<0xFF800000> : vector<32xf32>
    %reduce_max3A_54 = vector.multi_reduction <maximumf>, %reduce_sum3A_53, %reduce_max3A [1] : vector<32x50xf32> to vector<32xf32>
    %broadcast_in_dim3A_55 = vector.shape_cast %reduce_max3A_54 : vector<32xf32> to vector<32x1xf32>
    %sub3A = vector.broadcast %broadcast_in_dim3A_55 : vector<32x1xf32> to vector<32x50xf32>
    %sub3A_56 = arith.subf %reduce_sum3A_53, %sub3A : vector<32x50xf32>
    %exp3A = math.exp %sub3A_56 : vector<32x50xf32>
    %reduce_sum3A_57 = arith.constant dense<0.000000e+00> : vector<32xf32>
    %reduce_sum3A_58 = vector.multi_reduction <add>, %exp3A, %reduce_sum3A_57 [1] : vector<32x50xf32> to vector<32xf32>
    %broadcast_in_dim3A_59 = vector.shape_cast %reduce_sum3A_58 : vector<32xf32> to vector<32x1xf32>
    %div3A = vector.broadcast %broadcast_in_dim3A_59 : vector<32x1xf32> to vector<32x50xf32>
    %div3A_60 = arith.divf %exp3A, %div3A : vector<32x50xf32>
    %broadcast_in_dim3A_61 = vector.shape_cast %div3A_60 : vector<32x50xf32> to vector<32x50x1xf32>
    %mul3A_62 = vector.broadcast %broadcast_in_dim3A_61 : vector<32x50x1xf32> to vector<32x50x256xf32>
    %mul3A_63 = arith.mulf %mul3A_62, %mul3A_27 : vector<32x50x256xf32>
    %reduce_sum3A_64 = arith.constant dense<0.000000e+00> : vector<32x256xf32>
    %reduce_sum3A_65 = vector.multi_reduction <add>, %mul3A_63, %reduce_sum3A_64 [1] : vector<32x50x256xf32> to vector<32x256xf32>
    %reshape3A_66 = vector.shape_cast %mul3A_37 : vector<32x50x256xf32> to vector<1600x256xf32>
    %get3A_67 = arith.constant 0 : index
    %get3A_68 = arith.constant 0 : index
    %get3A_69 = vector.load %arg7[%get3A_67, %get3A_68] : memref<256x128xf32, #tpu.memory_space<vmem>>, vector<256x128xf32>
    %dot_general3A_70 = arith.constant dense<0.000000e+00> : vector<1600x128xf32>
    %dot_general3A_71 = tpu.matmul %reshape3A_66, %get3A_69, %dot_general3A_70 {dimension_numbers = #tpu.dot_dimension_numbers<[1], [0], [0], [1], [0, 0, 1, 1], [], []>, transpose_lhs_hint = false} : vector<1600x256xf32>, vector<256x128xf32>, vector<1600x128xf32> -> vector<1600x128xf32>
    %get3A_72 = arith.constant 0 : index
    %get3A_73 = arith.constant 0 : index
    %get3A_74 = vector.load %arg8[%get3A_72, %get3A_73] : memref<1x128xf32, #tpu.memory_space<vmem>>, vector<1x128xf32>
    %add3A_75 = vector.broadcast %get3A_74 : vector<1x128xf32> to vector<1600x128xf32>
    %add3A_76 = arith.addf %dot_general3A_71, %add3A_75 : vector<1600x128xf32>
    %tanh3A_77 = math.tanh %add3A_76 : vector<1600x128xf32>
    %reshape3A_78 = vector.shape_cast %tanh3A_77 : vector<1600x128xf32> to vector<32x50x128xf32>
    %get3A_79 = arith.constant 0 : index
    %get3A_80 = arith.constant 0 : index
    %get3A_81 = vector.load %arg9[%get3A_79, %get3A_80] : memref<1x128xf32, #tpu.memory_space<vmem>>, vector<1x128xf32>
    %broadcast_in_dim3A_82 = vector.shape_cast %get3A_81 : vector<1x128xf32> to vector<1x1x128xf32>
    %mul3A_83 = vector.broadcast %broadcast_in_dim3A_82 : vector<1x1x128xf32> to vector<32x50x128xf32>
    %mul3A_84 = arith.mulf %reshape3A_78, %mul3A_83 : vector<32x50x128xf32>
    %reduce_sum3A_85 = arith.constant dense<0.000000e+00> : vector<32x50xf32>
    %reduce_sum3A_86 = vector.multi_reduction <add>, %mul3A_84, %reduce_sum3A_85 [2] : vector<32x50x128xf32> to vector<32x50xf32>
    %reduce_max3A_87 = arith.constant dense<0xFF800000> : vector<32xf32>
    %reduce_max3A_88 = vector.multi_reduction <maximumf>, %reduce_sum3A_86, %reduce_max3A_87 [1] : vector<32x50xf32> to vector<32xf32>
    %broadcast_in_dim3A_89 = vector.shape_cast %reduce_max3A_88 : vector<32xf32> to vector<32x1xf32>
    %sub3A_90 = vector.broadcast %broadcast_in_dim3A_89 : vector<32x1xf32> to vector<32x50xf32>
    %sub3A_91 = arith.subf %reduce_sum3A_86, %sub3A_90 : vector<32x50xf32>
    %exp3A_92 = math.exp %sub3A_91 : vector<32x50xf32>
    %reduce_sum3A_93 = arith.constant dense<0.000000e+00> : vector<32xf32>
    %reduce_sum3A_94 = vector.multi_reduction <add>, %exp3A_92, %reduce_sum3A_93 [1] : vector<32x50xf32> to vector<32xf32>
    %broadcast_in_dim3A_95 = vector.shape_cast %reduce_sum3A_94 : vector<32xf32> to vector<32x1xf32>
    %div3A_96 = vector.broadcast %broadcast_in_dim3A_95 : vector<32x1xf32> to vector<32x50xf32>
    %div3A_97 = arith.divf %exp3A_92, %div3A_96 : vector<32x50xf32>
    %broadcast_in_dim3A_98 = vector.shape_cast %div3A_97 : vector<32x50xf32> to vector<32x50x1xf32>
    %mul3A_99 = vector.broadcast %broadcast_in_dim3A_98 : vector<32x50x1xf32> to vector<32x50x256xf32>
    %mul3A_100 = arith.mulf %mul3A_99, %mul3A_37 : vector<32x50x256xf32>
    %reduce_sum3A_101 = arith.constant dense<0.000000e+00> : vector<32x256xf32>
    %reduce_sum3A_102 = vector.multi_reduction <add>, %mul3A_100, %reduce_sum3A_101 [1] : vector<32x50x256xf32> to vector<32x256xf32>
    %concatenate3A = tpu.concatenate %reduce_sum3A_65, %reduce_sum3A_102 in 1 : vector<32x256xf32>, vector<32x256xf32> -> vector<32x512xf32>
    %get3A_103 = arith.constant 0 : index
    %get3A_104 = arith.constant 0 : index
    %get3A_105 = vector.load %arg10[%get3A_103, %get3A_104] : memref<512x256xf32, #tpu.memory_space<vmem>>, vector<512x256xf32>
    %dot_general3A_106 = arith.constant dense<0.000000e+00> : vector<32x256xf32>
    %dot_general3A_107 = tpu.matmul %concatenate3A, %get3A_105, %dot_general3A_106 {dimension_numbers = #tpu.dot_dimension_numbers<[1], [0], [0], [1], [0, 0, 1, 1], [], []>, transpose_lhs_hint = false} : vector<32x512xf32>, vector<512x256xf32>, vector<32x256xf32> -> vector<32x256xf32>
    %get3A_108 = arith.constant 0 : index
    %get3A_109 = arith.constant 0 : index
    %get3A_110 = vector.load %arg11[%get3A_108, %get3A_109] : memref<1x256xf32, #tpu.memory_space<vmem>>, vector<1x256xf32>
    %add3A_111 = vector.broadcast %get3A_110 : vector<1x256xf32> to vector<32x256xf32>
    %add3A_112 = arith.addf %dot_general3A_107, %add3A_111 : vector<32x256xf32>
    %gt3A = arith.constant 0.000000e+00 : f32
    %gt3A_113 = vector.broadcast %gt3A : f32 to vector<32x256xf32>
    %gt3A_114 = arith.cmpf ogt, %add3A_112, %gt3A_113 : vector<32x256xf32>
    %exp3A_115 = math.exp %add3A_112 : vector<32x256xf32>
    %sub3A_116 = arith.constant 1.000000e+00 : f32
    %sub3A_117 = vector.broadcast %sub3A_116 : f32 to vector<32x256xf32>
    %sub3A_118 = arith.subf %exp3A_115, %sub3A_117 : vector<32x256xf32>
    %select_n3A = arith.select %gt3A_114, %add3A_112, %sub3A_118 : vector<32x256xi1>, vector<32x256xf32>
    %get3A_119 = arith.constant 0 : index
    %get3A_120 = arith.constant 0 : index
    %get3A_121 = vector.load %arg12[%get3A_119, %get3A_120] : memref<1x256xf32, #tpu.memory_space<vmem>>, vector<1x256xf32>
    %mul3A_122 = vector.broadcast %get3A_121 : vector<1x256xf32> to vector<32x256xf32>
    %mul3A_123 = arith.mulf %select_n3A, %mul3A_122 : vector<32x256xf32>
    %reduce_sum3A_124 = arith.constant dense<0.000000e+00> : vector<32xf32>
    %reduce_sum3A_125 = vector.multi_reduction <add>, %mul3A_123, %reduce_sum3A_124 [1] : vector<32x256xf32> to vector<32xf32>
    %broadcast_in_dim3A_126 = vector.shape_cast %reduce_sum3A_125 : vector<32xf32> to vector<32x1xf32>
    %get3A_127 = arith.constant 0 : index
    %get3A_128 = arith.constant 0 : index
    %get3A_129 = vector.load %arg13[%get3A_127, %get3A_128] : memref<1x1xf32, #tpu.memory_space<vmem>>, vector<1x1xf32>
    %add3A_130 = vector.broadcast %get3A_129 : vector<1x1xf32> to vector<32x1xf32>
    %add3A_131 = arith.addf %broadcast_in_dim3A_126, %add3A_130 : vector<32x1xf32>
    %logistic3A = arith.negf %add3A_131 : vector<32x1xf32>
    %logistic3A_132 = math.exp %logistic3A : vector<32x1xf32>
    %logistic3A_133 = arith.constant 1.000000e+00 : f32
    %logistic3A_134 = vector.broadcast %logistic3A_133 : f32 to vector<32x1xf32>
    %logistic3A_135 = arith.addf %logistic3A_134, %logistic3A_132 : vector<32x1xf32>
    %logistic3A_136 = arith.divf %logistic3A_134, %logistic3A_135 : vector<32x1xf32>
    %swap3A_137 = arith.constant 0 : index
    %swap3A_138 = arith.constant 0 : index
    %swap3A_139 = vector.load %arg14[%swap3A_137, %swap3A_138] : memref<32x1xf32, #tpu.memory_space<vmem>>, vector<32x1xf32>
    tpu.vector_store %arg14[%swap3A_137, %swap3A_138], %logistic3A_136 {strides = array<i32>} : memref<32x1xf32, #tpu.memory_space<vmem>>, vector<32x1xf32>,
    return
  }
}

</mosaic_0001>

<sc_bundles>
// kernel: kernel.10.cloned.1.call-start
scs
__scs_entry_jumppad:
0x0: {  	(pc) =	sbr.rel $0x88, $3  }
0x1: {  	(tag) =	ssettag $0x0;
	lr =	simm.s32 $0x1  }
0x2: {  	[smem:$0x3F80] =	sst lr;
	_ =	strace $0xD0000000  }
0x3: {  	_ = 	snop  }
0x4: {  	_ = 	snop  }
0x5: {  	_ = 	snop  }
0x6: {  	_ = 	snop  }
0x7: {  	_ = 	snop  }
__scs_overlays_trampoline_lowered:
0x8: {  	[smem:$0x3F8F] =	sst s0  }
0x9: {  	[smem:$0x3F90] =	sst s1  }
0xa: {  	[smem:$0x3F91] =	sst s2  }
0xb: {  	[smem:$0x3F92] =	sst s3  }
0xc: {  	[smem:$0x3F93] =	sst s4  }
0xd: {  	[smem:$0x3F94] =	sst s5  }
0xe: {  	[smem:$0x3F95] =	sst s6  }
0xf: {  	[smem:$0x3F96] =	sst s7  }
0x10: {  	[smem:$0x3F97] =	sst s8  }
0x11: {  	[smem:$0x3F98] =	sst s9;
	s0 =	simm.s32 @!p0 $0x0  }
0x12: {  	s1 =	sld [smem:$0x3F7E];
	s0 =	simm.s32 @p0 $0x1  }
0x13: {  	[smem:$0x3F99] =	sst s0;
	s0 =	simm.s32 @!p1 $0x0  }
0x14: {  	s2 =	sld [smem:$0x3F7D];
	s0 =	simm.s32 @p1 $0x1  }
0x15: {  	[smem:$0x3F9A] =	sst s0;
	s0 =	simm.s32 @!p2 $0x0  }
0x16: {  	s3 =	sld [smem:$0x3FDB];
	s0 =	simm.s32 @p2 $0x1  }
0x17: {  	s4 =	simm.s32 $0x1BF5;
	[smem:$0x3F9C] =	sst s0  }
0x18: {  	s0 =	sld [smem:$0x3F7F];
	_ =	swait.ge [sflag:s4], $0x0  }
0x19: {  	s7 =	sld [smem:$0x3F80]  }
0x1a: {  	s8 =	sadd.s32 $0xFFFFE003, lr  }
0x1b: {  	s9 =	sadd.s32 $0xFFFFFEF7, lr;
	s5 =	simm.s32 $0xFFFFFFFF;
	p2 =	slt.u32 s8, $0xFFFFF086  }
0x1c: {  	p1 =	slt.u32 s9, $0xF7A;
	s5 =	simm.s32 @!p2 $0x0  }
0x1d: {  	s5 =	simm.s32 @p1 $0x1;
	p0 =	seq.s32 s7, s2  }
0x1e: {  	s7 =	smul.u32 @!p0 $0xF7A, s2;
	p2 =	seq.s32 @!p0 s5, $0x0  }
0x1f: {  	s9 =	smul.u32 $0xF7A, s1;
	s8 =	simm.s32 @!p0 $0x1BF5;
	p2 =	por !p2, p0  }
0x20: {  	[sflag:s8] =	ssyncset.s32 @!p0 $0xFFFFF086;
	s6 =	sadd.s32 @!p0 s3, s7;
	s7 =	simm.s32 @!p0 $0x108  }
0x21: {  	s3 =	sadd.s32 s3, s9;
	s6 =	sadd.s32 @!p0 $0x88, s6;
	s7 =	simm.s32 @p2 $0x1082  }
0x22: {  	[simem:s7], [sflag:s8] =	dma.local @!p0 [hbm:s6], $0xF7A  }
0x23: {  	s9 =	sor.u32 $0xD0000000, s2;
	s6 =	simm.s32 $0x108;
	_ =	swait.ge @!p0 [sflag:s8], $0x0  }
0x24: {  	s3 =	sadd.s32 $0x88, s3;
	s6 =	simm.s32 @!p1 $0x1082;
	[sflag:s4] =	ssyncset.s32 $0xFFFFF086  }
0x25: {  	[simem:s6], [sflag:s4] =	dma.local [hbm:s3], $0xF7A  }
0x26: {  	[smem:$0x3F80] =	sst s1;
	(tag) =	ssettag s2;
	_ =	strace s9  }
0x27: {  	s1 =	sld [smem:$0x3F90]  }
0x28: {  	s2 =	sld [smem:$0x3F91]  }
0x29: {  	s4 =	sld [smem:$0x3F93]  }
0x2a: {  	p0 =	seq.s32 s5, $0x0;
	s5 =	sld [smem:$0x3F94]  }
0x2b: {  	s6 =	sld [smem:$0x3F95]  }
0x2c: {  	s7 =	sld [smem:$0x3F96]  }
0x2d: {  	s3 =	simm.s32 $0x108;
	s8 =	sld [smem:$0x3F97]  }
0x2e: {  	s3 =	simm.s32 @!p0 $0x1082;
	s9 =	sld [smem:$0x3F98]  }
0x2f: {  	lr =	sadd.s32 s0, s3;
	s0 =	sld [smem:$0x3F8F]  }
0x30: {  	s3 =	sld [smem:$0x3F92]  }
0x31: {  	[smem:$0x3F9B] =	sst s10  }
0x32: {  	s10 =	sld [smem:$0x3F99];
	_ =	sdelay $0x3  }
0x33: {  	p0 =	seq.s32 s10, $0x1;
	s10 =	sld [smem:$0x3F9B];
	_ =	sdelay $0x3  }
0x34: {  	[smem:$0x3F9B] =	sst s10  }
0x35: {  	s10 =	sld [smem:$0x3F9A];
	_ =	sdelay $0x3  }
0x36: {  	p1 =	seq.s32 s10, $0x1;
	s10 =	sld [smem:$0x3F9B];
	_ =	sdelay $0x3  }
0x37: {  	[smem:$0x3F9B] =	sst s10  }
0x38: {  	s10 =	sld [smem:$0x3F9C]  }
0x39: {  	_ = 	snop;
	(pc) =	sbr.ind lr, $3  }
0x3a: {  	_ = 	snop  }
0x3b: {  	_ = 	snop  }
0x3c: {  	p2 =	seq.s32 s10, $0x1;
	s10 =	sld [smem:$0x3F9B]  }
0x3d: {  	_ =	shalt  }
0x3e: {  	_ =	shalt  }
0x3f: {  	_ =	shalt  }
0x40: {  	_ =	shalt  }
0x41: {  	_ =	shalt  }
0x42: {  	_ =	shalt  }
0x43: {  	_ =	shalt  }
0x44: {  	_ =	shalt  }
0x45: {  	_ =	shalt  }
0x46: {  	_ =	shalt  }
0x47: {  	_ =	shalt  }
0x48: {  	_ =	shalt  }
0x49: {  	_ =	shalt  }
0x4a: {  	_ =	shalt  }
0x4b: {  	_ =	shalt  }
0x4c: {  	_ =	shalt  }
0x4d: {  	_ =	shalt  }
0x4e: {  	_ =	shalt  }
0x4f: {  	_ =	shalt  }
0x50: {  	_ =	shalt  }
0x51: {  	_ =	shalt  }
0x52: {  	_ =	shalt  }
0x53: {  	_ =	shalt  }
0x54: {  	_ =	shalt  }
0x55: {  	_ =	shalt  }
0x56: {  	_ =	shalt  }
0x57: {  	_ =	shalt  }
0x58: {  	_ =	shalt  }
0x59: {  	_ =	shalt  }
0x5a: {  	_ =	shalt  }
0x5b: {  	_ =	shalt  }
0x5c: {  	_ =	shalt  }
0x5d: {  	_ =	shalt  }
0x5e: {  	_ =	shalt  }
0x5f: {  	_ =	shalt  }
0x60: {  	_ =	shalt  }
0x61: {  	_ =	shalt  }
0x62: {  	_ =	shalt  }
0x63: {  	_ =	shalt  }
0x64: {  	_ =	shalt  }
0x65: {  	_ =	shalt  }
0x66: {  	_ =	shalt  }
0x67: {  	_ =	shalt  }
0x68: {  	_ =	shalt  }
0x69: {  	_ =	shalt  }
0x6a: {  	_ =	shalt  }
0x6b: {  	_ =	shalt  }
0x6c: {  	_ =	shalt  }
0x6d: {  	_ =	shalt  }
0x6e: {  	_ =	shalt  }
0x6f: {  	_ =	shalt  }
0x70: {  	_ =	shalt  }
0x71: {  	_ =	shalt  }
0x72: {  	_ =	shalt  }
0x73: {  	_ =	shalt  }
0x74: {  	_ =	shalt  }
0x75: {  	_ =	shalt  }
0x76: {  	_ =	shalt  }
0x77: {  	_ =	shalt  }
0x78: {  	_ =	shalt  }
0x79: {  	_ =	shalt  }
0x7a: {  	_ =	shalt  }
0x7b: {  	_ =	shalt  }
0x7c: {  	_ =	shalt  }
0x7d: {  	_ =	shalt  }
0x7e: {  	_ =	shalt  }
0x7f: {  	_ =	shalt  }
0x80: {  	_ =	shalt  }
0x81: {  	_ =	shalt  }
0x82: {  	_ =	shalt  }
0x83: {  	_ =	shalt  }
0x84: {  	_ =	shalt  }
0x85: {  	_ =	shalt  }
0x86: {  	_ =	shalt  }
0x87: {  	_ =	shalt  }
.Lfunc_end0:
.L_simem_size_0:
called_computation.1_lowered:
.L_overlay_start_0:
0x88: {  	s2 =	sld [smem:$0x3FD9]  }
0x89: {  	s3 =	sld [smem:$0x3FFE];
	_ =	sdelay $0x1  }
0x8a: {  	s1 =	srdreg.scid  }
0x8b: {  	s0 =	sand.u32 $0x1, s1  }
0x8c: {  	s17 =	sshll.u32 s0, $0xA;
	s2 =	sadd.s32 s3, s2  }
0x8d: {  	s2 =	sadd.s32 s2, s17  }
0x8e: {  	[smem:$0x3FA7] =	sst s2  }
0x8f: {  	_ = 	snop  }
0x90: {  	(tm) =	ssettm $0x1  }
0x91: {  	s18 =	sld [smem:$0x3FFB];
	_ =	sdelay $0x3  }
0x92: {  	_ =	strace s18  }
0x93: {  	s2 =	sld [smem:$0x3FFC];
	_ =	sdelay $0x3  }
0x94: {  	_ =	strace s2  }
0x95: {  	s2 =	sld [smem:$0x3FFD];
	_ =	sdelay $0x3  }
0x96: {  	_ =	strace s2  }
0x97: {  	_ =	strace $0x8FFFFFFF  }
0x98: {  	s19 =	sld [smem:$0x3FDB];
	_ =	sdelay $0x1  }
0x99: {  	s20 =	simm.s32 $_scs_section_size  }
0x9a: {  	s4 =	simm.s32 $_size__tile_overlayer_lowered;
	s5 =	simm.s32 $_tile_overlayer_lowered  }
0x9b: {  	s6 =	simm.s32 $0x1BFF;
	s21 =	sshll.u32 s5, $0x1;
	s3 =	sadd.s32 s20, s19  }
0x9c: {  	s22 =	simm.s32 $0x0;
	s4 =	sshll.u32 s4, $0x1;
	s5 =	sadd.s32 s21, s3  }
0x9d: {  	[timem:s22], [sflag:s6] =	dma.local [hbm:s5], s4  }
0x9e: {  	_ =	swait.ge [sflag:s6], s4  }
0x9f: {  	s4 =	ssub.s32 $0x0, s4;
	[sflag:s6] =	ssyncset.done $0x0  }
0xa0: {  	[sflag:s6] =	ssyncadd.s32 s4;
	_ =	sdelay $0x1  }
0xa1: {  	s23 =	simm.s32 $0x1B8B  }
0xa2: {  	_ =	swait.ge [sflag:s23], $0x1  }
0xa3: {  	[sflag:s23] =	ssyncset.done $0x0  }
0xa4: {  	[sflag:s23] =	ssyncadd.s32 $0xFFFFFFFF  }
0xa5: {  	s4 =	sld [smem:$0x0]  }
0xa6: {  	s5 =	sand.u32 $0xFFFFFFFE, s1  }
0xa7: {  	p0 =	sne.s32 s1, s5  }
0xa8: {  	s5 =	sshll.u32 @p0 s5, $0xE  }
0xa9: {  	s5 =	sadd.s32 @p0 $0x11B8D, s5;
	s6 =	sshll.u32 @p0 s4, $0x11  }
0xaa: {  	s5 =	sor.u32 @p0 s6, s5  }
0xab: {  	[sflag:s5] =	ssyncadd.remote.s32 @p0 $0x1;
	_ =	sdelay $0x1  }
0xac: {  	s5 =	simm.s32 @p0 $0x1B8D  }
0xad: {  	_ =	swait.eq @p0 [sflag:s5], $0x1  }
0xae: {  	[sflag:s5] =	ssyncadd.s32 @p0 $0xFFFFFFFF  }
0xaf: {  	s6 =	sshll.u32 @!p0 s1, $0xE  }
0xb0: {  	s6 =	sor.u32 @!p0 $0x4000, s6;
	s5 =	simm.s32 @!p0 $0x1B8D  }
0xb1: {  	s4 =	sshll.u32 @!p0 s4, $0x11;
	s6 =	sadd.s32 @!p0 $0x11B8D, s6;
	_ =	swait.eq @!p0 [sflag:s5], $0x1  }
0xb2: {  	s4 =	sor.u32 @!p0 s4, s6;
	[sflag:s5] =	ssyncadd.s32 @!p0 $0xFFFFFFFF  }
0xb3: {  	s25 =	simm.s32 $0x1B8E;
	s24 =	sld [smem:$0x3FFE];
	[sflag:s4] =	ssyncadd.remote.s32 @!p0 $0x1  }
0xb4: {  	s26 =	simm.s32 $execute0_lowered;
	[smem:$0x3FD2] =	sst s25  }
0xb5: {  	s5 =	sshll.u32 s26, $0x1;
	_ =	strace $0x80000049;
	[dreg:$0x1] =	wrdreg $0xFFFFFFFF  }
0xb6: {  	s28 =	simm.s32 $_size_execute0_lowered;
	s3 =	sadd.s32 s3, s5;
	[dreg:$0x0] =	wrdreg $0x0  }
0xb7: {  	s5 =	sshll.u32 s28, $0x1;
	[dreg:$0x2] =	wrdreg s3  }
0xb8: {  	[dreg:$0x3] =	wrdreg s5  }
0xb9: {  	[dreg:$0x4] =	wrdreg $0xC0  }
0xba: {  	_ =	task [dreg:s22], $0x5FFFF  }
0xbb: {  	[dreg:$0x1] =	wrdreg $0xFFFFFFFF  }
0xbc: {  	[dreg:$0x0] =	wrdreg $0x60  }
0xbd: {  	[dreg:$0x2] =	wrdreg s24  }
0xbe: {  	[dreg:$0x3] =	wrdreg $0xA  }
0xbf: {  	_ =	task.clear_ibuf [dreg:s22], $0x4FFFF;
	_ =	strace $0x90000049  }
0xc0: {  	s29 =	simm.s32 $0xA;
	_ =	strace $0x8000004B  }
0xc1: {  	_ =	swait.ge [sflag:s29], $0x1  }
0xc2: {  	[sflag:s29] =	ssyncadd.s32 $0xFFFFFFFF  }
0xc3: {  	_ =	strace $0x9000004B  }
0xc4: {  	_ =	sfence  }
0xc5: {  	s30 =	sld [smem:$0x0];
	_ =	sdelay $0x2  }
0xc6: {  	s31 =	sshll.u32 s1, $0xD;
	s1 =	sshrl.u32 s1, $0x2  }
0xc7: {  	s4 =	sand.u32 $0x4000, s31;
	s1 =	sadd.s32 s1, s30  }
0xc8: {  	s0 =	sor.u32 s4, s0;
	s1 =	sshll.u32 s1, $0x11  }
0xc9: {  	s0 =	sor.u32 s1, s0  }
0xca: {  	s0 =	sadd.s32 $0x8F2B, s0  }
0xcb: {  	[sflag:s0] =	ssyncadd.remote.s32 $0x1  }
0xcc: {  	_ =	sfence.sel $0xFFFF  }
0xcd: {  	[dreg:$0x0] =	wrdreg $0xFFFFFFFF;
	(pc) =	sbr.abs _section_cstart, $3  }
0xce: {  	[dreg:$0x1] =	wrdreg $0xFFFFFFFF  }
0xcf: {  	_ =	task.clear_ibuf [dreg:s22], $0x2FFFF;
	_ =	strace $0x9FFFFFFF  }
0xd0: {  	(tm) =	ssettm $0x7FFFFFFF  }
0xd1: {  	_ =	shalt  }
tec
execute0_lowered:
.L_overlay_start_1:
0x0: {  	(tag) =	ssettag $0x1  }
0x1: {  	s0 =	srdreg.scid;
	s1 =	stileid.u32  }
0x2: {  	s0 =	sand.u32 $0x1, s0;
	s1 =	sshll.u32 s1, $0x1  }
0x3: {  	s1 =	sor.u32 s0, s1  }
0x4: {  	s4 =	smul.u32 $0xC8, s1  }
0x5: {  	s3 =	rddreg [dreg:$0x0];
	s2 =	simm.s32 $0x0;
	s5 =	smul.u32 $0x19000, s1  }
0x6: {  	[smem:$0x7FF] =	sst s2;
	s1 =	smul.u32 $0x3200, s1  }
0x7: {  	s6 =	sadd.s32 $0x6B600, s3;
	_ =	strace $0x8000004A  }
0x8: {  	s4 =	sadd.s32 s4, s3;
	s5 =	sshrl.u32 s5, $0x3;
	s1 =	sadd.s32 s6, s1  }
0x9: {  	s4 =	sadd.s32 $0x69C00, s4;
	s7 =	sadd.s32 s6, s5;
	[dreg:$0x3] =	wrdreg s1  }
0xa: {  	[dreg:$0x2] =	wrdreg s4;
	s8 =	sadd.s32 $0x280, s7  }
0xb: {  	s31 =	simm.s32 $0x5;
	s9 =	sadd.s32 $0x500, s7;
	[dreg:$0x4] =	wrdreg s8  }
0xc: {  	s30 =	simm.s32 $0xA0;
	s10 =	sadd.s32 $0x780, s7;
	[dreg:$0x5] =	wrdreg s9  }
0xd: {  	s29 =	simm.s32 $0xF0;
	s11 =	sadd.s32 $0xA00, s7;
	[dreg:$0x6] =	wrdreg s10  }
0xe: {  	s28 =	simm.s32 $0x140;
	s12 =	sadd.s32 $0xC80, s7;
	[dreg:$0x7] =	wrdreg s11  }
0xf: {  	p0 =	por $0x0, $0x0;
	s13 =	sadd.s32 $0xF00, s7;
	[dreg:$0x8] =	wrdreg s12  }
0x10: {  	s0 =	ssub.s32 $0x2, s0;
	s14 =	sadd.s32 $0x1180, s7;
	[dreg:$0x9] =	wrdreg s13  }
0x11: {  	s24 =	sshrl.u32 s0, $0x1;
	s15 =	sadd.s32 $0x1400, s7;
	[dreg:$0xa] =	wrdreg s14  }
0x12: {  	s0 =	ssub.s32 s0, s24;
	s16 =	sadd.s32 $0x1680, s7;
	[dreg:$0xb] =	wrdreg s15  }
0x13: {  	s24 =	simm.s32 $0x230;
	s17 =	sadd.s32 $0x1900, s7;
	[dreg:$0xc] =	wrdreg s16  }
0x14: {  	s3 =	sadd.s32 $0x2E00, s3;
	s18 =	sadd.s32 $0x1B80, s7;
	[dreg:$0xd] =	wrdreg s17  }
0x15: {  	s0 =	smax.u32 s0, $0x1;
	s19 =	sadd.s32 $0x1E00, s7;
	[dreg:$0xe] =	wrdreg s18  }
0x16: {  	s5 =	simm.s32 $0x3;
	s20 =	sadd.s32 $0x2080, s7;
	[dreg:$0xf] =	wrdreg s19  }
0x17: {  	s6 =	simm.s32 $0x4;
	s21 =	sadd.s32 $0x2300, s7;
	[dreg:$0x10] =	wrdreg s20  }
0x18: {  	p1 =	sne.s32 s0, $0x1;
	s22 =	sadd.s32 $0x2580, s7;
	[dreg:$0x11] =	wrdreg s21  }
0x19: {  	s1 =	sadd.s32 $0xFFFFFFFF, s0;
	s23 =	sadd.s32 $0x2800, s7;
	[dreg:$0x12] =	wrdreg s22  }
0x1a: {  	s25 =	sadd.s32 $0x2A80, s7;
	s26 =	sadd.s32 $0x2D00, s7;
	[dreg:$0x13] =	wrdreg s23  }
0x1b: {  	s4 =	sadd.s32 $0x2F80, s7;
	s7 =	simm.s32 $0x1A40;
	[dreg:$0x14] =	wrdreg s25  }
0x1c: {  	[dreg:$0x15] =	wrdreg s26;
	s11 =	simm.s32 $0x50;
	s8 =	simm.s32 $0x640  }
0x1d: {  	s10 =	simm.s32 $0x1;
	s9 =	simm.s32 $0x2;
	s26 =	simm.s32 $0x190  }
.Ltmp0:
0x1e: {  	s25 =	simm.s32 $0x1E0;
	s23 =	simm.s32 $0x280;
	(pc) =	sbr.rel @!p1 .LBB2_3-.Ltmp0, $4  }
0x1f: {  	s22 =	simm.s32 $0x2D0;
	s21 =	simm.s32 $0x320;
	s20 =	simm.s32 $0x370  }
0x20: {  	s19 =	simm.s32 $0x3C0;
	s18 =	simm.s32 $0x410;
	s17 =	simm.s32 $0x460  }
0x21: {  	s16 =	simm.s32 $0x4B0;
	s15 =	simm.s32 $0x500;
	s14 =	simm.s32 $0x550  }
0x22: {  	s13 =	simm.s32 $0x5A0;
	s12 =	simm.s32 $0x5F0;
	s0 =	rddreg [dreg:$0x2]  }
0x23: {  	[tilespmem:s2], [sflag:$0x5] =	stream.linear.gather [hbm4b:s0+s2], $0x640, $0x38;
	[tilespmem:$0x2E40] =	vst v63  }
0x24: {  	_ =	swait.ge [sflag:s31], $0x640  }
0x25: {  	[sflag:s31] =	ssyncset.done $0x0  }
0x26: {  	[sflag:s31] =	ssyncadd.s32 $0xFFFFF9C0  }
0x27: {  	[tilespmem:s8], [sflag:$0x1] =	stream.indirect.gather [hbm4b:s3+s11], $0x40, s2, s11, $0xb8;
	[tilespmem:$0x2E40] =	vst v63  }
0x28: {  	_ = 	snop  }
0x29: {  	[tilespmem:s7], [sflag:$0x2] =	stream.indirect.gather [hbm4b:s3+s11], $0x40, s11, s11, $0xb8;
	[tilespmem:$0x2E40] =	vst v63  }
0x2a: {  	_ =	swait.ge [sflag:s10], $0x1400  }
0x2b: {  	[sflag:s10] =	ssyncset.done $0x0  }
0x2c: {  	s0 =	rddreg [dreg:$0x3];
	[sflag:s10] =	ssyncadd.s32 $0xFFFFEC00  }
0x2d: {  	[hbm4b:s0+s2] =	stream.linear.scatter [tilespmem:s8], [sflag:$0x3], $0x1400, $0x38;
	[tilespmem:$0x2E40] =	vst v63  }
0x2e: {  	_ =	swait.ge [sflag:s5], $0x1400  }
0x2f: {  	[sflag:s5] =	ssyncset.done $0x0  }
0x30: {  	[sflag:s5] =	ssyncadd.s32 $0xFFFFEC00  }
0x31: {  	[tilespmem:s8], [sflag:$0x1] =	stream.indirect.gather [hbm4b:s3+s11], $0x40, s30, s11, $0xb8;
	[tilespmem:$0x2E40] =	vst v63  }
0x32: {  	_ =	swait.ge [sflag:s9], $0x1400  }
0x33: {  	[sflag:s9] =	ssyncset.done $0x0  }
0x34: {  	s0 =	rddreg [dreg:$0x4];
	[sflag:s9] =	ssyncadd.s32 $0xFFFFEC00  }
0x35: {  	[hbm4b:s0+s2] =	stream.linear.scatter [tilespmem:s7], [sflag:$0x4], $0x1400, $0x38;
	[tilespmem:$0x2E40] =	vst v63  }
0x36: {  	_ =	swait.ge [sflag:s6], $0x1400  }
0x37: {  	[sflag:s6] =	ssyncset.done $0x0  }
0x38: {  	[sflag:s6] =	ssyncadd.s32 $0xFFFFEC00  }
0x39: {  	[tilespmem:s7], [sflag:$0x2] =	stream.indirect.gather [hbm4b:s3+s11], $0x40, s29, s11, $0xb8;
	[tilespmem:$0x2E40] =	vst v63  }
0x3a: {  	_ =	swait.ge [sflag:s10], $0x1400  }
0x3b: {  	[sflag:s10] =	ssyncset.done $0x0  }
0x3c: {  	s0 =	rddreg [dreg:$0x5];
	[sflag:s10] =	ssyncadd.s32 $0xFFFFEC00  }
0x3d: {  	[hbm4b:s0+s2] =	stream.linear.scatter [tilespmem:s8], [sflag:$0x3], $0x1400, $0x38;
	[tilespmem:$0x2E40] =	vst v63  }
0x3e: {  	_ =	swait.ge [sflag:s5], $0x1400  }
0x3f: {  	[sflag:s5] =	ssyncset.done $0x0  }
0x40: {  	[sflag:s5] =	ssyncadd.s32 $0xFFFFEC00  }
0x41: {  	[tilespmem:s8], [sflag:$0x1] =	stream.indirect.gather [hbm4b:s3+s11], $0x40, s28, s11, $0xb8;
	[tilespmem:$0x2E40] =	vst v63  }
0x42: {  	_ =	swait.ge [sflag:s9], $0x1400  }
0x43: {  	[sflag:s9] =	ssyncset.done $0x0  }
0x44: {  	s0 =	rddreg [dreg:$0x6];
	[sflag:s9] =	ssyncadd.s32 $0xFFFFEC00  }
0x45: {  	[hbm4b:s0+s2] =	stream.linear.scatter [tilespmem:s7], [sflag:$0x4], $0x1400, $0x38;
	[tilespmem:$0x2E40] =	vst v63  }
0x46: {  	_ =	swait.ge [sflag:s6], $0x1400  }
0x47: {  	[sflag:s6] =	ssyncset.done $0x0  }
0x48: {  	[sflag:s6] =	ssyncadd.s32 $0xFFFFEC00  }
0x49: {  	[tilespmem:s7], [sflag:$0x2] =	stream.indirect.gather [hbm4b:s3+s11], $0x40, s26, s11, $0xb8;
	[tilespmem:$0x2E40] =	vst v63  }
0x4a: {  	_ =	swait.ge [sflag:s10], $0x1400  }
0x4b: {  	[sflag:s10] =	ssyncset.done $0x0  }
0x4c: {  	s0 =	rddreg [dreg:$0x7];
	[sflag:s10] =	ssyncadd.s32 $0xFFFFEC00  }
0x4d: {  	[hbm4b:s0+s2] =	stream.linear.scatter [tilespmem:s8], [sflag:$0x3], $0x1400, $0x38;
	[tilespmem:$0x2E40] =	vst v63  }
0x4e: {  	_ =	swait.ge [sflag:s5], $0x1400  }
0x4f: {  	[sflag:s5] =	ssyncset.done $0x0  }
0x50: {  	[sflag:s5] =	ssyncadd.s32 $0xFFFFEC00  }
0x51: {  	[tilespmem:s8], [sflag:$0x1] =	stream.indirect.gather [hbm4b:s3+s11], $0x40, s25, s11, $0xb8;
	[tilespmem:$0x2E40] =	vst v63  }
0x52: {  	_ =	swait.ge [sflag:s9], $0x1400  }
0x53: {  	[sflag:s9] =	ssyncset.done $0x0  }
0x54: {  	s0 =	rddreg [dreg:$0x8];
	[sflag:s9] =	ssyncadd.s32 $0xFFFFEC00  }
0x55: {  	[hbm4b:s0+s2] =	stream.linear.scatter [tilespmem:s7], [sflag:$0x4], $0x1400, $0x38;
	[tilespmem:$0x2E40] =	vst v63  }
0x56: {  	_ =	swait.ge [sflag:s6], $0x1400  }
0x57: {  	[sflag:s6] =	ssyncset.done $0x0  }
0x58: {  	[sflag:s6] =	ssyncadd.s32 $0xFFFFEC00  }
0x59: {  	[tilespmem:s7], [sflag:$0x2] =	stream.indirect.gather [hbm4b:s3+s11], $0x40, s24, s11, $0xb8;
	[tilespmem:$0x2E40] =	vst v63  }
0x5a: {  	_ =	swait.ge [sflag:s10], $0x1400  }
0x5b: {  	[sflag:s10] =	ssyncset.done $0x0  }
0x5c: {  	s0 =	rddreg [dreg:$0x9];
	[sflag:s10] =	ssyncadd.s32 $0xFFFFEC00  }
0x5d: {  	[hbm4b:s0+s2] =	stream.linear.scatter [tilespmem:s8], [sflag:$0x3], $0x1400, $0x38;
	[tilespmem:$0x2E40] =	vst v63  }
0x5e: {  	_ =	swait.ge [sflag:s5], $0x1400  }
0x5f: {  	[sflag:s5] =	ssyncset.done $0x0  }
0x60: {  	[sflag:s5] =	ssyncadd.s32 $0xFFFFEC00  }
0x61: {  	[tilespmem:s8], [sflag:$0x1] =	stream.indirect.gather [hbm4b:s3+s11], $0x40, s23, s11, $0xb8;
	[tilespmem:$0x2E40] =	vst v63  }
0x62: {  	_ =	swait.ge [sflag:s9], $0x1400  }
0x63: {  	[sflag:s9] =	ssyncset.done $0x0  }
0x64: {  	s0 =	rddreg [dreg:$0xa];
	[sflag:s9] =	ssyncadd.s32 $0xFFFFEC00  }
0x65: {  	[hbm4b:s0+s2] =	stream.linear.scatter [tilespmem:s7], [sflag:$0x4], $0x1400, $0x38;
	[tilespmem:$0x2E40] =	vst v63  }
0x66: {  	_ =	swait.ge [sflag:s6], $0x1400  }
0x67: {  	[sflag:s6] =	ssyncset.done $0x0  }
0x68: {  	[sflag:s6] =	ssyncadd.s32 $0xFFFFEC00  }
0x69: {  	[tilespmem:s7], [sflag:$0x2] =	stream.indirect.gather [hbm4b:s3+s11], $0x40, s22, s11, $0xb8;
	[tilespmem:$0x2E40] =	vst v63  }
0x6a: {  	_ =	swait.ge [sflag:s10], $0x1400  }
0x6b: {  	[sflag:s10] =	ssyncset.done $0x0  }
0x6c: {  	s0 =	rddreg [dreg:$0xb];
	[sflag:s10] =	ssyncadd.s32 $0xFFFFEC00  }
0x6d: {  	[hbm4b:s0+s2] =	stream.linear.scatter [tilespmem:s8], [sflag:$0x3], $0x1400, $0x38;
	[tilespmem:$0x2E40] =	vst v63  }
0x6e: {  	_ =	swait.ge [sflag:s5], $0x1400  }
0x6f: {  	[sflag:s5] =	ssyncset.done $0x0  }
0x70: {  	[sflag:s5] =	ssyncadd.s32 $0xFFFFEC00  }
0x71: {  	[tilespmem:s8], [sflag:$0x1] =	stream.indirect.gather [hbm4b:s3+s11], $0x40, s21, s11, $0xb8;
	[tilespmem:$0x2E40] =	vst v63  }
0x72: {  	_ =	swait.ge [sflag:s9], $0x1400  }
0x73: {  	[sflag:s9] =	ssyncset.done $0x0  }
0x74: {  	s0 =	rddreg [dreg:$0xc];
	[sflag:s9] =	ssyncadd.s32 $0xFFFFEC00  }
0x75: {  	[hbm4b:s0+s2] =	stream.linear.scatter [tilespmem:s7], [sflag:$0x4], $0x1400, $0x38;
	[tilespmem:$0x2E40] =	vst v63  }
0x76: {  	_ =	swait.ge [sflag:s6], $0x1400  }
0x77: {  	[sflag:s6] =	ssyncset.done $0x0  }
0x78: {  	[sflag:s6] =	ssyncadd.s32 $0xFFFFEC00  }
0x79: {  	[tilespmem:s7], [sflag:$0x2] =	stream.indirect.gather [hbm4b:s3+s11], $0x40, s20, s11, $0xb8;
	[tilespmem:$0x2E40] =	vst v63  }
0x7a: {  	_ =	swait.ge [sflag:s10], $0x1400  }
0x7b: {  	[sflag:s10] =	ssyncset.done $0x0  }
0x7c: {  	s0 =	rddreg [dreg:$0xd];
	[sflag:s10] =	ssyncadd.s32 $0xFFFFEC00  }
0x7d: {  	[hbm4b:s0+s2] =	stream.linear.scatter [tilespmem:s8], [sflag:$0x3], $0x1400, $0x38;
	[tilespmem:$0x2E40] =	vst v63  }
0x7e: {  	_ =	swait.ge [sflag:s5], $0x1400  }
0x7f: {  	[sflag:s5] =	ssyncset.done $0x0  }
0x80: {  	[sflag:s5] =	ssyncadd.s32 $0xFFFFEC00  }
0x81: {  	[tilespmem:s8], [sflag:$0x1] =	stream.indirect.gather [hbm4b:s3+s11], $0x40, s19, s11, $0xb8;
	[tilespmem:$0x2E40] =	vst v63  }
0x82: {  	_ =	swait.ge [sflag:s9], $0x1400  }
0x83: {  	[sflag:s9] =	ssyncset.done $0x0  }
0x84: {  	s0 =	rddreg [dreg:$0xe];
	[sflag:s9] =	ssyncadd.s32 $0xFFFFEC00  }
0x85: {  	[hbm4b:s0+s2] =	stream.linear.scatter [tilespmem:s7], [sflag:$0x4], $0x1400, $0x38;
	[tilespmem:$0x2E40] =	vst v63  }
0x86: {  	_ =	swait.ge [sflag:s6], $0x1400  }
0x87: {  	[sflag:s6] =	ssyncset.done $0x0  }
0x88: {  	[sflag:s6] =	ssyncadd.s32 $0xFFFFEC00  }
0x89: {  	[tilespmem:s7], [sflag:$0x2] =	stream.indirect.gather [hbm4b:s3+s11], $0x40, s18, s11, $0xb8;
	[tilespmem:$0x2E40] =	vst v63  }
0x8a: {  	_ =	swait.ge [sflag:s10], $0x1400  }
0x8b: {  	[sflag:s10] =	ssyncset.done $0x0  }
0x8c: {  	s0 =	rddreg [dreg:$0xf];
	[sflag:s10] =	ssyncadd.s32 $0xFFFFEC00  }
0x8d: {  	[hbm4b:s0+s2] =	stream.linear.scatter [tilespmem:s8], [sflag:$0x3], $0x1400, $0x38;
	[tilespmem:$0x2E40] =	vst v63  }
0x8e: {  	_ =	swait.ge [sflag:s5], $0x1400  }
0x8f: {  	[sflag:s5] =	ssyncset.done $0x0  }
0x90: {  	[sflag:s5] =	ssyncadd.s32 $0xFFFFEC00  }
0x91: {  	[tilespmem:s8], [sflag:$0x1] =	stream.indirect.gather [hbm4b:s3+s11], $0x40, s17, s11, $0xb8;
	[tilespmem:$0x2E40] =	vst v63  }
0x92: {  	_ =	swait.ge [sflag:s9], $0x1400  }
0x93: {  	[sflag:s9] =	ssyncset.done $0x0  }
0x94: {  	s0 =	rddreg [dreg:$0x10];
	[sflag:s9] =	ssyncadd.s32 $0xFFFFEC00  }
0x95: {  	[hbm4b:s0+s2] =	stream.linear.scatter [tilespmem:s7], [sflag:$0x4], $0x1400, $0x38;
	[tilespmem:$0x2E40] =	vst v63  }
0x96: {  	_ =	swait.ge [sflag:s6], $0x1400  }
0x97: {  	[sflag:s6] =	ssyncset.done $0x0  }
0x98: {  	[sflag:s6] =	ssyncadd.s32 $0xFFFFEC00  }
0x99: {  	[tilespmem:s7], [sflag:$0x2] =	stream.indirect.gather [hbm4b:s3+s11], $0x40, s16, s11, $0xb8;
	[tilespmem:$0x2E40] =	vst v63  }
0x9a: {  	_ =	swait.ge [sflag:s10], $0x1400  }
0x9b: {  	[sflag:s10] =	ssyncset.done $0x0  }
0x9c: {  	s0 =	rddreg [dreg:$0x11];
	[sflag:s10] =	ssyncadd.s32 $0xFFFFEC00  }
0x9d: {  	[hbm4b:s0+s2] =	stream.linear.scatter [tilespmem:s8], [sflag:$0x3], $0x1400, $0x38;
	[tilespmem:$0x2E40] =	vst v63  }
0x9e: {  	_ =	swait.ge [sflag:s5], $0x1400  }
0x9f: {  	[sflag:s5] =	ssyncset.done $0x0  }
0xa0: {  	[sflag:s5] =	ssyncadd.s32 $0xFFFFEC00  }
0xa1: {  	[tilespmem:s8], [sflag:$0x1] =	stream.indirect.gather [hbm4b:s3+s11], $0x40, s15, s11, $0xb8;
	[tilespmem:$0x2E40] =	vst v63  }
0xa2: {  	_ =	swait.ge [sflag:s9], $0x1400  }
0xa3: {  	[sflag:s9] =	ssyncset.done $0x0  }
0xa4: {  	s0 =	rddreg [dreg:$0x12];
	[sflag:s9] =	ssyncadd.s32 $0xFFFFEC00  }
0xa5: {  	[hbm4b:s0+s2] =	stream.linear.scatter [tilespmem:s7], [sflag:$0x4], $0x1400, $0x38;
	[tilespmem:$0x2E40] =	vst v63  }
0xa6: {  	_ =	swait.ge [sflag:s6], $0x1400  }
0xa7: {  	[sflag:s6] =	ssyncset.done $0x0  }
0xa8: {  	[sflag:s6] =	ssyncadd.s32 $0xFFFFEC00  }
0xa9: {  	[tilespmem:s7], [sflag:$0x2] =	stream.indirect.gather [hbm4b:s3+s11], $0x40, s14, s11, $0xb8;
	[tilespmem:$0x2E40] =	vst v63  }
0xaa: {  	_ =	swait.ge [sflag:s10], $0x1400  }
0xab: {  	[sflag:s10] =	ssyncset.done $0x0  }
0xac: {  	s0 =	rddreg [dreg:$0x13];
	[sflag:s10] =	ssyncadd.s32 $0xFFFFEC00  }
0xad: {  	[hbm4b:s0+s2] =	stream.linear.scatter [tilespmem:s8], [sflag:$0x3], $0x1400, $0x38;
	[tilespmem:$0x2E40] =	vst v63  }
0xae: {  	_ =	swait.ge [sflag:s5], $0x1400  }
0xaf: {  	[sflag:s5] =	ssyncset.done $0x0  }
0xb0: {  	[sflag:s5] =	ssyncadd.s32 $0xFFFFEC00  }
0xb1: {  	[tilespmem:s8], [sflag:$0x1] =	stream.indirect.gather [hbm4b:s3+s11], $0x40, s13, s11, $0xb8;
	[tilespmem:$0x2E40] =	vst v63  }
0xb2: {  	_ =	swait.ge [sflag:s9], $0x1400  }
0xb3: {  	[sflag:s9] =	ssyncset.done $0x0  }
0xb4: {  	s0 =	rddreg [dreg:$0x14];
	[sflag:s9] =	ssyncadd.s32 $0xFFFFEC00  }
0xb5: {  	[hbm4b:s0+s2] =	stream.linear.scatter [tilespmem:s7], [sflag:$0x4], $0x1400, $0x38;
	[tilespmem:$0x2E40] =	vst v63  }
0xb6: {  	_ =	swait.ge [sflag:s6], $0x1400  }
0xb7: {  	[sflag:s6] =	ssyncset.done $0x0  }
0xb8: {  	[sflag:s6] =	ssyncadd.s32 $0xFFFFEC00  }
0xb9: {  	[tilespmem:s7], [sflag:$0x2] =	stream.indirect.gather [hbm4b:s3+s11], $0x40, s12, s11, $0xb8;
	[tilespmem:$0x2E40] =	vst v63  }
0xba: {  	_ =	swait.ge [sflag:s10], $0x1400  }
0xbb: {  	[sflag:s10] =	ssyncset.done $0x0  }
0xbc: {  	s0 =	rddreg [dreg:$0x15];
	[sflag:s10] =	ssyncadd.s32 $0xFFFFEC00  }
0xbd: {  	[hbm4b:s0+s2] =	stream.linear.scatter [tilespmem:s8], [sflag:$0x3], $0x1400, $0x38;
	[tilespmem:$0x2E40] =	vst v63  }
0xbe: {  	_ =	swait.ge [sflag:s9], $0x1400  }
0xbf: {  	[sflag:s9] =	ssyncset.done $0x0  }
0xc0: {  	p1 =	sne.s32 s1, $0x1;
	[sflag:s9] =	ssyncadd.s32 $0xFFFFEC00  }
0xc1: {  	[hbm4b:s4+s2] =	stream.linear.scatter [tilespmem:s7], [sflag:$0x4], $0x1400, $0x38;
	[tilespmem:$0x2E40] =	vst v63  }
.Ltmp1:
0xc2: {  	_ =	swait.ge [sflag:s5], $0x1400;
	(pc) =	sbr.rel @!p1 .LBB2_3-.Ltmp1, $4  }
0xc3: {  	[sflag:s5] =	ssyncset.done $0x0  }
0xc4: {  	[sflag:s5] =	ssyncadd.s32 $0xFFFFEC00  }
0xc5: {  	s1 =	sadd.s32 $0xFFFFFFFF, s1;
	_ =	swait.ge [sflag:s6], $0x1400  }
0xc6: {  	p0 =	por $0x1, $0x1;
	s0 =	rddreg [dreg:$0x2];
	[sflag:s6] =	ssyncset.done $0x0  }
.LBB2_2:
0xc7: {  	[sflag:s6] =	ssyncadd.s32 $0xFFFFEC00  }
0xc8: {  	[tilespmem:s2], [sflag:$0x5] =	stream.linear.gather [hbm4b:s0+s2], $0x640, $0x38;
	[tilespmem:$0x2E40] =	vst v63  }
0xc9: {  	_ =	swait.ge [sflag:s31], $0x640  }
0xca: {  	[sflag:s31] =	ssyncset.done $0x0  }
0xcb: {  	[sflag:s31] =	ssyncadd.s32 $0xFFFFF9C0  }
0xcc: {  	[tilespmem:s8], [sflag:$0x1] =	stream.indirect.gather [hbm4b:s3+s11], $0x40, s2, s11, $0xb8;
	[tilespmem:$0x2E40] =	vst v63  }
0xcd: {  	_ = 	snop  }
0xce: {  	[tilespmem:s7], [sflag:$0x2] =	stream.indirect.gather [hbm4b:s3+s11], $0x40, s11, s11, $0xb8;
	[tilespmem:$0x2E40] =	vst v63  }
0xcf: {  	_ =	swait.ge [sflag:s10], $0x1400  }
0xd0: {  	[sflag:s10] =	ssyncset.done $0x0  }
0xd1: {  	s0 =	rddreg [dreg:$0x3];
	[sflag:s10] =	ssyncadd.s32 $0xFFFFEC00  }
0xd2: {  	[hbm4b:s0+s2] =	stream.linear.scatter [tilespmem:s8], [sflag:$0x3], $0x1400, $0x38;
	[tilespmem:$0x2E40] =	vst v63  }
0xd3: {  	_ =	swait.ge [sflag:s5], $0x1400  }
0xd4: {  	[sflag:s5] =	ssyncset.done $0x0  }
0xd5: {  	[sflag:s5] =	ssyncadd.s32 $0xFFFFEC00  }
0xd6: {  	[tilespmem:s8], [sflag:$0x1] =	stream.indirect.gather [hbm4b:s3+s11], $0x40, s30, s11, $0xb8;
	[tilespmem:$0x2E40] =	vst v63  }
0xd7: {  	_ =	swait.ge [sflag:s9], $0x1400  }
0xd8: {  	[sflag:s9] =	ssyncset.done $0x0  }
0xd9: {  	s0 =	rddreg [dreg:$0x4];
	[sflag:s9] =	ssyncadd.s32 $0xFFFFEC00  }
0xda: {  	[hbm4b:s0+s2] =	stream.linear.scatter [tilespmem:s7], [sflag:$0x4], $0x1400, $0x38;
	[tilespmem:$0x2E40] =	vst v63  }
0xdb: {  	_ =	swait.ge [sflag:s6], $0x1400  }
0xdc: {  	[sflag:s6] =	ssyncset.done $0x0  }
0xdd: {  	[sflag:s6] =	ssyncadd.s32 $0xFFFFEC00  }
0xde: {  	[tilespmem:s7], [sflag:$0x2] =	stream.indirect.gather [hbm4b:s3+s11], $0x40, s29, s11, $0xb8;
	[tilespmem:$0x2E40] =	vst v63  }
0xdf: {  	_ =	swait.ge [sflag:s10], $0x1400  }
0xe0: {  	[sflag:s10] =	ssyncset.done $0x0  }
0xe1: {  	s0 =	rddreg [dreg:$0x5];
	[sflag:s10] =	ssyncadd.s32 $0xFFFFEC00  }
0xe2: {  	[hbm4b:s0+s2] =	stream.linear.scatter [tilespmem:s8], [sflag:$0x3], $0x1400, $0x38;
	[tilespmem:$0x2E40] =	vst v63  }
0xe3: {  	_ =	swait.ge [sflag:s5], $0x1400  }
0xe4: {  	[sflag:s5] =	ssyncset.done $0x0  }
0xe5: {  	[sflag:s5] =	ssyncadd.s32 $0xFFFFEC00  }
0xe6: {  	[tilespmem:s8], [sflag:$0x1] =	stream.indirect.gather [hbm4b:s3+s11], $0x40, s28, s11, $0xb8;
	[tilespmem:$0x2E40] =	vst v63  }
0xe7: {  	_ =	swait.ge [sflag:s9], $0x1400  }
0xe8: {  	[sflag:s9] =	ssyncset.done $0x0  }
0xe9: {  	s0 =	rddreg [dreg:$0x6];
	[sflag:s9] =	ssyncadd.s32 $0xFFFFEC00  }
0xea: {  	[hbm4b:s0+s2] =	stream.linear.scatter [tilespmem:s7], [sflag:$0x4], $0x1400, $0x38;
	[tilespmem:$0x2E40] =	vst v63  }
0xeb: {  	_ =	swait.ge [sflag:s6], $0x1400  }
0xec: {  	[sflag:s6] =	ssyncset.done $0x0  }
0xed: {  	[sflag:s6] =	ssyncadd.s32 $0xFFFFEC00  }
0xee: {  	[tilespmem:s7], [sflag:$0x2] =	stream.indirect.gather [hbm4b:s3+s11], $0x40, s26, s11, $0xb8;
	[tilespmem:$0x2E40] =	vst v63  }
0xef: {  	_ =	swait.ge [sflag:s10], $0x1400  }
0xf0: {  	[sflag:s10] =	ssyncset.done $0x0  }
0xf1: {  	s0 =	rddreg [dreg:$0x7];
	[sflag:s10] =	ssyncadd.s32 $0xFFFFEC00  }
0xf2: {  	[hbm4b:s0+s2] =	stream.linear.scatter [tilespmem:s8], [sflag:$0x3], $0x1400, $0x38;
	[tilespmem:$0x2E40] =	vst v63  }
0xf3: {  	_ =	swait.ge [sflag:s5], $0x1400  }
0xf4: {  	[sflag:s5] =	ssyncset.done $0x0  }
0xf5: {  	[sflag:s5] =	ssyncadd.s32 $0xFFFFEC00  }
0xf6: {  	[tilespmem:s8], [sflag:$0x1] =	stream.indirect.gather [hbm4b:s3+s11], $0x40, s25, s11, $0xb8;
	[tilespmem:$0x2E40] =	vst v63  }
0xf7: {  	_ =	swait.ge [sflag:s9], $0x1400  }
0xf8: {  	[sflag:s9] =	ssyncset.done $0x0  }
0xf9: {  	s0 =	rddreg [dreg:$0x8];
	[sflag:s9] =	ssyncadd.s32 $0xFFFFEC00  }
0xfa: {  	[hbm4b:s0+s2] =	stream.linear.scatter [tilespmem:s7], [sflag:$0x4], $0x1400, $0x38;
	[tilespmem:$0x2E40] =	vst v63  }
0xfb: {  	_ =	swait.ge [sflag:s6], $0x1400  }
0xfc: {  	[sflag:s6] =	ssyncset.done $0x0  }
0xfd: {  	[sflag:s6] =	ssyncadd.s32 $0xFFFFEC00  }
0xfe: {  	[tilespmem:s7], [sflag:$0x2] =	stream.indirect.gather [hbm4b:s3+s11], $0x40, s24, s11, $0xb8;
	[tilespmem:$0x2E40] =	vst v63  }
0xff: {  	_ =	swait.ge [sflag:s10], $0x1400  }
0x100: {  	[sflag:s10] =	ssyncset.done $0x0  }
0x101: {  	s0 =	rddreg [dreg:$0x9];
	[sflag:s10] =	ssyncadd.s32 $0xFFFFEC00  }
0x102: {  	[hbm4b:s0+s2] =	stream.linear.scatter [tilespmem:s8], [sflag:$0x3], $0x1400, $0x38;
	[tilespmem:$0x2E40] =	vst v63  }
0x103: {  	_ =	swait.ge [sflag:s5], $0x1400  }
0x104: {  	[sflag:s5] =	ssyncset.done $0x0  }
0x105: {  	[sflag:s5] =	ssyncadd.s32 $0xFFFFEC00  }
0x106: {  	[tilespmem:s8], [sflag:$0x1] =	stream.indirect.gather [hbm4b:s3+s11], $0x40, s23, s11, $0xb8;
	[tilespmem:$0x2E40] =	vst v63  }
0x107: {  	_ =	swait.ge [sflag:s9], $0x1400  }
0x108: {  	[sflag:s9] =	ssyncset.done $0x0  }
0x109: {  	s0 =	rddreg [dreg:$0xa];
	[sflag:s9] =	ssyncadd.s32 $0xFFFFEC00  }
0x10a: {  	[hbm4b:s0+s2] =	stream.linear.scatter [tilespmem:s7], [sflag:$0x4], $0x1400, $0x38;
	[tilespmem:$0x2E40] =	vst v63  }
0x10b: {  	_ =	swait.ge [sflag:s6], $0x1400  }
0x10c: {  	[sflag:s6] =	ssyncset.done $0x0  }
0x10d: {  	[sflag:s6] =	ssyncadd.s32 $0xFFFFEC00  }
0x10e: {  	[tilespmem:s7], [sflag:$0x2] =	stream.indirect.gather [hbm4b:s3+s11], $0x40, s22, s11, $0xb8;
	[tilespmem:$0x2E40] =	vst v63  }
0x10f: {  	_ =	swait.ge [sflag:s10], $0x1400  }
0x110: {  	[sflag:s10] =	ssyncset.done $0x0  }
0x111: {  	s0 =	rddreg [dreg:$0xb];
	[sflag:s10] =	ssyncadd.s32 $0xFFFFEC00  }
0x112: {  	[hbm4b:s0+s2] =	stream.linear.scatter [tilespmem:s8], [sflag:$0x3], $0x1400, $0x38;
	[tilespmem:$0x2E40] =	vst v63  }
0x113: {  	_ =	swait.ge [sflag:s5], $0x1400  }
0x114: {  	[sflag:s5] =	ssyncset.done $0x0  }
0x115: {  	[sflag:s5] =	ssyncadd.s32 $0xFFFFEC00  }
0x116: {  	[tilespmem:s8], [sflag:$0x1] =	stream.indirect.gather [hbm4b:s3+s11], $0x40, s21, s11, $0xb8;
	[tilespmem:$0x2E40] =	vst v63  }
0x117: {  	_ =	swait.ge [sflag:s9], $0x1400  }
0x118: {  	[sflag:s9] =	ssyncset.done $0x0  }
0x119: {  	s0 =	rddreg [dreg:$0xc];
	[sflag:s9] =	ssyncadd.s32 $0xFFFFEC00  }
0x11a: {  	[hbm4b:s0+s2] =	stream.linear.scatter [tilespmem:s7], [sflag:$0x4], $0x1400, $0x38;
	[tilespmem:$0x2E40] =	vst v63  }
0x11b: {  	_ =	swait.ge [sflag:s6], $0x1400  }
0x11c: {  	[sflag:s6] =	ssyncset.done $0x0  }
0x11d: {  	[sflag:s6] =	ssyncadd.s32 $0xFFFFEC00  }
0x11e: {  	[tilespmem:s7], [sflag:$0x2] =	stream.indirect.gather [hbm4b:s3+s11], $0x40, s20, s11, $0xb8;
	[tilespmem:$0x2E40] =	vst v63  }
0x11f: {  	_ =	swait.ge [sflag:s10], $0x1400  }
0x120: {  	[sflag:s10] =	ssyncset.done $0x0  }
0x121: {  	s0 =	rddreg [dreg:$0xd];
	[sflag:s10] =	ssyncadd.s32 $0xFFFFEC00  }
0x122: {  	[hbm4b:s0+s2] =	stream.linear.scatter [tilespmem:s8], [sflag:$0x3], $0x1400, $0x38;
	[tilespmem:$0x2E40] =	vst v63  }
0x123: {  	_ =	swait.ge [sflag:s5], $0x1400  }
0x124: {  	[sflag:s5] =	ssyncset.done $0x0  }
0x125: {  	[sflag:s5] =	ssyncadd.s32 $0xFFFFEC00  }
0x126: {  	[tilespmem:s8], [sflag:$0x1] =	stream.indirect.gather [hbm4b:s3+s11], $0x40, s19, s11, $0xb8;
	[tilespmem:$0x2E40] =	vst v63  }
0x127: {  	_ =	swait.ge [sflag:s9], $0x1400  }
0x128: {  	[sflag:s9] =	ssyncset.done $0x0  }
0x129: {  	s0 =	rddreg [dreg:$0xe];
	[sflag:s9] =	ssyncadd.s32 $0xFFFFEC00  }
0x12a: {  	[hbm4b:s0+s2] =	stream.linear.scatter [tilespmem:s7], [sflag:$0x4], $0x1400, $0x38;
	[tilespmem:$0x2E40] =	vst v63  }
0x12b: {  	_ =	swait.ge [sflag:s6], $0x1400  }
0x12c: {  	[sflag:s6] =	ssyncset.done $0x0  }
0x12d: {  	[sflag:s6] =	ssyncadd.s32 $0xFFFFEC00  }
0x12e: {  	[tilespmem:s7], [sflag:$0x2] =	stream.indirect.gather [hbm4b:s3+s11], $0x40, s18, s11, $0xb8;
	[tilespmem:$0x2E40] =	vst v63  }
0x12f: {  	_ =	swait.ge [sflag:s10], $0x1400  }
0x130: {  	[sflag:s10] =	ssyncset.done $0x0  }
0x131: {  	s0 =	rddreg [dreg:$0xf];
	[sflag:s10] =	ssyncadd.s32 $0xFFFFEC00  }
0x132: {  	[hbm4b:s0+s2] =	stream.linear.scatter [tilespmem:s8], [sflag:$0x3], $0x1400, $0x38;
	[tilespmem:$0x2E40] =	vst v63  }
0x133: {  	_ =	swait.ge [sflag:s5], $0x1400  }
0x134: {  	[sflag:s5] =	ssyncset.done $0x0  }
0x135: {  	[sflag:s5] =	ssyncadd.s32 $0xFFFFEC00  }
0x136: {  	[tilespmem:s8], [sflag:$0x1] =	stream.indirect.gather [hbm4b:s3+s11], $0x40, s17, s11, $0xb8;
	[tilespmem:$0x2E40] =	vst v63  }
0x137: {  	_ =	swait.ge [sflag:s9], $0x1400  }
0x138: {  	[sflag:s9] =	ssyncset.done $0x0  }
0x139: {  	s0 =	rddreg [dreg:$0x10];
	[sflag:s9] =	ssyncadd.s32 $0xFFFFEC00  }
0x13a: {  	[hbm4b:s0+s2] =	stream.linear.scatter [tilespmem:s7], [sflag:$0x4], $0x1400, $0x38;
	[tilespmem:$0x2E40] =	vst v63  }
0x13b: {  	_ =	swait.ge [sflag:s6], $0x1400  }
0x13c: {  	[sflag:s6] =	ssyncset.done $0x0  }
0x13d: {  	[sflag:s6] =	ssyncadd.s32 $0xFFFFEC00  }
0x13e: {  	[tilespmem:s7], [sflag:$0x2] =	stream.indirect.gather [hbm4b:s3+s11], $0x40, s16, s11, $0xb8;
	[tilespmem:$0x2E40] =	vst v63  }
0x13f: {  	_ =	swait.ge [sflag:s10], $0x1400  }
0x140: {  	[sflag:s10] =	ssyncset.done $0x0  }
0x141: {  	s0 =	rddreg [dreg:$0x11];
	[sflag:s10] =	ssyncadd.s32 $0xFFFFEC00  }
0x142: {  	[hbm4b:s0+s2] =	stream.linear.scatter [tilespmem:s8], [sflag:$0x3], $0x1400, $0x38;
	[tilespmem:$0x2E40] =	vst v63  }
0x143: {  	_ =	swait.ge [sflag:s5], $0x1400  }
0x144: {  	[sflag:s5] =	ssyncset.done $0x0  }
0x145: {  	[sflag:s5] =	ssyncadd.s32 $0xFFFFEC00  }
0x146: {  	[tilespmem:s8], [sflag:$0x1] =	stream.indirect.gather [hbm4b:s3+s11], $0x40, s15, s11, $0xb8;
	[tilespmem:$0x2E40] =	vst v63  }
0x147: {  	_ =	swait.ge [sflag:s9], $0x1400  }
0x148: {  	[sflag:s9] =	ssyncset.done $0x0  }
0x149: {  	s0 =	rddreg [dreg:$0x12];
	[sflag:s9] =	ssyncadd.s32 $0xFFFFEC00  }
0x14a: {  	[hbm4b:s0+s2] =	stream.linear.scatter [tilespmem:s7], [sflag:$0x4], $0x1400, $0x38;
	[tilespmem:$0x2E40] =	vst v63  }
0x14b: {  	_ =	swait.ge [sflag:s6], $0x1400  }
0x14c: {  	[sflag:s6] =	ssyncset.done $0x0  }
0x14d: {  	[sflag:s6] =	ssyncadd.s32 $0xFFFFEC00  }
0x14e: {  	[tilespmem:s7], [sflag:$0x2] =	stream.indirect.gather [hbm4b:s3+s11], $0x40, s14, s11, $0xb8;
	[tilespmem:$0x2E40] =	vst v63  }
0x14f: {  	_ =	swait.ge [sflag:s10], $0x1400  }
0x150: {  	[sflag:s10] =	ssyncset.done $0x0  }
0x151: {  	s0 =	rddreg [dreg:$0x13];
	[sflag:s10] =	ssyncadd.s32 $0xFFFFEC00  }
0x152: {  	[hbm4b:s0+s2] =	stream.linear.scatter [tilespmem:s8], [sflag:$0x3], $0x1400, $0x38;
	[tilespmem:$0x2E40] =	vst v63  }
0x153: {  	_ =	swait.ge [sflag:s5], $0x1400  }
0x154: {  	[sflag:s5] =	ssyncset.done $0x0  }
0x155: {  	[sflag:s5] =	ssyncadd.s32 $0xFFFFEC00  }
0x156: {  	[tilespmem:s8], [sflag:$0x1] =	stream.indirect.gather [hbm4b:s3+s11], $0x40, s13, s11, $0xb8;
	[tilespmem:$0x2E40] =	vst v63  }
0x157: {  	_ =	swait.ge [sflag:s9], $0x1400  }
0x158: {  	[sflag:s9] =	ssyncset.done $0x0  }
0x159: {  	s0 =	rddreg [dreg:$0x14];
	[sflag:s9] =	ssyncadd.s32 $0xFFFFEC00  }
0x15a: {  	[hbm4b:s0+s2] =	stream.linear.scatter [tilespmem:s7], [sflag:$0x4], $0x1400, $0x38;
	[tilespmem:$0x2E40] =	vst v63  }
0x15b: {  	_ =	swait.ge [sflag:s6], $0x1400  }
0x15c: {  	[sflag:s6] =	ssyncset.done $0x0  }
0x15d: {  	[sflag:s6] =	ssyncadd.s32 $0xFFFFEC00  }
0x15e: {  	[tilespmem:s7], [sflag:$0x2] =	stream.indirect.gather [hbm4b:s3+s11], $0x40, s12, s11, $0xb8;
	[tilespmem:$0x2E40] =	vst v63  }
0x15f: {  	_ =	swait.ge [sflag:s10], $0x1400  }
0x160: {  	[sflag:s10] =	ssyncset.done $0x0  }
0x161: {  	s0 =	rddreg [dreg:$0x15];
	[sflag:s10] =	ssyncadd.s32 $0xFFFFEC00  }
0x162: {  	[hbm4b:s0+s2] =	stream.linear.scatter [tilespmem:s8], [sflag:$0x3], $0x1400, $0x38;
	[tilespmem:$0x2E40] =	vst v63  }
0x163: {  	_ =	swait.ge [sflag:s9], $0x1400  }
0x164: {  	[sflag:s9] =	ssyncset.done $0x0  }
0x165: {  	p1 =	sne.s32 s1, $0x1;
	[sflag:s9] =	ssyncadd.s32 $0xFFFFEC00  }
0x166: {  	[hbm4b:s4+s2] =	stream.linear.scatter [tilespmem:s7], [sflag:$0x4], $0x1400, $0x38;
	[tilespmem:$0x2E40] =	vst v63  }
.Ltmp2:
0x167: {  	_ =	swait.ge [sflag:s5], $0x1400;
	(pc) =	sbr.rel @p1 .LBB2_2-.Ltmp2, $4  }
0x168: {  	[sflag:s5] =	ssyncset.done $0x0  }
0x169: {  	[sflag:s5] =	ssyncadd.s32 $0xFFFFEC00  }
0x16a: {  	_ =	swait.ge [sflag:s6], $0x1400  }
0x16b: {  	s1 =	sadd.s32 $0xFFFFFFFF, s1;
	s0 =	rddreg [dreg:$0x2];
	[sflag:s6] =	ssyncset.done $0x0  }
.LBB2_3:
0x16c: {  	[sflag:s6] =	ssyncadd.s32 @p0 $0xFFFFEC00  }
0x16d: {  	[tilespmem:s2], [sflag:$0x5] =	stream.linear.gather [hbm4b:s0+s2], $0x640, $0x38;
	[tilespmem:$0x2E40] =	vst v63  }
0x16e: {  	_ =	swait.ge [sflag:s31], $0x640  }
0x16f: {  	[sflag:s31] =	ssyncset.done $0x0  }
0x170: {  	[sflag:s31] =	ssyncadd.s32 $0xFFFFF9C0  }
0x171: {  	[tilespmem:s8], [sflag:$0x1] =	stream.indirect.gather [hbm4b:s3+s11], $0x40, s2, s11, $0xb8;
	[tilespmem:$0x2E40] =	vst v63  }
0x172: {  	_ = 	snop  }
0x173: {  	[tilespmem:s7], [sflag:$0x2] =	stream.indirect.gather [hbm4b:s3+s11], $0x40, s11, s11, $0xb8;
	[tilespmem:$0x2E40] =	vst v63  }
0x174: {  	_ =	swait.ge [sflag:s10], $0x1400  }
0x175: {  	[sflag:s10] =	ssyncset.done $0x0  }
0x176: {  	s1 =	rddreg [dreg:$0x3];
	[sflag:s10] =	ssyncadd.s32 $0xFFFFEC00  }
0x177: {  	[hbm4b:s1+s2] =	stream.linear.scatter [tilespmem:s8], [sflag:$0x3], $0x1400, $0x38;
	[tilespmem:$0x2E40] =	vst v63  }
0x178: {  	_ =	swait.ge [sflag:s5], $0x1400  }
0x179: {  	[sflag:s5] =	ssyncset.done $0x0  }
0x17a: {  	[sflag:s5] =	ssyncadd.s32 $0xFFFFEC00  }
0x17b: {  	[tilespmem:s8], [sflag:$0x1] =	stream.indirect.gather [hbm4b:s3+s11], $0x40, s30, s11, $0xb8;
	[tilespmem:$0x2E40] =	vst v63  }
0x17c: {  	_ =	swait.ge [sflag:s9], $0x1400  }
0x17d: {  	[sflag:s9] =	ssyncset.done $0x0  }
0x17e: {  	s30 =	rddreg [dreg:$0x4];
	[sflag:s9] =	ssyncadd.s32 $0xFFFFEC00  }
0x17f: {  	[hbm4b:s30+s2] =	stream.linear.scatter [tilespmem:s7], [sflag:$0x4], $0x1400, $0x38;
	[tilespmem:$0x2E40] =	vst v63  }
0x180: {  	_ =	swait.ge [sflag:s6], $0x1400  }
0x181: {  	[sflag:s6] =	ssyncset.done $0x0  }
0x182: {  	[sflag:s6] =	ssyncadd.s32 $0xFFFFEC00  }
0x183: {  	[tilespmem:s7], [sflag:$0x2] =	stream.indirect.gather [hbm4b:s3+s11], $0x40, s29, s11, $0xb8;
	[tilespmem:$0x2E40] =	vst v63  }
0x184: {  	_ =	swait.ge [sflag:s10], $0x1400  }
0x185: {  	[sflag:s10] =	ssyncset.done $0x0  }
0x186: {  	s31 =	rddreg [dreg:$0x5];
	[sflag:s10] =	ssyncadd.s32 $0xFFFFEC00  }
0x187: {  	[hbm4b:s31+s2] =	stream.linear.scatter [tilespmem:s8], [sflag:$0x3], $0x1400, $0x38;
	[tilespmem:$0x2E40] =	vst v63  }
0x188: {  	_ =	swait.ge [sflag:s5], $0x1400  }
0x189: {  	[sflag:s5] =	ssyncset.done $0x0  }
0x18a: {  	[sflag:s5] =	ssyncadd.s32 $0xFFFFEC00  }
0x18b: {  	[tilespmem:s8], [sflag:$0x1] =	stream.indirect.gather [hbm4b:s3+s11], $0x40, s28, s11, $0xb8;
	[tilespmem:$0x2E40] =	vst v63  }
0x18c: {  	_ =	swait.ge [sflag:s9], $0x1400  }
0x18d: {  	[sflag:s9] =	ssyncset.done $0x0  }
0x18e: {  	s1 =	rddreg [dreg:$0x6];
	[sflag:s9] =	ssyncadd.s32 $0xFFFFEC00  }
0x18f: {  	[hbm4b:s1+s2] =	stream.linear.scatter [tilespmem:s7], [sflag:$0x4], $0x1400, $0x38;
	[tilespmem:$0x2E40] =	vst v63  }
0x190: {  	_ =	swait.ge [sflag:s6], $0x1400  }
0x191: {  	[sflag:s6] =	ssyncset.done $0x0  }
0x192: {  	[sflag:s6] =	ssyncadd.s32 $0xFFFFEC00  }
0x193: {  	[tilespmem:s7], [sflag:$0x2] =	stream.indirect.gather [hbm4b:s3+s11], $0x40, s26, s11, $0xb8;
	[tilespmem:$0x2E40] =	vst v63  }
0x194: {  	_ =	swait.ge [sflag:s10], $0x1400  }
0x195: {  	[sflag:s10] =	ssyncset.done $0x0  }
0x196: {  	s26 =	rddreg [dreg:$0x7];
	[sflag:s10] =	ssyncadd.s32 $0xFFFFEC00  }
0x197: {  	[hbm4b:s26+s2] =	stream.linear.scatter [tilespmem:s8], [sflag:$0x3], $0x1400, $0x38;
	[tilespmem:$0x2E40] =	vst v63  }
0x198: {  	_ =	swait.ge [sflag:s5], $0x1400  }
0x199: {  	[sflag:s5] =	ssyncset.done $0x0  }
0x19a: {  	[sflag:s5] =	ssyncadd.s32 $0xFFFFEC00  }
0x19b: {  	[tilespmem:s8], [sflag:$0x1] =	stream.indirect.gather [hbm4b:s3+s11], $0x40, s25, s11, $0xb8;
	[tilespmem:$0x2E40] =	vst v63  }
0x19c: {  	_ =	swait.ge [sflag:s9], $0x1400  }
0x19d: {  	[sflag:s9] =	ssyncset.done $0x0  }
0x19e: {  	s28 =	rddreg [dreg:$0x8];
	[sflag:s9] =	ssyncadd.s32 $0xFFFFEC00  }
0x19f: {  	[hbm4b:s28+s2] =	stream.linear.scatter [tilespmem:s7], [sflag:$0x4], $0x1400, $0x38;
	[tilespmem:$0x2E40] =	vst v63  }
0x1a0: {  	_ =	swait.ge [sflag:s6], $0x1400  }
0x1a1: {  	[sflag:s6] =	ssyncset.done $0x0  }
0x1a2: {  	[sflag:s6] =	ssyncadd.s32 $0xFFFFEC00  }
0x1a3: {  	[tilespmem:s7], [sflag:$0x2] =	stream.indirect.gather [hbm4b:s3+s11], $0x40, s24, s11, $0xb8;
	[tilespmem:$0x2E40] =	vst v63  }
0x1a4: {  	_ =	swait.ge [sflag:s10], $0x1400  }
0x1a5: {  	[sflag:s10] =	ssyncset.done $0x0  }
0x1a6: {  	s29 =	rddreg [dreg:$0x9];
	[sflag:s10] =	ssyncadd.s32 $0xFFFFEC00  }
0x1a7: {  	[hbm4b:s29+s2] =	stream.linear.scatter [tilespmem:s8], [sflag:$0x3], $0x1400, $0x38;
	[tilespmem:$0x2E40] =	vst v63  }
0x1a8: {  	_ =	swait.ge [sflag:s5], $0x1400  }
0x1a9: {  	[sflag:s5] =	ssyncset.done $0x0  }
0x1aa: {  	[sflag:s5] =	ssyncadd.s32 $0xFFFFEC00  }
0x1ab: {  	[tilespmem:s8], [sflag:$0x1] =	stream.indirect.gather [hbm4b:s3+s11], $0x40, s23, s11, $0xb8;
	[tilespmem:$0x2E40] =	vst v63  }
0x1ac: {  	_ =	swait.ge [sflag:s9], $0x1400  }
0x1ad: {  	[sflag:s9] =	ssyncset.done $0x0  }
0x1ae: {  	s30 =	rddreg [dreg:$0xa];
	[sflag:s9] =	ssyncadd.s32 $0xFFFFEC00  }
0x1af: {  	[hbm4b:s30+s2] =	stream.linear.scatter [tilespmem:s7], [sflag:$0x4], $0x1400, $0x38;
	[tilespmem:$0x2E40] =	vst v63  }
0x1b0: {  	_ =	swait.ge [sflag:s6], $0x1400  }
0x1b1: {  	[sflag:s6] =	ssyncset.done $0x0  }
0x1b2: {  	[sflag:s6] =	ssyncadd.s32 $0xFFFFEC00  }
0x1b3: {  	[tilespmem:s7], [sflag:$0x2] =	stream.indirect.gather [hbm4b:s3+s11], $0x40, s22, s11, $0xb8;
	[tilespmem:$0x2E40] =	vst v63  }
0x1b4: {  	_ =	swait.ge [sflag:s10], $0x1400  }
0x1b5: {  	[sflag:s10] =	ssyncset.done $0x0  }
0x1b6: {  	s31 =	rddreg [dreg:$0xb];
	[sflag:s10] =	ssyncadd.s32 $0xFFFFEC00  }
0x1b7: {  	[hbm4b:s31+s2] =	stream.linear.scatter [tilespmem:s8], [sflag:$0x3], $0x1400, $0x38;
	[tilespmem:$0x2E40] =	vst v63  }
0x1b8: {  	_ =	swait.ge [sflag:s5], $0x1400  }
0x1b9: {  	[sflag:s5] =	ssyncset.done $0x0  }
0x1ba: {  	[sflag:s5] =	ssyncadd.s32 $0xFFFFEC00  }
0x1bb: {  	[tilespmem:s8], [sflag:$0x1] =	stream.indirect.gather [hbm4b:s3+s11], $0x40, s21, s11, $0xb8;
	[tilespmem:$0x2E40] =	vst v63  }
0x1bc: {  	_ =	swait.ge [sflag:s9], $0x1400  }
0x1bd: {  	[sflag:s9] =	ssyncset.done $0x0  }
0x1be: {  	s1 =	rddreg [dreg:$0xc];
	[sflag:s9] =	ssyncadd.s32 $0xFFFFEC00  }
0x1bf: {  	[hbm4b:s1+s2] =	stream.linear.scatter [tilespmem:s7], [sflag:$0x4], $0x1400, $0x38;
	[tilespmem:$0x2E40] =	vst v63  }
0x1c0: {  	_ =	swait.ge [sflag:s6], $0x1400  }
0x1c1: {  	[sflag:s6] =	ssyncset.done $0x0  }
0x1c2: {  	[sflag:s6] =	ssyncadd.s32 $0xFFFFEC00  }
0x1c3: {  	[tilespmem:s7], [sflag:$0x2] =	stream.indirect.gather [hbm4b:s3+s11], $0x40, s20, s11, $0xb8;
	[tilespmem:$0x2E40] =	vst v63  }
0x1c4: {  	_ =	swait.ge [sflag:s10], $0x1400  }
0x1c5: {  	[sflag:s10] =	ssyncset.done $0x0  }
0x1c6: {  	s21 =	rddreg [dreg:$0xd];
	[sflag:s10] =	ssyncadd.s32 $0xFFFFEC00  }
0x1c7: {  	[hbm4b:s21+s2] =	stream.linear.scatter [tilespmem:s8], [sflag:$0x3], $0x1400, $0x38;
	[tilespmem:$0x2E40] =	vst v63  }
0x1c8: {  	_ =	swait.ge [sflag:s5], $0x1400  }
0x1c9: {  	[sflag:s5] =	ssyncset.done $0x0  }
0x1ca: {  	[sflag:s5] =	ssyncadd.s32 $0xFFFFEC00  }
0x1cb: {  	[tilespmem:s8], [sflag:$0x1] =	stream.indirect.gather [hbm4b:s3+s11], $0x40, s19, s11, $0xb8;
	[tilespmem:$0x2E40] =	vst v63  }
0x1cc: {  	_ =	swait.ge [sflag:s9], $0x1400  }
0x1cd: {  	[sflag:s9] =	ssyncset.done $0x0  }
0x1ce: {  	s22 =	rddreg [dreg:$0xe];
	[sflag:s9] =	ssyncadd.s32 $0xFFFFEC00  }
0x1cf: {  	[hbm4b:s22+s2] =	stream.linear.scatter [tilespmem:s7], [sflag:$0x4], $0x1400, $0x38;
	[tilespmem:$0x2E40] =	vst v63  }
0x1d0: {  	_ =	swait.ge [sflag:s6], $0x1400  }
0x1d1: {  	[sflag:s6] =	ssyncset.done $0x0  }
0x1d2: {  	[sflag:s6] =	ssyncadd.s32 $0xFFFFEC00  }
0x1d3: {  	[tilespmem:s7], [sflag:$0x2] =	stream.indirect.gather [hbm4b:s3+s11], $0x40, s18, s11, $0xb8;
	[tilespmem:$0x2E40] =	vst v63  }
0x1d4: {  	_ =	swait.ge [sflag:s10], $0x1400  }
0x1d5: {  	[sflag:s10] =	ssyncset.done $0x0  }
0x1d6: {  	s23 =	rddreg [dreg:$0xf];
	[sflag:s10] =	ssyncadd.s32 $0xFFFFEC00  }
0x1d7: {  	[hbm4b:s23+s2] =	stream.linear.scatter [tilespmem:s8], [sflag:$0x3], $0x1400, $0x38;
	[tilespmem:$0x2E40] =	vst v63  }
0x1d8: {  	_ =	swait.ge [sflag:s5], $0x1400  }
0x1d9: {  	[sflag:s5] =	ssyncset.done $0x0  }
0x1da: {  	[sflag:s5] =	ssyncadd.s32 $0xFFFFEC00  }
0x1db: {  	[tilespmem:s8], [sflag:$0x1] =	stream.indirect.gather [hbm4b:s3+s11], $0x40, s17, s11, $0xb8;
	[tilespmem:$0x2E40] =	vst v63  }
0x1dc: {  	_ =	swait.ge [sflag:s9], $0x1400  }
0x1dd: {  	[sflag:s9] =	ssyncset.done $0x0  }
0x1de: {  	s24 =	rddreg [dreg:$0x10];
	[sflag:s9] =	ssyncadd.s32 $0xFFFFEC00  }
0x1df: {  	[hbm4b:s24+s2] =	stream.linear.scatter [tilespmem:s7], [sflag:$0x4], $0x1400, $0x38;
	[tilespmem:$0x2E40] =	vst v63  }
0x1e0: {  	_ =	swait.ge [sflag:s6], $0x1400  }
0x1e1: {  	[sflag:s6] =	ssyncset.done $0x0  }
0x1e2: {  	[sflag:s6] =	ssyncadd.s32 $0xFFFFEC00  }
0x1e3: {  	[tilespmem:s7], [sflag:$0x2] =	stream.indirect.gather [hbm4b:s3+s11], $0x40, s16, s11, $0xb8;
	[tilespmem:$0x2E40] =	vst v63  }
0x1e4: {  	_ =	swait.ge [sflag:s10], $0x1400  }
0x1e5: {  	[sflag:s10] =	ssyncset.done $0x0  }
0x1e6: {  	s25 =	rddreg [dreg:$0x11];
	[sflag:s10] =	ssyncadd.s32 $0xFFFFEC00  }
0x1e7: {  	[hbm4b:s25+s2] =	stream.linear.scatter [tilespmem:s8], [sflag:$0x3], $0x1400, $0x38;
	[tilespmem:$0x2E40] =	vst v63  }
0x1e8: {  	_ =	swait.ge [sflag:s5], $0x1400  }
0x1e9: {  	[sflag:s5] =	ssyncset.done $0x0  }
0x1ea: {  	[sflag:s5] =	ssyncadd.s32 $0xFFFFEC00  }
0x1eb: {  	[tilespmem:s8], [sflag:$0x1] =	stream.indirect.gather [hbm4b:s3+s11], $0x40, s15, s11, $0xb8;
	[tilespmem:$0x2E40] =	vst v63  }
0x1ec: {  	_ =	swait.ge [sflag:s9], $0x1400  }
0x1ed: {  	[sflag:s9] =	ssyncset.done $0x0  }
0x1ee: {  	s26 =	rddreg [dreg:$0x12];
	[sflag:s9] =	ssyncadd.s32 $0xFFFFEC00  }
0x1ef: {  	[hbm4b:s26+s2] =	stream.linear.scatter [tilespmem:s7], [sflag:$0x4], $0x1400, $0x38;
	[tilespmem:$0x2E40] =	vst v63  }
0x1f0: {  	_ =	swait.ge [sflag:s6], $0x1400  }
0x1f1: {  	[sflag:s6] =	ssyncset.done $0x0  }
0x1f2: {  	[sflag:s6] =	ssyncadd.s32 $0xFFFFEC00  }
0x1f3: {  	[tilespmem:s7], [sflag:$0x2] =	stream.indirect.gather [hbm4b:s3+s11], $0x40, s14, s11, $0xb8;
	[tilespmem:$0x2E40] =	vst v63  }
0x1f4: {  	_ =	swait.ge [sflag:s10], $0x1400  }
0x1f5: {  	[sflag:s10] =	ssyncset.done $0x0  }
0x1f6: {  	s28 =	rddreg [dreg:$0x13];
	[sflag:s10] =	ssyncadd.s32 $0xFFFFEC00  }
0x1f7: {  	[hbm4b:s28+s2] =	stream.linear.scatter [tilespmem:s8], [sflag:$0x3], $0x1400, $0x38;
	[tilespmem:$0x2E40] =	vst v63  }
0x1f8: {  	_ =	swait.ge [sflag:s5], $0x1400  }
0x1f9: {  	[sflag:s5] =	ssyncset.done $0x0  }
0x1fa: {  	[sflag:s5] =	ssyncadd.s32 $0xFFFFEC00  }
0x1fb: {  	[tilespmem:s8], [sflag:$0x1] =	stream.indirect.gather [hbm4b:s3+s11], $0x40, s13, s11, $0xb8;
	[tilespmem:$0x2E40] =	vst v63  }
0x1fc: {  	_ =	swait.ge [sflag:s9], $0x1400  }
0x1fd: {  	[sflag:s9] =	ssyncset.done $0x0  }
0x1fe: {  	s29 =	rddreg [dreg:$0x14];
	[sflag:s9] =	ssyncadd.s32 $0xFFFFEC00  }
0x1ff: {  	[hbm4b:s29+s2] =	stream.linear.scatter [tilespmem:s7], [sflag:$0x4], $0x1400, $0x38;
	[tilespmem:$0x2E40] =	vst v63  }
0x200: {  	_ =	swait.ge [sflag:s6], $0x1400  }
0x201: {  	[sflag:s6] =	ssyncset.done $0x0  }
0x202: {  	[sflag:s6] =	ssyncadd.s32 $0xFFFFEC00  }
0x203: {  	[tilespmem:s7], [sflag:$0x2] =	stream.indirect.gather [hbm4b:s3+s11], $0x40, s12, s11, $0xb8;
	[tilespmem:$0x2E40] =	vst v63  }
0x204: {  	_ =	swait.ge [sflag:s10], $0x1400  }
0x205: {  	[sflag:s10] =	ssyncset.done $0x0  }
0x206: {  	s30 =	rddreg [dreg:$0x15];
	[sflag:s10] =	ssyncadd.s32 $0xFFFFEC00  }
0x207: {  	[hbm4b:s30+s2] =	stream.linear.scatter [tilespmem:s8], [sflag:$0x3], $0x1400, $0x38;
	[tilespmem:$0x2E40] =	vst v63  }
0x208: {  	_ =	swait.ge [sflag:s9], $0x1400  }
0x209: {  	[sflag:s9] =	ssyncset.done $0x0  }
0x20a: {  	[sflag:s9] =	ssyncadd.s32 $0xFFFFEC00  }
0x20b: {  	[hbm4b:s4+s2] =	stream.linear.scatter [tilespmem:s7], [sflag:$0x4], $0x1400, $0x38;
	[tilespmem:$0x2E40] =	vst v63  }
0x20c: {  	_ =	swait.ge [sflag:s5], $0x1400  }
0x20d: {  	[sflag:s5] =	ssyncset.done $0x0  }
0x20e: {  	[sflag:s5] =	ssyncadd.s32 $0xFFFFEC00  }
0x20f: {  	_ =	swait.ge [sflag:s6], $0x1400  }
0x210: {  	[sflag:s6] =	ssyncset.done $0x0  }
0x211: {  	[sflag:s6] =	ssyncadd.s32 $0xFFFFEC00  }
0x212: {  	_ =	sfence.sel $0x180000  }
0x213: {  	[bflag:$0x0] =	sbarrier.arrive $0xFFFF  }
0x214: {  	_ =	strace $0x9000004A  }
0x215: {  	s31 =	stileid.u32;
	[bflag:$0x2] =	sbarrier.arrive $0xFFFF  }
0x216: {  	p0 =	sne.s32 s31, $0x0;
	s0 =	rddreg [dreg:$0x1]  }
0x217: {  	s0 =	sadd.s32 @!p0 $0x100000, s0  }
0x218: {  	[sflag:s0] =	ssyncadd.tile.s32 @!p0 $0x1;
	_ =	shalt  }
.Lfunc_end2:
_tile_overlayer_lowered:
.L_overlay_start_2:
0x219: {  	(tag) =	ssettag $0x2  }
0x21a: {  	s0 =	rddreg [dreg:$0x0];
	s2 =	stileid.u32  }
0x21b: {  	s1 =	rddreg [dreg:$0x1];
	p0 =	sne.s32 s2, $0x0  }
0x21c: {  	s3 =	rddreg [dreg:$0x2];
	[bflag:$0x3] =	sbarrier.arrive $0xFFFF;
	s2 =	simm.s32 @!p0 $0x1C05  }
0x21d: {  	[timem:s3], [sflag:s2] =	dma.local @!p0 [hbm:s0], s1  }
0x21e: {  	s0 =	simm.s32 @!p0 $0x5  }
0x21f: {  	_ =	swait.ge @!p0 [sflag:s0], s1  }
0x220: {  	s1 =	ssub.s32 @!p0 $0x0, s1;
	[sflag:s0] =	ssyncset.done @!p0 $0x0  }
0x221: {  	[sflag:s0] =	ssyncadd.s32 @!p0 s1  }
0x222: {  	[bflag:$0x3] =	sbarrier.arrive $0xFFFF  }
0x223: {  	_ =	shalt  }

// kernel: kernel.7.cloned.1.call-start
scs
__scs_entry_jumppad:
0x0: {  	(pc) =	sbr.rel $0x88, $3  }
0x1: {  	(tag) =	ssettag $0x0;
	lr =	simm.s32 $0x1  }
0x2: {  	[smem:$0x3F80] =	sst lr;
	_ =	strace $0xD0000000  }
0x3: {  	_ = 	snop  }
0x4: {  	_ = 	snop  }
0x5: {  	_ = 	snop  }
0x6: {  	_ = 	snop  }
0x7: {  	_ = 	snop  }
__scs_overlays_trampoline_lowered:
0x8: {  	[smem:$0x3F8F] =	sst s0  }
0x9: {  	[smem:$0x3F90] =	sst s1  }
0xa: {  	[smem:$0x3F91] =	sst s2  }
0xb: {  	[smem:$0x3F92] =	sst s3  }
0xc: {  	[smem:$0x3F93] =	sst s4  }
0xd: {  	[smem:$0x3F94] =	sst s5  }
0xe: {  	[smem:$0x3F95] =	sst s6  }
0xf: {  	[smem:$0x3F96] =	sst s7  }
0x10: {  	[smem:$0x3F97] =	sst s8  }
0x11: {  	[smem:$0x3F98] =	sst s9;
	s0 =	simm.s32 @!p0 $0x0  }
0x12: {  	s1 =	sld [smem:$0x3F7E];
	s0 =	simm.s32 @p0 $0x1  }
0x13: {  	[smem:$0x3F99] =	sst s0;
	s0 =	simm.s32 @!p1 $0x0  }
0x14: {  	s2 =	sld [smem:$0x3F7D];
	s0 =	simm.s32 @p1 $0x1  }
0x15: {  	[smem:$0x3F9A] =	sst s0;
	s0 =	simm.s32 @!p2 $0x0  }
0x16: {  	s3 =	sld [smem:$0x3FDB];
	s0 =	simm.s32 @p2 $0x1  }
0x17: {  	s4 =	simm.s32 $0x1BF5;
	[smem:$0x3F9C] =	sst s0  }
0x18: {  	s0 =	sld [smem:$0x3F7F];
	_ =	swait.ge [sflag:s4], $0x0  }
0x19: {  	s7 =	sld [smem:$0x3F80]  }
0x1a: {  	s8 =	sadd.s32 $0xFFFFE003, lr  }
0x1b: {  	s9 =	sadd.s32 $0xFFFFFEF7, lr;
	s5 =	simm.s32 $0xFFFFFFFF;
	p2 =	slt.u32 s8, $0xFFFFF086  }
0x1c: {  	p1 =	slt.u32 s9, $0xF7A;
	s5 =	simm.s32 @!p2 $0x0  }
0x1d: {  	s5 =	simm.s32 @p1 $0x1;
	p0 =	seq.s32 s7, s2  }
0x1e: {  	s7 =	smul.u32 @!p0 $0xF7A, s2;
	p2 =	seq.s32 @!p0 s5, $0x0  }
0x1f: {  	s9 =	smul.u32 $0xF7A, s1;
	s8 =	simm.s32 @!p0 $0x1BF5;
	p2 =	por !p2, p0  }
0x20: {  	[sflag:s8] =	ssyncset.s32 @!p0 $0xFFFFF086;
	s6 =	sadd.s32 @!p0 s3, s7;
	s7 =	simm.s32 @!p0 $0x108  }
0x21: {  	s3 =	sadd.s32 s3, s9;
	s6 =	sadd.s32 @!p0 $0x88, s6;
	s7 =	simm.s32 @p2 $0x1082  }
0x22: {  	[simem:s7], [sflag:s8] =	dma.local @!p0 [hbm:s6], $0xF7A  }
0x23: {  	s9 =	sor.u32 $0xD0000000, s2;
	s6 =	simm.s32 $0x108;
	_ =	swait.ge @!p0 [sflag:s8], $0x0  }
0x24: {  	s3 =	sadd.s32 $0x88, s3;
	s6 =	simm.s32 @!p1 $0x1082;
	[sflag:s4] =	ssyncset.s32 $0xFFFFF086  }
0x25: {  	[simem:s6], [sflag:s4] =	dma.local [hbm:s3], $0xF7A  }
0x26: {  	[smem:$0x3F80] =	sst s1;
	(tag) =	ssettag s2;
	_ =	strace s9  }
0x27: {  	s1 =	sld [smem:$0x3F90]  }
0x28: {  	s2 =	sld [smem:$0x3F91]  }
0x29: {  	s4 =	sld [smem:$0x3F93]  }
0x2a: {  	p0 =	seq.s32 s5, $0x0;
	s5 =	sld [smem:$0x3F94]  }
0x2b: {  	s6 =	sld [smem:$0x3F95]  }
0x2c: {  	s7 =	sld [smem:$0x3F96]  }
0x2d: {  	s3 =	simm.s32 $0x108;
	s8 =	sld [smem:$0x3F97]  }
0x2e: {  	s3 =	simm.s32 @!p0 $0x1082;
	s9 =	sld [smem:$0x3F98]  }
0x2f: {  	lr =	sadd.s32 s0, s3;
	s0 =	sld [smem:$0x3F8F]  }
0x30: {  	s3 =	sld [smem:$0x3F92]  }
0x31: {  	[smem:$0x3F9B] =	sst s10  }
0x32: {  	s10 =	sld [smem:$0x3F99];
	_ =	sdelay $0x3  }
0x33: {  	p0 =	seq.s32 s10, $0x1;
	s10 =	sld [smem:$0x3F9B];
	_ =	sdelay $0x3  }
0x34: {  	[smem:$0x3F9B] =	sst s10  }
0x35: {  	s10 =	sld [smem:$0x3F9A];
	_ =	sdelay $0x3  }
0x36: {  	p1 =	seq.s32 s10, $0x1;
	s10 =	sld [smem:$0x3F9B];
	_ =	sdelay $0x3  }
0x37: {  	[smem:$0x3F9B] =	sst s10  }
0x38: {  	s10 =	sld [smem:$0x3F9C]  }
0x39: {  	_ = 	snop;
	(pc) =	sbr.ind lr, $3  }
0x3a: {  	_ = 	snop  }
0x3b: {  	_ = 	snop  }
0x3c: {  	p2 =	seq.s32 s10, $0x1;
	s10 =	sld [smem:$0x3F9B]  }
0x3d: {  	_ =	shalt  }
0x3e: {  	_ =	shalt  }
0x3f: {  	_ =	shalt  }
0x40: {  	_ =	shalt  }
0x41: {  	_ =	shalt  }
0x42: {  	_ =	shalt  }
0x43: {  	_ =	shalt  }
0x44: {  	_ =	shalt  }
0x45: {  	_ =	shalt  }
0x46: {  	_ =	shalt  }
0x47: {  	_ =	shalt  }
0x48: {  	_ =	shalt  }
0x49: {  	_ =	shalt  }
0x4a: {  	_ =	shalt  }
0x4b: {  	_ =	shalt  }
0x4c: {  	_ =	shalt  }
0x4d: {  	_ =	shalt  }
0x4e: {  	_ =	shalt  }
0x4f: {  	_ =	shalt  }
0x50: {  	_ =	shalt  }
0x51: {  	_ =	shalt  }
0x52: {  	_ =	shalt  }
0x53: {  	_ =	shalt  }
0x54: {  	_ =	shalt  }
0x55: {  	_ =	shalt  }
0x56: {  	_ =	shalt  }
0x57: {  	_ =	shalt  }
0x58: {  	_ =	shalt  }
0x59: {  	_ =	shalt  }
0x5a: {  	_ =	shalt  }
0x5b: {  	_ =	shalt  }
0x5c: {  	_ =	shalt  }
0x5d: {  	_ =	shalt  }
0x5e: {  	_ =	shalt  }
0x5f: {  	_ =	shalt  }
0x60: {  	_ =	shalt  }
0x61: {  	_ =	shalt  }
0x62: {  	_ =	shalt  }
0x63: {  	_ =	shalt  }
0x64: {  	_ =	shalt  }
0x65: {  	_ =	shalt  }
0x66: {  	_ =	shalt  }
0x67: {  	_ =	shalt  }
0x68: {  	_ =	shalt  }
0x69: {  	_ =	shalt  }
0x6a: {  	_ =	shalt  }
0x6b: {  	_ =	shalt  }
0x6c: {  	_ =	shalt  }
0x6d: {  	_ =	shalt  }
0x6e: {  	_ =	shalt  }
0x6f: {  	_ =	shalt  }
0x70: {  	_ =	shalt  }
0x71: {  	_ =	shalt  }
0x72: {  	_ =	shalt  }
0x73: {  	_ =	shalt  }
0x74: {  	_ =	shalt  }
0x75: {  	_ =	shalt  }
0x76: {  	_ =	shalt  }
0x77: {  	_ =	shalt  }
0x78: {  	_ =	shalt  }
0x79: {  	_ =	shalt  }
0x7a: {  	_ =	shalt  }
0x7b: {  	_ =	shalt  }
0x7c: {  	_ =	shalt  }
0x7d: {  	_ =	shalt  }
0x7e: {  	_ =	shalt  }
0x7f: {  	_ =	shalt  }
0x80: {  	_ =	shalt  }
0x81: {  	_ =	shalt  }
0x82: {  	_ =	shalt  }
0x83: {  	_ =	shalt  }
0x84: {  	_ =	shalt  }
0x85: {  	_ =	shalt  }
0x86: {  	_ =	shalt  }
0x87: {  	_ =	shalt  }
.Lfunc_end0:
.L_simem_size_0:
called_computation_lowered:
.L_overlay_start_0:
0x88: {  	s2 =	sld [smem:$0x3FD9]  }
0x89: {  	s3 =	sld [smem:$0x3FFE];
	_ =	sdelay $0x1  }
0x8a: {  	s1 =	srdreg.scid  }
0x8b: {  	s0 =	sand.u32 $0x1, s1  }
0x8c: {  	s16 =	sshll.u32 s0, $0xA;
	s2 =	sadd.s32 s3, s2  }
0x8d: {  	s2 =	sadd.s32 s2, s16  }
0x8e: {  	[smem:$0x3FA7] =	sst s2  }
0x8f: {  	_ = 	snop  }
0x90: {  	(tm) =	ssettm $0x1  }
0x91: {  	s17 =	sld [smem:$0x3FFB];
	_ =	sdelay $0x3  }
0x92: {  	_ =	strace s17  }
0x93: {  	s2 =	sld [smem:$0x3FFC];
	_ =	sdelay $0x3  }
0x94: {  	_ =	strace s2  }
0x95: {  	s2 =	sld [smem:$0x3FFD];
	_ =	sdelay $0x3  }
0x96: {  	_ =	strace s2  }
0x97: {  	_ =	strace $0x8FFFFFFF  }
0x98: {  	s18 =	sld [smem:$0x3FDB];
	_ =	sdelay $0x1  }
0x99: {  	s19 =	simm.s32 $_scs_section_size  }
0x9a: {  	s4 =	simm.s32 $_size__tile_overlayer_lowered;
	s5 =	simm.s32 $_tile_overlayer_lowered  }
0x9b: {  	s22 =	simm.s32 $0x1BFF;
	s21 =	sshll.u32 s5, $0x1;
	s2 =	sadd.s32 s19, s18  }
0x9c: {  	s6 =	simm.s32 $0x0;
	s20 =	sshll.u32 s4, $0x1;
	s4 =	sadd.s32 s21, s2  }
0x9d: {  	[timem:s6], [sflag:s22] =	dma.local [hbm:s4], s20  }
0x9e: {  	_ =	swait.ge [sflag:s22], s20  }
0x9f: {  	s3 =	ssub.s32 $0x0, s20;
	[sflag:s22] =	ssyncset.done $0x0  }
0xa0: {  	[sflag:s22] =	ssyncadd.s32 s3;
	_ =	sdelay $0x1  }
0xa1: {  	s23 =	simm.s32 $0x1B8B  }
0xa2: {  	_ =	swait.ge [sflag:s23], $0x1  }
0xa3: {  	[sflag:s23] =	ssyncset.done $0x0  }
0xa4: {  	s25 =	simm.s32 $0x1B8E;
	s24 =	sld [smem:$0x3FFE];
	[sflag:s23] =	ssyncadd.s32 $0xFFFFFFFF  }
0xa5: {  	s26 =	simm.s32 $execute0_lowered;
	[smem:$0x3FD2] =	sst s25  }
0xa6: {  	s4 =	sshll.u32 s26, $0x1;
	_ =	strace $0x80000046;
	[dreg:$0x1] =	wrdreg $0xFFFFFFFF  }
0xa7: {  	s28 =	simm.s32 $_size_execute0_lowered;
	s2 =	sadd.s32 s2, s4;
	[dreg:$0x0] =	wrdreg $0x0  }
0xa8: {  	s4 =	sshll.u32 s28, $0x1;
	[dreg:$0x2] =	wrdreg s2  }
0xa9: {  	[dreg:$0x3] =	wrdreg s4  }
0xaa: {  	[dreg:$0x4] =	wrdreg $0xC0  }
0xab: {  	_ =	task [dreg:s6], $0x5FFFF  }
0xac: {  	[dreg:$0x1] =	wrdreg $0xFFFFFFFF  }
0xad: {  	[dreg:$0x0] =	wrdreg $0x60  }
0xae: {  	[dreg:$0x2] =	wrdreg s24  }
0xaf: {  	[dreg:$0x3] =	wrdreg $0x9  }
0xb0: {  	_ =	task.clear_ibuf [dreg:s6], $0x4FFFF;
	_ =	strace $0x90000046  }
0xb1: {  	s29 =	simm.s32 $0x9;
	_ =	strace $0x80000048  }
0xb2: {  	_ =	swait.ge [sflag:s29], $0x1  }
0xb3: {  	[sflag:s29] =	ssyncadd.s32 $0xFFFFFFFF  }
0xb4: {  	_ =	strace $0x90000048  }
0xb5: {  	_ =	sfence  }
0xb6: {  	s30 =	sld [smem:$0x0];
	_ =	sdelay $0x2  }
0xb7: {  	s31 =	sshll.u32 s1, $0xD;
	s1 =	sshrl.u32 s1, $0x2  }
0xb8: {  	s3 =	sand.u32 $0x4000, s31;
	s1 =	sadd.s32 s1, s30  }
0xb9: {  	s0 =	sor.u32 s3, s0;
	s1 =	sshll.u32 s1, $0x11  }
0xba: {  	s0 =	sor.u32 s1, s0  }
0xbb: {  	s0 =	sadd.s32 $0x8F2B, s0  }
0xbc: {  	[sflag:s0] =	ssyncadd.remote.s32 $0x1  }
0xbd: {  	_ =	sfence.sel $0xFFFF  }
0xbe: {  	[dreg:$0x0] =	wrdreg $0xFFFFFFFF;
	(pc) =	sbr.abs _section_cstart, $3  }
0xbf: {  	[dreg:$0x1] =	wrdreg $0xFFFFFFFF  }
0xc0: {  	_ =	task.clear_ibuf [dreg:s6], $0x2FFFF;
	_ =	strace $0x9FFFFFFF  }
0xc1: {  	(tm) =	ssettm $0x7FFFFFFF  }
tec
execute0_lowered:
.L_overlay_start_1:
0x0: {  	(tag) =	ssettag $0x1  }
0x1: {  	s0 =	srdreg.scid;
	s1 =	stileid.u32  }
0x2: {  	s0 =	sand.u32 $0x1, s0;
	s1 =	sshll.u32 s1, $0x1  }
0x3: {  	s1 =	sor.u32 s0, s1  }
0x4: {  	s4 =	smul.u32 $0xC8, s1  }
0x5: {  	s3 =	rddreg [dreg:$0x0];
	s2 =	simm.s32 $0x0;
	s5 =	smul.u32 $0x19000, s1  }
0x6: {  	[smem:$0x7FF] =	sst s2;
	s1 =	smul.u32 $0x3200, s1  }
0x7: {  	s6 =	sadd.s32 $0x5C00, s3;
	_ =	strace $0x80000047  }
0x8: {  	s4 =	sadd.s32 s4, s3;
	s5 =	sshrl.u32 s5, $0x3;
	s1 =	sadd.s32 s6, s1  }
0x9: {  	s4 =	sadd.s32 $0x4200, s4;
	s7 =	sadd.s32 s6, s5;
	[dreg:$0x3] =	wrdreg s1  }
0xa: {  	[dreg:$0x2] =	wrdreg s4;
	s8 =	sadd.s32 $0x280, s7  }
0xb: {  	s31 =	simm.s32 $0x5;
	s9 =	sadd.s32 $0x500, s7;
	[dreg:$0x4] =	wrdreg s8  }
0xc: {  	s30 =	simm.s32 $0xA0;
	s10 =	sadd.s32 $0x780, s7;
	[dreg:$0x5] =	wrdreg s9  }
0xd: {  	s29 =	simm.s32 $0xF0;
	s11 =	sadd.s32 $0xA00, s7;
	[dreg:$0x6] =	wrdreg s10  }
0xe: {  	s28 =	simm.s32 $0x140;
	s12 =	sadd.s32 $0xC80, s7;
	[dreg:$0x7] =	wrdreg s11  }
0xf: {  	p0 =	por $0x0, $0x0;
	s13 =	sadd.s32 $0xF00, s7;
	[dreg:$0x8] =	wrdreg s12  }
0x10: {  	s0 =	ssub.s32 $0x2, s0;
	s14 =	sadd.s32 $0x1180, s7;
	[dreg:$0x9] =	wrdreg s13  }
0x11: {  	s24 =	sshrl.u32 s0, $0x1;
	s15 =	sadd.s32 $0x1400, s7;
	[dreg:$0xa] =	wrdreg s14  }
0x12: {  	s0 =	ssub.s32 s0, s24;
	s16 =	sadd.s32 $0x1680, s7;
	[dreg:$0xb] =	wrdreg s15  }
0x13: {  	s24 =	simm.s32 $0x230;
	s17 =	sadd.s32 $0x1900, s7;
	[dreg:$0xc] =	wrdreg s16  }
0x14: {  	s3 =	sadd.s32 $0x2E00, s3;
	s18 =	sadd.s32 $0x1B80, s7;
	[dreg:$0xd] =	wrdreg s17  }
0x15: {  	s0 =	smax.u32 s0, $0x1;
	s19 =	sadd.s32 $0x1E00, s7;
	[dreg:$0xe] =	wrdreg s18  }
0x16: {  	s5 =	simm.s32 $0x3;
	s20 =	sadd.s32 $0x2080, s7;
	[dreg:$0xf] =	wrdreg s19  }
0x17: {  	s6 =	simm.s32 $0x4;
	s21 =	sadd.s32 $0x2300, s7;
	[dreg:$0x10] =	wrdreg s20  }
0x18: {  	p1 =	sne.s32 s0, $0x1;
	s22 =	sadd.s32 $0x2580, s7;
	[dreg:$0x11] =	wrdreg s21  }
0x19: {  	s1 =	sadd.s32 $0xFFFFFFFF, s0;
	s23 =	sadd.s32 $0x2800, s7;
	[dreg:$0x12] =	wrdreg s22  }
0x1a: {  	s25 =	sadd.s32 $0x2A80, s7;
	s26 =	sadd.s32 $0x2D00, s7;
	[dreg:$0x13] =	wrdreg s23  }
0x1b: {  	s4 =	sadd.s32 $0x2F80, s7;
	s7 =	simm.s32 $0x1A40;
	[dreg:$0x14] =	wrdreg s25  }
0x1c: {  	[dreg:$0x15] =	wrdreg s26;
	s11 =	simm.s32 $0x50;
	s8 =	simm.s32 $0x640  }
0x1d: {  	s10 =	simm.s32 $0x1;
	s9 =	simm.s32 $0x2;
	s26 =	simm.s32 $0x190  }
.Ltmp0:
0x1e: {  	s25 =	simm.s32 $0x1E0;
	s23 =	simm.s32 $0x280;
	(pc) =	sbr.rel @!p1 .LBB2_3-.Ltmp0, $4  }
0x1f: {  	s22 =	simm.s32 $0x2D0;
	s21 =	simm.s32 $0x320;
	s20 =	simm.s32 $0x370  }
0x20: {  	s19 =	simm.s32 $0x3C0;
	s18 =	simm.s32 $0x410;
	s17 =	simm.s32 $0x460  }
0x21: {  	s16 =	simm.s32 $0x4B0;
	s15 =	simm.s32 $0x500;
	s14 =	simm.s32 $0x550  }
0x22: {  	s13 =	simm.s32 $0x5A0;
	s12 =	simm.s32 $0x5F0;
	s0 =	rddreg [dreg:$0x2]  }
0x23: {  	[tilespmem:s2], [sflag:$0x5] =	stream.linear.gather [hbm4b:s0+s2], $0x640, $0x38;
	[tilespmem:$0x2E40] =	vst v63  }
0x24: {  	_ =	swait.ge [sflag:s31], $0x640  }
0x25: {  	[sflag:s31] =	ssyncset.done $0x0  }
0x26: {  	[sflag:s31] =	ssyncadd.s32 $0xFFFFF9C0  }
0x27: {  	[tilespmem:s8], [sflag:$0x1] =	stream.indirect.gather [hbm4b:s3+s11], $0x40, s2, s11, $0xb8;
	[tilespmem:$0x2E40] =	vst v63  }
0x28: {  	_ = 	snop  }
0x29: {  	[tilespmem:s7], [sflag:$0x2] =	stream.indirect.gather [hbm4b:s3+s11], $0x40, s11, s11, $0xb8;
	[tilespmem:$0x2E40] =	vst v63  }
0x2a: {  	_ =	swait.ge [sflag:s10], $0x1400  }
0x2b: {  	[sflag:s10] =	ssyncset.done $0x0  }
0x2c: {  	s0 =	rddreg [dreg:$0x3];
	[sflag:s10] =	ssyncadd.s32 $0xFFFFEC00  }
0x2d: {  	[hbm4b:s0+s2] =	stream.linear.scatter [tilespmem:s8], [sflag:$0x3], $0x1400, $0x38;
	[tilespmem:$0x2E40] =	vst v63  }
0x2e: {  	_ =	swait.ge [sflag:s5], $0x1400  }
0x2f: {  	[sflag:s5] =	ssyncset.done $0x0  }
0x30: {  	[sflag:s5] =	ssyncadd.s32 $0xFFFFEC00  }
0x31: {  	[tilespmem:s8], [sflag:$0x1] =	stream.indirect.gather [hbm4b:s3+s11], $0x40, s30, s11, $0xb8;
	[tilespmem:$0x2E40] =	vst v63  }
0x32: {  	_ =	swait.ge [sflag:s9], $0x1400  }
0x33: {  	[sflag:s9] =	ssyncset.done $0x0  }
0x34: {  	s0 =	rddreg [dreg:$0x4];
	[sflag:s9] =	ssyncadd.s32 $0xFFFFEC00  }
0x35: {  	[hbm4b:s0+s2] =	stream.linear.scatter [tilespmem:s7], [sflag:$0x4], $0x1400, $0x38;
	[tilespmem:$0x2E40] =	vst v63  }
0x36: {  	_ =	swait.ge [sflag:s6], $0x1400  }
0x37: {  	[sflag:s6] =	ssyncset.done $0x0  }
0x38: {  	[sflag:s6] =	ssyncadd.s32 $0xFFFFEC00  }
0x39: {  	[tilespmem:s7], [sflag:$0x2] =	stream.indirect.gather [hbm4b:s3+s11], $0x40, s29, s11, $0xb8;
	[tilespmem:$0x2E40] =	vst v63  }
0x3a: {  	_ =	swait.ge [sflag:s10], $0x1400  }
0x3b: {  	[sflag:s10] =	ssyncset.done $0x0  }
0x3c: {  	s0 =	rddreg [dreg:$0x5];
	[sflag:s10] =	ssyncadd.s32 $0xFFFFEC00  }
0x3d: {  	[hbm4b:s0+s2] =	stream.linear.scatter [tilespmem:s8], [sflag:$0x3], $0x1400, $0x38;
	[tilespmem:$0x2E40] =	vst v63  }
0x3e: {  	_ =	swait.ge [sflag:s5], $0x1400  }
0x3f: {  	[sflag:s5] =	ssyncset.done $0x0  }
0x40: {  	[sflag:s5] =	ssyncadd.s32 $0xFFFFEC00  }
0x41: {  	[tilespmem:s8], [sflag:$0x1] =	stream.indirect.gather [hbm4b:s3+s11], $0x40, s28, s11, $0xb8;
	[tilespmem:$0x2E40] =	vst v63  }
0x42: {  	_ =	swait.ge [sflag:s9], $0x1400  }
0x43: {  	[sflag:s9] =	ssyncset.done $0x0  }
0x44: {  	s0 =	rddreg [dreg:$0x6];
	[sflag:s9] =	ssyncadd.s32 $0xFFFFEC00  }
0x45: {  	[hbm4b:s0+s2] =	stream.linear.scatter [tilespmem:s7], [sflag:$0x4], $0x1400, $0x38;
	[tilespmem:$0x2E40] =	vst v63  }
0x46: {  	_ =	swait.ge [sflag:s6], $0x1400  }
0x47: {  	[sflag:s6] =	ssyncset.done $0x0  }
0x48: {  	[sflag:s6] =	ssyncadd.s32 $0xFFFFEC00  }
0x49: {  	[tilespmem:s7], [sflag:$0x2] =	stream.indirect.gather [hbm4b:s3+s11], $0x40, s26, s11, $0xb8;
	[tilespmem:$0x2E40] =	vst v63  }
0x4a: {  	_ =	swait.ge [sflag:s10], $0x1400  }
0x4b: {  	[sflag:s10] =	ssyncset.done $0x0  }
0x4c: {  	s0 =	rddreg [dreg:$0x7];
	[sflag:s10] =	ssyncadd.s32 $0xFFFFEC00  }
0x4d: {  	[hbm4b:s0+s2] =	stream.linear.scatter [tilespmem:s8], [sflag:$0x3], $0x1400, $0x38;
	[tilespmem:$0x2E40] =	vst v63  }
0x4e: {  	_ =	swait.ge [sflag:s5], $0x1400  }
0x4f: {  	[sflag:s5] =	ssyncset.done $0x0  }
0x50: {  	[sflag:s5] =	ssyncadd.s32 $0xFFFFEC00  }
0x51: {  	[tilespmem:s8], [sflag:$0x1] =	stream.indirect.gather [hbm4b:s3+s11], $0x40, s25, s11, $0xb8;
	[tilespmem:$0x2E40] =	vst v63  }
0x52: {  	_ =	swait.ge [sflag:s9], $0x1400  }
0x53: {  	[sflag:s9] =	ssyncset.done $0x0  }
0x54: {  	s0 =	rddreg [dreg:$0x8];
	[sflag:s9] =	ssyncadd.s32 $0xFFFFEC00  }
0x55: {  	[hbm4b:s0+s2] =	stream.linear.scatter [tilespmem:s7], [sflag:$0x4], $0x1400, $0x38;
	[tilespmem:$0x2E40] =	vst v63  }
0x56: {  	_ =	swait.ge [sflag:s6], $0x1400  }
0x57: {  	[sflag:s6] =	ssyncset.done $0x0  }
0x58: {  	[sflag:s6] =	ssyncadd.s32 $0xFFFFEC00  }
0x59: {  	[tilespmem:s7], [sflag:$0x2] =	stream.indirect.gather [hbm4b:s3+s11], $0x40, s24, s11, $0xb8;
	[tilespmem:$0x2E40] =	vst v63  }
0x5a: {  	_ =	swait.ge [sflag:s10], $0x1400  }
0x5b: {  	[sflag:s10] =	ssyncset.done $0x0  }
0x5c: {  	s0 =	rddreg [dreg:$0x9];
	[sflag:s10] =	ssyncadd.s32 $0xFFFFEC00  }
0x5d: {  	[hbm4b:s0+s2] =	stream.linear.scatter [tilespmem:s8], [sflag:$0x3], $0x1400, $0x38;
	[tilespmem:$0x2E40] =	vst v63  }
0x5e: {  	_ =	swait.ge [sflag:s5], $0x1400  }
0x5f: {  	[sflag:s5] =	ssyncset.done $0x0  }
0x60: {  	[sflag:s5] =	ssyncadd.s32 $0xFFFFEC00  }
0x61: {  	[tilespmem:s8], [sflag:$0x1] =	stream.indirect.gather [hbm4b:s3+s11], $0x40, s23, s11, $0xb8;
	[tilespmem:$0x2E40] =	vst v63  }
0x62: {  	_ =	swait.ge [sflag:s9], $0x1400  }
0x63: {  	[sflag:s9] =	ssyncset.done $0x0  }
0x64: {  	s0 =	rddreg [dreg:$0xa];
	[sflag:s9] =	ssyncadd.s32 $0xFFFFEC00  }
0x65: {  	[hbm4b:s0+s2] =	stream.linear.scatter [tilespmem:s7], [sflag:$0x4], $0x1400, $0x38;
	[tilespmem:$0x2E40] =	vst v63  }
0x66: {  	_ =	swait.ge [sflag:s6], $0x1400  }
0x67: {  	[sflag:s6] =	ssyncset.done $0x0  }
0x68: {  	[sflag:s6] =	ssyncadd.s32 $0xFFFFEC00  }
0x69: {  	[tilespmem:s7], [sflag:$0x2] =	stream.indirect.gather [hbm4b:s3+s11], $0x40, s22, s11, $0xb8;
	[tilespmem:$0x2E40] =	vst v63  }
0x6a: {  	_ =	swait.ge [sflag:s10], $0x1400  }
0x6b: {  	[sflag:s10] =	ssyncset.done $0x0  }
0x6c: {  	s0 =	rddreg [dreg:$0xb];
	[sflag:s10] =	ssyncadd.s32 $0xFFFFEC00  }
0x6d: {  	[hbm4b:s0+s2] =	stream.linear.scatter [tilespmem:s8], [sflag:$0x3], $0x1400, $0x38;
	[tilespmem:$0x2E40] =	vst v63  }
0x6e: {  	_ =	swait.ge [sflag:s5], $0x1400  }
0x6f: {  	[sflag:s5] =	ssyncset.done $0x0  }
0x70: {  	[sflag:s5] =	ssyncadd.s32 $0xFFFFEC00  }
0x71: {  	[tilespmem:s8], [sflag:$0x1] =	stream.indirect.gather [hbm4b:s3+s11], $0x40, s21, s11, $0xb8;
	[tilespmem:$0x2E40] =	vst v63  }
0x72: {  	_ =	swait.ge [sflag:s9], $0x1400  }
0x73: {  	[sflag:s9] =	ssyncset.done $0x0  }
0x74: {  	s0 =	rddreg [dreg:$0xc];
	[sflag:s9] =	ssyncadd.s32 $0xFFFFEC00  }
0x75: {  	[hbm4b:s0+s2] =	stream.linear.scatter [tilespmem:s7], [sflag:$0x4], $0x1400, $0x38;
	[tilespmem:$0x2E40] =	vst v63  }
0x76: {  	_ =	swait.ge [sflag:s6], $0x1400  }
0x77: {  	[sflag:s6] =	ssyncset.done $0x0  }
0x78: {  	[sflag:s6] =	ssyncadd.s32 $0xFFFFEC00  }
0x79: {  	[tilespmem:s7], [sflag:$0x2] =	stream.indirect.gather [hbm4b:s3+s11], $0x40, s20, s11, $0xb8;
	[tilespmem:$0x2E40] =	vst v63  }
0x7a: {  	_ =	swait.ge [sflag:s10], $0x1400  }
0x7b: {  	[sflag:s10] =	ssyncset.done $0x0  }
0x7c: {  	s0 =	rddreg [dreg:$0xd];
	[sflag:s10] =	ssyncadd.s32 $0xFFFFEC00  }
0x7d: {  	[hbm4b:s0+s2] =	stream.linear.scatter [tilespmem:s8], [sflag:$0x3], $0x1400, $0x38;
	[tilespmem:$0x2E40] =	vst v63  }
0x7e: {  	_ =	swait.ge [sflag:s5], $0x1400  }
0x7f: {  	[sflag:s5] =	ssyncset.done $0x0  }
0x80: {  	[sflag:s5] =	ssyncadd.s32 $0xFFFFEC00  }
0x81: {  	[tilespmem:s8], [sflag:$0x1] =	stream.indirect.gather [hbm4b:s3+s11], $0x40, s19, s11, $0xb8;
	[tilespmem:$0x2E40] =	vst v63  }
0x82: {  	_ =	swait.ge [sflag:s9], $0x1400  }
0x83: {  	[sflag:s9] =	ssyncset.done $0x0  }
0x84: {  	s0 =	rddreg [dreg:$0xe];
	[sflag:s9] =	ssyncadd.s32 $0xFFFFEC00  }
0x85: {  	[hbm4b:s0+s2] =	stream.linear.scatter [tilespmem:s7], [sflag:$0x4], $0x1400, $0x38;
	[tilespmem:$0x2E40] =	vst v63  }
0x86: {  	_ =	swait.ge [sflag:s6], $0x1400  }
0x87: {  	[sflag:s6] =	ssyncset.done $0x0  }
0x88: {  	[sflag:s6] =	ssyncadd.s32 $0xFFFFEC00  }
0x89: {  	[tilespmem:s7], [sflag:$0x2] =	stream.indirect.gather [hbm4b:s3+s11], $0x40, s18, s11, $0xb8;
	[tilespmem:$0x2E40] =	vst v63  }
0x8a: {  	_ =	swait.ge [sflag:s10], $0x1400  }
0x8b: {  	[sflag:s10] =	ssyncset.done $0x0  }
0x8c: {  	s0 =	rddreg [dreg:$0xf];
	[sflag:s10] =	ssyncadd.s32 $0xFFFFEC00  }
0x8d: {  	[hbm4b:s0+s2] =	stream.linear.scatter [tilespmem:s8], [sflag:$0x3], $0x1400, $0x38;
	[tilespmem:$0x2E40] =	vst v63  }
0x8e: {  	_ =	swait.ge [sflag:s5], $0x1400  }
0x8f: {  	[sflag:s5] =	ssyncset.done $0x0  }
0x90: {  	[sflag:s5] =	ssyncadd.s32 $0xFFFFEC00  }
0x91: {  	[tilespmem:s8], [sflag:$0x1] =	stream.indirect.gather [hbm4b:s3+s11], $0x40, s17, s11, $0xb8;
	[tilespmem:$0x2E40] =	vst v63  }
0x92: {  	_ =	swait.ge [sflag:s9], $0x1400  }
0x93: {  	[sflag:s9] =	ssyncset.done $0x0  }
0x94: {  	s0 =	rddreg [dreg:$0x10];
	[sflag:s9] =	ssyncadd.s32 $0xFFFFEC00  }
0x95: {  	[hbm4b:s0+s2] =	stream.linear.scatter [tilespmem:s7], [sflag:$0x4], $0x1400, $0x38;
	[tilespmem:$0x2E40] =	vst v63  }
0x96: {  	_ =	swait.ge [sflag:s6], $0x1400  }
0x97: {  	[sflag:s6] =	ssyncset.done $0x0  }
0x98: {  	[sflag:s6] =	ssyncadd.s32 $0xFFFFEC00  }
0x99: {  	[tilespmem:s7], [sflag:$0x2] =	stream.indirect.gather [hbm4b:s3+s11], $0x40, s16, s11, $0xb8;
	[tilespmem:$0x2E40] =	vst v63  }
0x9a: {  	_ =	swait.ge [sflag:s10], $0x1400  }
0x9b: {  	[sflag:s10] =	ssyncset.done $0x0  }
0x9c: {  	s0 =	rddreg [dreg:$0x11];
	[sflag:s10] =	ssyncadd.s32 $0xFFFFEC00  }
0x9d: {  	[hbm4b:s0+s2] =	stream.linear.scatter [tilespmem:s8], [sflag:$0x3], $0x1400, $0x38;
	[tilespmem:$0x2E40] =	vst v63  }
0x9e: {  	_ =	swait.ge [sflag:s5], $0x1400  }
0x9f: {  	[sflag:s5] =	ssyncset.done $0x0  }
0xa0: {  	[sflag:s5] =	ssyncadd.s32 $0xFFFFEC00  }
0xa1: {  	[tilespmem:s8], [sflag:$0x1] =	stream.indirect.gather [hbm4b:s3+s11], $0x40, s15, s11, $0xb8;
	[tilespmem:$0x2E40] =	vst v63  }
0xa2: {  	_ =	swait.ge [sflag:s9], $0x1400  }
0xa3: {  	[sflag:s9] =	ssyncset.done $0x0  }
0xa4: {  	s0 =	rddreg [dreg:$0x12];
	[sflag:s9] =	ssyncadd.s32 $0xFFFFEC00  }
0xa5: {  	[hbm4b:s0+s2] =	stream.linear.scatter [tilespmem:s7], [sflag:$0x4], $0x1400, $0x38;
	[tilespmem:$0x2E40] =	vst v63  }
0xa6: {  	_ =	swait.ge [sflag:s6], $0x1400  }
0xa7: {  	[sflag:s6] =	ssyncset.done $0x0  }
0xa8: {  	[sflag:s6] =	ssyncadd.s32 $0xFFFFEC00  }
0xa9: {  	[tilespmem:s7], [sflag:$0x2] =	stream.indirect.gather [hbm4b:s3+s11], $0x40, s14, s11, $0xb8;
	[tilespmem:$0x2E40] =	vst v63  }
0xaa: {  	_ =	swait.ge [sflag:s10], $0x1400  }
0xab: {  	[sflag:s10] =	ssyncset.done $0x0  }
0xac: {  	s0 =	rddreg [dreg:$0x13];
	[sflag:s10] =	ssyncadd.s32 $0xFFFFEC00  }
0xad: {  	[hbm4b:s0+s2] =	stream.linear.scatter [tilespmem:s8], [sflag:$0x3], $0x1400, $0x38;
	[tilespmem:$0x2E40] =	vst v63  }
0xae: {  	_ =	swait.ge [sflag:s5], $0x1400  }
0xaf: {  	[sflag:s5] =	ssyncset.done $0x0  }
0xb0: {  	[sflag:s5] =	ssyncadd.s32 $0xFFFFEC00  }
0xb1: {  	[tilespmem:s8], [sflag:$0x1] =	stream.indirect.gather [hbm4b:s3+s11], $0x40, s13, s11, $0xb8;
	[tilespmem:$0x2E40] =	vst v63  }
0xb2: {  	_ =	swait.ge [sflag:s9], $0x1400  }
0xb3: {  	[sflag:s9] =	ssyncset.done $0x0  }
0xb4: {  	s0 =	rddreg [dreg:$0x14];
	[sflag:s9] =	ssyncadd.s32 $0xFFFFEC00  }
0xb5: {  	[hbm4b:s0+s2] =	stream.linear.scatter [tilespmem:s7], [sflag:$0x4], $0x1400, $0x38;
	[tilespmem:$0x2E40] =	vst v63  }
0xb6: {  	_ =	swait.ge [sflag:s6], $0x1400  }
0xb7: {  	[sflag:s6] =	ssyncset.done $0x0  }
0xb8: {  	[sflag:s6] =	ssyncadd.s32 $0xFFFFEC00  }
0xb9: {  	[tilespmem:s7], [sflag:$0x2] =	stream.indirect.gather [hbm4b:s3+s11], $0x40, s12, s11, $0xb8;
	[tilespmem:$0x2E40] =	vst v63  }
0xba: {  	_ =	swait.ge [sflag:s10], $0x1400  }
0xbb: {  	[sflag:s10] =	ssyncset.done $0x0  }
0xbc: {  	s0 =	rddreg [dreg:$0x15];
	[sflag:s10] =	ssyncadd.s32 $0xFFFFEC00  }
0xbd: {  	[hbm4b:s0+s2] =	stream.linear.scatter [tilespmem:s8], [sflag:$0x3], $0x1400, $0x38;
	[tilespmem:$0x2E40] =	vst v63  }
0xbe: {  	_ =	swait.ge [sflag:s9], $0x1400  }
0xbf: {  	[sflag:s9] =	ssyncset.done $0x0  }
0xc0: {  	p1 =	sne.s32 s1, $0x1;
	[sflag:s9] =	ssyncadd.s32 $0xFFFFEC00  }
0xc1: {  	[hbm4b:s4+s2] =	stream.linear.scatter [tilespmem:s7], [sflag:$0x4], $0x1400, $0x38;
	[tilespmem:$0x2E40] =	vst v63  }
.Ltmp1:
0xc2: {  	_ =	swait.ge [sflag:s5], $0x1400;
	(pc) =	sbr.rel @!p1 .LBB2_3-.Ltmp1, $4  }
0xc3: {  	[sflag:s5] =	ssyncset.done $0x0  }
0xc4: {  	[sflag:s5] =	ssyncadd.s32 $0xFFFFEC00  }
0xc5: {  	s1 =	sadd.s32 $0xFFFFFFFF, s1;
	_ =	swait.ge [sflag:s6], $0x1400  }
0xc6: {  	p0 =	por $0x1, $0x1;
	s0 =	rddreg [dreg:$0x2];
	[sflag:s6] =	ssyncset.done $0x0  }
.LBB2_2:
0xc7: {  	[sflag:s6] =	ssyncadd.s32 $0xFFFFEC00  }
0xc8: {  	[tilespmem:s2], [sflag:$0x5] =	stream.linear.gather [hbm4b:s0+s2], $0x640, $0x38;
	[tilespmem:$0x2E40] =	vst v63  }
0xc9: {  	_ =	swait.ge [sflag:s31], $0x640  }
0xca: {  	[sflag:s31] =	ssyncset.done $0x0  }
0xcb: {  	[sflag:s31] =	ssyncadd.s32 $0xFFFFF9C0  }
0xcc: {  	[tilespmem:s8], [sflag:$0x1] =	stream.indirect.gather [hbm4b:s3+s11], $0x40, s2, s11, $0xb8;
	[tilespmem:$0x2E40] =	vst v63  }
0xcd: {  	_ = 	snop  }
0xce: {  	[tilespmem:s7], [sflag:$0x2] =	stream.indirect.gather [hbm4b:s3+s11], $0x40, s11, s11, $0xb8;
	[tilespmem:$0x2E40] =	vst v63  }
0xcf: {  	_ =	swait.ge [sflag:s10], $0x1400  }
0xd0: {  	[sflag:s10] =	ssyncset.done $0x0  }
0xd1: {  	s0 =	rddreg [dreg:$0x3];
	[sflag:s10] =	ssyncadd.s32 $0xFFFFEC00  }
0xd2: {  	[hbm4b:s0+s2] =	stream.linear.scatter [tilespmem:s8], [sflag:$0x3], $0x1400, $0x38;
	[tilespmem:$0x2E40] =	vst v63  }
0xd3: {  	_ =	swait.ge [sflag:s5], $0x1400  }
0xd4: {  	[sflag:s5] =	ssyncset.done $0x0  }
0xd5: {  	[sflag:s5] =	ssyncadd.s32 $0xFFFFEC00  }
0xd6: {  	[tilespmem:s8], [sflag:$0x1] =	stream.indirect.gather [hbm4b:s3+s11], $0x40, s30, s11, $0xb8;
	[tilespmem:$0x2E40] =	vst v63  }
0xd7: {  	_ =	swait.ge [sflag:s9], $0x1400  }
0xd8: {  	[sflag:s9] =	ssyncset.done $0x0  }
0xd9: {  	s0 =	rddreg [dreg:$0x4];
	[sflag:s9] =	ssyncadd.s32 $0xFFFFEC00  }
0xda: {  	[hbm4b:s0+s2] =	stream.linear.scatter [tilespmem:s7], [sflag:$0x4], $0x1400, $0x38;
	[tilespmem:$0x2E40] =	vst v63  }
0xdb: {  	_ =	swait.ge [sflag:s6], $0x1400  }
0xdc: {  	[sflag:s6] =	ssyncset.done $0x0  }
0xdd: {  	[sflag:s6] =	ssyncadd.s32 $0xFFFFEC00  }
0xde: {  	[tilespmem:s7], [sflag:$0x2] =	stream.indirect.gather [hbm4b:s3+s11], $0x40, s29, s11, $0xb8;
	[tilespmem:$0x2E40] =	vst v63  }
0xdf: {  	_ =	swait.ge [sflag:s10], $0x1400  }
0xe0: {  	[sflag:s10] =	ssyncset.done $0x0  }
0xe1: {  	s0 =	rddreg [dreg:$0x5];
	[sflag:s10] =	ssyncadd.s32 $0xFFFFEC00  }
0xe2: {  	[hbm4b:s0+s2] =	stream.linear.scatter [tilespmem:s8], [sflag:$0x3], $0x1400, $0x38;
	[tilespmem:$0x2E40] =	vst v63  }
0xe3: {  	_ =	swait.ge [sflag:s5], $0x1400  }
0xe4: {  	[sflag:s5] =	ssyncset.done $0x0  }
0xe5: {  	[sflag:s5] =	ssyncadd.s32 $0xFFFFEC00  }
0xe6: {  	[tilespmem:s8], [sflag:$0x1] =	stream.indirect.gather [hbm4b:s3+s11], $0x40, s28, s11, $0xb8;
	[tilespmem:$0x2E40] =	vst v63  }
0xe7: {  	_ =	swait.ge [sflag:s9], $0x1400  }
0xe8: {  	[sflag:s9] =	ssyncset.done $0x0  }
0xe9: {  	s0 =	rddreg [dreg:$0x6];
	[sflag:s9] =	ssyncadd.s32 $0xFFFFEC00  }
0xea: {  	[hbm4b:s0+s2] =	stream.linear.scatter [tilespmem:s7], [sflag:$0x4], $0x1400, $0x38;
	[tilespmem:$0x2E40] =	vst v63  }
0xeb: {  	_ =	swait.ge [sflag:s6], $0x1400  }
0xec: {  	[sflag:s6] =	ssyncset.done $0x0  }
0xed: {  	[sflag:s6] =	ssyncadd.s32 $0xFFFFEC00  }
0xee: {  	[tilespmem:s7], [sflag:$0x2] =	stream.indirect.gather [hbm4b:s3+s11], $0x40, s26, s11, $0xb8;
	[tilespmem:$0x2E40] =	vst v63  }
0xef: {  	_ =	swait.ge [sflag:s10], $0x1400  }
0xf0: {  	[sflag:s10] =	ssyncset.done $0x0  }
0xf1: {  	s0 =	rddreg [dreg:$0x7];
	[sflag:s10] =	ssyncadd.s32 $0xFFFFEC00  }
0xf2: {  	[hbm4b:s0+s2] =	stream.linear.scatter [tilespmem:s8], [sflag:$0x3], $0x1400, $0x38;
	[tilespmem:$0x2E40] =	vst v63  }
0xf3: {  	_ =	swait.ge [sflag:s5], $0x1400  }
0xf4: {  	[sflag:s5] =	ssyncset.done $0x0  }
0xf5: {  	[sflag:s5] =	ssyncadd.s32 $0xFFFFEC00  }
0xf6: {  	[tilespmem:s8], [sflag:$0x1] =	stream.indirect.gather [hbm4b:s3+s11], $0x40, s25, s11, $0xb8;
	[tilespmem:$0x2E40] =	vst v63  }
0xf7: {  	_ =	swait.ge [sflag:s9], $0x1400  }
0xf8: {  	[sflag:s9] =	ssyncset.done $0x0  }
0xf9: {  	s0 =	rddreg [dreg:$0x8];
	[sflag:s9] =	ssyncadd.s32 $0xFFFFEC00  }
0xfa: {  	[hbm4b:s0+s2] =	stream.linear.scatter [tilespmem:s7], [sflag:$0x4], $0x1400, $0x38;
	[tilespmem:$0x2E40] =	vst v63  }
0xfb: {  	_ =	swait.ge [sflag:s6], $0x1400  }
0xfc: {  	[sflag:s6] =	ssyncset.done $0x0  }
0xfd: {  	[sflag:s6] =	ssyncadd.s32 $0xFFFFEC00  }
0xfe: {  	[tilespmem:s7], [sflag:$0x2] =	stream.indirect.gather [hbm4b:s3+s11], $0x40, s24, s11, $0xb8;
	[tilespmem:$0x2E40] =	vst v63  }
0xff: {  	_ =	swait.ge [sflag:s10], $0x1400  }
0x100: {  	[sflag:s10] =	ssyncset.done $0x0  }
0x101: {  	s0 =	rddreg [dreg:$0x9];
	[sflag:s10] =	ssyncadd.s32 $0xFFFFEC00  }
0x102: {  	[hbm4b:s0+s2] =	stream.linear.scatter [tilespmem:s8], [sflag:$0x3], $0x1400, $0x38;
	[tilespmem:$0x2E40] =	vst v63  }
0x103: {  	_ =	swait.ge [sflag:s5], $0x1400  }
0x104: {  	[sflag:s5] =	ssyncset.done $0x0  }
0x105: {  	[sflag:s5] =	ssyncadd.s32 $0xFFFFEC00  }
0x106: {  	[tilespmem:s8], [sflag:$0x1] =	stream.indirect.gather [hbm4b:s3+s11], $0x40, s23, s11, $0xb8;
	[tilespmem:$0x2E40] =	vst v63  }
0x107: {  	_ =	swait.ge [sflag:s9], $0x1400  }
0x108: {  	[sflag:s9] =	ssyncset.done $0x0  }
0x109: {  	s0 =	rddreg [dreg:$0xa];
	[sflag:s9] =	ssyncadd.s32 $0xFFFFEC00  }
0x10a: {  	[hbm4b:s0+s2] =	stream.linear.scatter [tilespmem:s7], [sflag:$0x4], $0x1400, $0x38;
	[tilespmem:$0x2E40] =	vst v63  }
0x10b: {  	_ =	swait.ge [sflag:s6], $0x1400  }
0x10c: {  	[sflag:s6] =	ssyncset.done $0x0  }
0x10d: {  	[sflag:s6] =	ssyncadd.s32 $0xFFFFEC00  }
0x10e: {  	[tilespmem:s7], [sflag:$0x2] =	stream.indirect.gather [hbm4b:s3+s11], $0x40, s22, s11, $0xb8;
	[tilespmem:$0x2E40] =	vst v63  }
0x10f: {  	_ =	swait.ge [sflag:s10], $0x1400  }
0x110: {  	[sflag:s10] =	ssyncset.done $0x0  }
0x111: {  	s0 =	rddreg [dreg:$0xb];
	[sflag:s10] =	ssyncadd.s32 $0xFFFFEC00  }
0x112: {  	[hbm4b:s0+s2] =	stream.linear.scatter [tilespmem:s8], [sflag:$0x3], $0x1400, $0x38;
	[tilespmem:$0x2E40] =	vst v63  }
0x113: {  	_ =	swait.ge [sflag:s5], $0x1400  }
0x114: {  	[sflag:s5] =	ssyncset.done $0x0  }
0x115: {  	[sflag:s5] =	ssyncadd.s32 $0xFFFFEC00  }
0x116: {  	[tilespmem:s8], [sflag:$0x1] =	stream.indirect.gather [hbm4b:s3+s11], $0x40, s21, s11, $0xb8;
	[tilespmem:$0x2E40] =	vst v63  }
0x117: {  	_ =	swait.ge [sflag:s9], $0x1400  }
0x118: {  	[sflag:s9] =	ssyncset.done $0x0  }
0x119: {  	s0 =	rddreg [dreg:$0xc];
	[sflag:s9] =	ssyncadd.s32 $0xFFFFEC00  }
0x11a: {  	[hbm4b:s0+s2] =	stream.linear.scatter [tilespmem:s7], [sflag:$0x4], $0x1400, $0x38;
	[tilespmem:$0x2E40] =	vst v63  }
0x11b: {  	_ =	swait.ge [sflag:s6], $0x1400  }
0x11c: {  	[sflag:s6] =	ssyncset.done $0x0  }
0x11d: {  	[sflag:s6] =	ssyncadd.s32 $0xFFFFEC00  }
0x11e: {  	[tilespmem:s7], [sflag:$0x2] =	stream.indirect.gather [hbm4b:s3+s11], $0x40, s20, s11, $0xb8;
	[tilespmem:$0x2E40] =	vst v63  }
0x11f: {  	_ =	swait.ge [sflag:s10], $0x1400  }
0x120: {  	[sflag:s10] =	ssyncset.done $0x0  }
0x121: {  	s0 =	rddreg [dreg:$0xd];
	[sflag:s10] =	ssyncadd.s32 $0xFFFFEC00  }
0x122: {  	[hbm4b:s0+s2] =	stream.linear.scatter [tilespmem:s8], [sflag:$0x3], $0x1400, $0x38;
	[tilespmem:$0x2E40] =	vst v63  }
0x123: {  	_ =	swait.ge [sflag:s5], $0x1400  }
0x124: {  	[sflag:s5] =	ssyncset.done $0x0  }
0x125: {  	[sflag:s5] =	ssyncadd.s32 $0xFFFFEC00  }
0x126: {  	[tilespmem:s8], [sflag:$0x1] =	stream.indirect.gather [hbm4b:s3+s11], $0x40, s19, s11, $0xb8;
	[tilespmem:$0x2E40] =	vst v63  }
0x127: {  	_ =	swait.ge [sflag:s9], $0x1400  }
0x128: {  	[sflag:s9] =	ssyncset.done $0x0  }
0x129: {  	s0 =	rddreg [dreg:$0xe];
	[sflag:s9] =	ssyncadd.s32 $0xFFFFEC00  }
0x12a: {  	[hbm4b:s0+s2] =	stream.linear.scatter [tilespmem:s7], [sflag:$0x4], $0x1400, $0x38;
	[tilespmem:$0x2E40] =	vst v63  }
0x12b: {  	_ =	swait.ge [sflag:s6], $0x1400  }
0x12c: {  	[sflag:s6] =	ssyncset.done $0x0  }
0x12d: {  	[sflag:s6] =	ssyncadd.s32 $0xFFFFEC00  }
0x12e: {  	[tilespmem:s7], [sflag:$0x2] =	stream.indirect.gather [hbm4b:s3+s11], $0x40, s18, s11, $0xb8;
	[tilespmem:$0x2E40] =	vst v63  }
0x12f: {  	_ =	swait.ge [sflag:s10], $0x1400  }
0x130: {  	[sflag:s10] =	ssyncset.done $0x0  }
0x131: {  	s0 =	rddreg [dreg:$0xf];
	[sflag:s10] =	ssyncadd.s32 $0xFFFFEC00  }
0x132: {  	[hbm4b:s0+s2] =	stream.linear.scatter [tilespmem:s8], [sflag:$0x3], $0x1400, $0x38;
	[tilespmem:$0x2E40] =	vst v63  }
0x133: {  	_ =	swait.ge [sflag:s5], $0x1400  }
0x134: {  	[sflag:s5] =	ssyncset.done $0x0  }
0x135: {  	[sflag:s5] =	ssyncadd.s32 $0xFFFFEC00  }
0x136: {  	[tilespmem:s8], [sflag:$0x1] =	stream.indirect.gather [hbm4b:s3+s11], $0x40, s17, s11, $0xb8;
	[tilespmem:$0x2E40] =	vst v63  }
0x137: {  	_ =	swait.ge [sflag:s9], $0x1400  }
0x138: {  	[sflag:s9] =	ssyncset.done $0x0  }
0x139: {  	s0 =	rddreg [dreg:$0x10];
	[sflag:s9] =	ssyncadd.s32 $0xFFFFEC00  }
0x13a: {  	[hbm4b:s0+s2] =	stream.linear.scatter [tilespmem:s7], [sflag:$0x4], $0x1400, $0x38;
	[tilespmem:$0x2E40] =	vst v63  }
0x13b: {  	_ =	swait.ge [sflag:s6], $0x1400  }
0x13c: {  	[sflag:s6] =	ssyncset.done $0x0  }
0x13d: {  	[sflag:s6] =	ssyncadd.s32 $0xFFFFEC00  }
0x13e: {  	[tilespmem:s7], [sflag:$0x2] =	stream.indirect.gather [hbm4b:s3+s11], $0x40, s16, s11, $0xb8;
	[tilespmem:$0x2E40] =	vst v63  }
0x13f: {  	_ =	swait.ge [sflag:s10], $0x1400  }
0x140: {  	[sflag:s10] =	ssyncset.done $0x0  }
0x141: {  	s0 =	rddreg [dreg:$0x11];
	[sflag:s10] =	ssyncadd.s32 $0xFFFFEC00  }
0x142: {  	[hbm4b:s0+s2] =	stream.linear.scatter [tilespmem:s8], [sflag:$0x3], $0x1400, $0x38;
	[tilespmem:$0x2E40] =	vst v63  }
0x143: {  	_ =	swait.ge [sflag:s5], $0x1400  }
0x144: {  	[sflag:s5] =	ssyncset.done $0x0  }
0x145: {  	[sflag:s5] =	ssyncadd.s32 $0xFFFFEC00  }
0x146: {  	[tilespmem:s8], [sflag:$0x1] =	stream.indirect.gather [hbm4b:s3+s11], $0x40, s15, s11, $0xb8;
	[tilespmem:$0x2E40] =	vst v63  }
0x147: {  	_ =	swait.ge [sflag:s9], $0x1400  }
0x148: {  	[sflag:s9] =	ssyncset.done $0x0  }
0x149: {  	s0 =	rddreg [dreg:$0x12];
	[sflag:s9] =	ssyncadd.s32 $0xFFFFEC00  }
0x14a: {  	[hbm4b:s0+s2] =	stream.linear.scatter [tilespmem:s7], [sflag:$0x4], $0x1400, $0x38;
	[tilespmem:$0x2E40] =	vst v63  }
0x14b: {  	_ =	swait.ge [sflag:s6], $0x1400  }
0x14c: {  	[sflag:s6] =	ssyncset.done $0x0  }
0x14d: {  	[sflag:s6] =	ssyncadd.s32 $0xFFFFEC00  }
0x14e: {  	[tilespmem:s7], [sflag:$0x2] =	stream.indirect.gather [hbm4b:s3+s11], $0x40, s14, s11, $0xb8;
	[tilespmem:$0x2E40] =	vst v63  }
0x14f: {  	_ =	swait.ge [sflag:s10], $0x1400  }
0x150: {  	[sflag:s10] =	ssyncset.done $0x0  }
0x151: {  	s0 =	rddreg [dreg:$0x13];
	[sflag:s10] =	ssyncadd.s32 $0xFFFFEC00  }
0x152: {  	[hbm4b:s0+s2] =	stream.linear.scatter [tilespmem:s8], [sflag:$0x3], $0x1400, $0x38;
	[tilespmem:$0x2E40] =	vst v63  }
0x153: {  	_ =	swait.ge [sflag:s5], $0x1400  }
0x154: {  	[sflag:s5] =	ssyncset.done $0x0  }
0x155: {  	[sflag:s5] =	ssyncadd.s32 $0xFFFFEC00  }
0x156: {  	[tilespmem:s8], [sflag:$0x1] =	stream.indirect.gather [hbm4b:s3+s11], $0x40, s13, s11, $0xb8;
	[tilespmem:$0x2E40] =	vst v63  }
0x157: {  	_ =	swait.ge [sflag:s9], $0x1400  }
0x158: {  	[sflag:s9] =	ssyncset.done $0x0  }
0x159: {  	s0 =	rddreg [dreg:$0x14];
	[sflag:s9] =	ssyncadd.s32 $0xFFFFEC00  }
0x15a: {  	[hbm4b:s0+s2] =	stream.linear.scatter [tilespmem:s7], [sflag:$0x4], $0x1400, $0x38;
	[tilespmem:$0x2E40] =	vst v63  }
0x15b: {  	_ =	swait.ge [sflag:s6], $0x1400  }
0x15c: {  	[sflag:s6] =	ssyncset.done $0x0  }
0x15d: {  	[sflag:s6] =	ssyncadd.s32 $0xFFFFEC00  }
0x15e: {  	[tilespmem:s7], [sflag:$0x2] =	stream.indirect.gather [hbm4b:s3+s11], $0x40, s12, s11, $0xb8;
	[tilespmem:$0x2E40] =	vst v63  }
0x15f: {  	_ =	swait.ge [sflag:s10], $0x1400  }
0x160: {  	[sflag:s10] =	ssyncset.done $0x0  }
0x161: {  	s0 =	rddreg [dreg:$0x15];
	[sflag:s10] =	ssyncadd.s32 $0xFFFFEC00  }
0x162: {  	[hbm4b:s0+s2] =	stream.linear.scatter [tilespmem:s8], [sflag:$0x3], $0x1400, $0x38;
	[tilespmem:$0x2E40] =	vst v63  }
0x163: {  	_ =	swait.ge [sflag:s9], $0x1400  }
0x164: {  	[sflag:s9] =	ssyncset.done $0x0  }
0x165: {  	p1 =	sne.s32 s1, $0x1;
	[sflag:s9] =	ssyncadd.s32 $0xFFFFEC00  }
0x166: {  	[hbm4b:s4+s2] =	stream.linear.scatter [tilespmem:s7], [sflag:$0x4], $0x1400, $0x38;
	[tilespmem:$0x2E40] =	vst v63  }
.Ltmp2:
0x167: {  	_ =	swait.ge [sflag:s5], $0x1400;
	(pc) =	sbr.rel @p1 .LBB2_2-.Ltmp2, $4  }
0x168: {  	[sflag:s5] =	ssyncset.done $0x0  }
0x169: {  	[sflag:s5] =	ssyncadd.s32 $0xFFFFEC00  }
0x16a: {  	_ =	swait.ge [sflag:s6], $0x1400  }
0x16b: {  	s1 =	sadd.s32 $0xFFFFFFFF, s1;
	s0 =	rddreg [dreg:$0x2];
	[sflag:s6] =	ssyncset.done $0x0  }
.LBB2_3:
0x16c: {  	[sflag:s6] =	ssyncadd.s32 @p0 $0xFFFFEC00  }
0x16d: {  	[tilespmem:s2], [sflag:$0x5] =	stream.linear.gather [hbm4b:s0+s2], $0x640, $0x38;
	[tilespmem:$0x2E40] =	vst v63  }
0x16e: {  	_ =	swait.ge [sflag:s31], $0x640  }
0x16f: {  	[sflag:s31] =	ssyncset.done $0x0  }
0x170: {  	[sflag:s31] =	ssyncadd.s32 $0xFFFFF9C0  }
0x171: {  	[tilespmem:s8], [sflag:$0x1] =	stream.indirect.gather [hbm4b:s3+s11], $0x40, s2, s11, $0xb8;
	[tilespmem:$0x2E40] =	vst v63  }
0x172: {  	_ = 	snop  }
0x173: {  	[tilespmem:s7], [sflag:$0x2] =	stream.indirect.gather [hbm4b:s3+s11], $0x40, s11, s11, $0xb8;
	[tilespmem:$0x2E40] =	vst v63  }
0x174: {  	_ =	swait.ge [sflag:s10], $0x1400  }
0x175: {  	[sflag:s10] =	ssyncset.done $0x0  }
0x176: {  	s1 =	rddreg [dreg:$0x3];
	[sflag:s10] =	ssyncadd.s32 $0xFFFFEC00  }
0x177: {  	[hbm4b:s1+s2] =	stream.linear.scatter [tilespmem:s8], [sflag:$0x3], $0x1400, $0x38;
	[tilespmem:$0x2E40] =	vst v63  }
0x178: {  	_ =	swait.ge [sflag:s5], $0x1400  }
0x179: {  	[sflag:s5] =	ssyncset.done $0x0  }
0x17a: {  	[sflag:s5] =	ssyncadd.s32 $0xFFFFEC00  }
0x17b: {  	[tilespmem:s8], [sflag:$0x1] =	stream.indirect.gather [hbm4b:s3+s11], $0x40, s30, s11, $0xb8;
	[tilespmem:$0x2E40] =	vst v63  }
0x17c: {  	_ =	swait.ge [sflag:s9], $0x1400  }
0x17d: {  	[sflag:s9] =	ssyncset.done $0x0  }
0x17e: {  	s30 =	rddreg [dreg:$0x4];
	[sflag:s9] =	ssyncadd.s32 $0xFFFFEC00  }
0x17f: {  	[hbm4b:s30+s2] =	stream.linear.scatter [tilespmem:s7], [sflag:$0x4], $0x1400, $0x38;
	[tilespmem:$0x2E40] =	vst v63  }
0x180: {  	_ =	swait.ge [sflag:s6], $0x1400  }
0x181: {  	[sflag:s6] =	ssyncset.done $0x0  }
0x182: {  	[sflag:s6] =	ssyncadd.s32 $0xFFFFEC00  }
0x183: {  	[tilespmem:s7], [sflag:$0x2] =	stream.indirect.gather [hbm4b:s3+s11], $0x40, s29, s11, $0xb8;
	[tilespmem:$0x2E40] =	vst v63  }
0x184: {  	_ =	swait.ge [sflag:s10], $0x1400  }
0x185: {  	[sflag:s10] =	ssyncset.done $0x0  }
0x186: {  	s31 =	rddreg [dreg:$0x5];
	[sflag:s10] =	ssyncadd.s32 $0xFFFFEC00  }
0x187: {  	[hbm4b:s31+s2] =	stream.linear.scatter [tilespmem:s8], [sflag:$0x3], $0x1400, $0x38;
	[tilespmem:$0x2E40] =	vst v63  }
0x188: {  	_ =	swait.ge [sflag:s5], $0x1400  }
0x189: {  	[sflag:s5] =	ssyncset.done $0x0  }
0x18a: {  	[sflag:s5] =	ssyncadd.s32 $0xFFFFEC00  }
0x18b: {  	[tilespmem:s8], [sflag:$0x1] =	stream.indirect.gather [hbm4b:s3+s11], $0x40, s28, s11, $0xb8;
	[tilespmem:$0x2E40] =	vst v63  }
0x18c: {  	_ =	swait.ge [sflag:s9], $0x1400  }
0x18d: {  	[sflag:s9] =	ssyncset.done $0x0  }
0x18e: {  	s1 =	rddreg [dreg:$0x6];
	[sflag:s9] =	ssyncadd.s32 $0xFFFFEC00  }
0x18f: {  	[hbm4b:s1+s2] =	stream.linear.scatter [tilespmem:s7], [sflag:$0x4], $0x1400, $0x38;
	[tilespmem:$0x2E40] =	vst v63  }
0x190: {  	_ =	swait.ge [sflag:s6], $0x1400  }
0x191: {  	[sflag:s6] =	ssyncset.done $0x0  }
0x192: {  	[sflag:s6] =	ssyncadd.s32 $0xFFFFEC00  }
0x193: {  	[tilespmem:s7], [sflag:$0x2] =	stream.indirect.gather [hbm4b:s3+s11], $0x40, s26, s11, $0xb8;
	[tilespmem:$0x2E40] =	vst v63  }
0x194: {  	_ =	swait.ge [sflag:s10], $0x1400  }
0x195: {  	[sflag:s10] =	ssyncset.done $0x0  }
0x196: {  	s26 =	rddreg [dreg:$0x7];
	[sflag:s10] =	ssyncadd.s32 $0xFFFFEC00  }
0x197: {  	[hbm4b:s26+s2] =	stream.linear.scatter [tilespmem:s8], [sflag:$0x3], $0x1400, $0x38;
	[tilespmem:$0x2E40] =	vst v63  }
0x198: {  	_ =	swait.ge [sflag:s5], $0x1400  }
0x199: {  	[sflag:s5] =	ssyncset.done $0x0  }
0x19a: {  	[sflag:s5] =	ssyncadd.s32 $0xFFFFEC00  }
0x19b: {  	[tilespmem:s8], [sflag:$0x1] =	stream.indirect.gather [hbm4b:s3+s11], $0x40, s25, s11, $0xb8;
	[tilespmem:$0x2E40] =	vst v63  }
0x19c: {  	_ =	swait.ge [sflag:s9], $0x1400  }
0x19d: {  	[sflag:s9] =	ssyncset.done $0x0  }
0x19e: {  	s28 =	rddreg [dreg:$0x8];
	[sflag:s9] =	ssyncadd.s32 $0xFFFFEC00  }
0x19f: {  	[hbm4b:s28+s2] =	stream.linear.scatter [tilespmem:s7], [sflag:$0x4], $0x1400, $0x38;
	[tilespmem:$0x2E40] =	vst v63  }
0x1a0: {  	_ =	swait.ge [sflag:s6], $0x1400  }
0x1a1: {  	[sflag:s6] =	ssyncset.done $0x0  }
0x1a2: {  	[sflag:s6] =	ssyncadd.s32 $0xFFFFEC00  }
0x1a3: {  	[tilespmem:s7], [sflag:$0x2] =	stream.indirect.gather [hbm4b:s3+s11], $0x40, s24, s11, $0xb8;
	[tilespmem:$0x2E40] =	vst v63  }
0x1a4: {  	_ =	swait.ge [sflag:s10], $0x1400  }
0x1a5: {  	[sflag:s10] =	ssyncset.done $0x0  }
0x1a6: {  	s29 =	rddreg [dreg:$0x9];
	[sflag:s10] =	ssyncadd.s32 $0xFFFFEC00  }
0x1a7: {  	[hbm4b:s29+s2] =	stream.linear.scatter [tilespmem:s8], [sflag:$0x3], $0x1400, $0x38;
	[tilespmem:$0x2E40] =	vst v63  }
0x1a8: {  	_ =	swait.ge [sflag:s5], $0x1400  }
0x1a9: {  	[sflag:s5] =	ssyncset.done $0x0  }
0x1aa: {  	[sflag:s5] =	ssyncadd.s32 $0xFFFFEC00  }
0x1ab: {  	[tilespmem:s8], [sflag:$0x1] =	stream.indirect.gather [hbm4b:s3+s11], $0x40, s23, s11, $0xb8;
	[tilespmem:$0x2E40] =	vst v63  }
0x1ac: {  	_ =	swait.ge [sflag:s9], $0x1400  }
0x1ad: {  	[sflag:s9] =	ssyncset.done $0x0  }
0x1ae: {  	s30 =	rddreg [dreg:$0xa];
	[sflag:s9] =	ssyncadd.s32 $0xFFFFEC00  }
0x1af: {  	[hbm4b:s30+s2] =	stream.linear.scatter [tilespmem:s7], [sflag:$0x4], $0x1400, $0x38;
	[tilespmem:$0x2E40] =	vst v63  }
0x1b0: {  	_ =	swait.ge [sflag:s6], $0x1400  }
0x1b1: {  	[sflag:s6] =	ssyncset.done $0x0  }
0x1b2: {  	[sflag:s6] =	ssyncadd.s32 $0xFFFFEC00  }
0x1b3: {  	[tilespmem:s7], [sflag:$0x2] =	stream.indirect.gather [hbm4b:s3+s11], $0x40, s22, s11, $0xb8;
	[tilespmem:$0x2E40] =	vst v63  }
0x1b4: {  	_ =	swait.ge [sflag:s10], $0x1400  }
0x1b5: {  	[sflag:s10] =	ssyncset.done $0x0  }
0x1b6: {  	s31 =	rddreg [dreg:$0xb];
	[sflag:s10] =	ssyncadd.s32 $0xFFFFEC00  }
0x1b7: {  	[hbm4b:s31+s2] =	stream.linear.scatter [tilespmem:s8], [sflag:$0x3], $0x1400, $0x38;
	[tilespmem:$0x2E40] =	vst v63  }
0x1b8: {  	_ =	swait.ge [sflag:s5], $0x1400  }
0x1b9: {  	[sflag:s5] =	ssyncset.done $0x0  }
0x1ba: {  	[sflag:s5] =	ssyncadd.s32 $0xFFFFEC00  }
0x1bb: {  	[tilespmem:s8], [sflag:$0x1] =	stream.indirect.gather [hbm4b:s3+s11], $0x40, s21, s11, $0xb8;
	[tilespmem:$0x2E40] =	vst v63  }
0x1bc: {  	_ =	swait.ge [sflag:s9], $0x1400  }
0x1bd: {  	[sflag:s9] =	ssyncset.done $0x0  }
0x1be: {  	s1 =	rddreg [dreg:$0xc];
	[sflag:s9] =	ssyncadd.s32 $0xFFFFEC00  }
0x1bf: {  	[hbm4b:s1+s2] =	stream.linear.scatter [tilespmem:s7], [sflag:$0x4], $0x1400, $0x38;
	[tilespmem:$0x2E40] =	vst v63  }
0x1c0: {  	_ =	swait.ge [sflag:s6], $0x1400  }
0x1c1: {  	[sflag:s6] =	ssyncset.done $0x0  }
0x1c2: {  	[sflag:s6] =	ssyncadd.s32 $0xFFFFEC00  }
0x1c3: {  	[tilespmem:s7], [sflag:$0x2] =	stream.indirect.gather [hbm4b:s3+s11], $0x40, s20, s11, $0xb8;
	[tilespmem:$0x2E40] =	vst v63  }
0x1c4: {  	_ =	swait.ge [sflag:s10], $0x1400  }
0x1c5: {  	[sflag:s10] =	ssyncset.done $0x0  }
0x1c6: {  	s21 =	rddreg [dreg:$0xd];
	[sflag:s10] =	ssyncadd.s32 $0xFFFFEC00  }
0x1c7: {  	[hbm4b:s21+s2] =	stream.linear.scatter [tilespmem:s8], [sflag:$0x3], $0x1400, $0x38;
	[tilespmem:$0x2E40] =	vst v63  }
0x1c8: {  	_ =	swait.ge [sflag:s5], $0x1400  }
0x1c9: {  	[sflag:s5] =	ssyncset.done $0x0  }
0x1ca: {  	[sflag:s5] =	ssyncadd.s32 $0xFFFFEC00  }
0x1cb: {  	[tilespmem:s8], [sflag:$0x1] =	stream.indirect.gather [hbm4b:s3+s11], $0x40, s19, s11, $0xb8;
	[tilespmem:$0x2E40] =	vst v63  }
0x1cc: {  	_ =	swait.ge [sflag:s9], $0x1400  }
0x1cd: {  	[sflag:s9] =	ssyncset.done $0x0  }
0x1ce: {  	s22 =	rddreg [dreg:$0xe];
	[sflag:s9] =	ssyncadd.s32 $0xFFFFEC00  }
0x1cf: {  	[hbm4b:s22+s2] =	stream.linear.scatter [tilespmem:s7], [sflag:$0x4], $0x1400, $0x38;
	[tilespmem:$0x2E40] =	vst v63  }
0x1d0: {  	_ =	swait.ge [sflag:s6], $0x1400  }
0x1d1: {  	[sflag:s6] =	ssyncset.done $0x0  }
0x1d2: {  	[sflag:s6] =	ssyncadd.s32 $0xFFFFEC00  }
0x1d3: {  	[tilespmem:s7], [sflag:$0x2] =	stream.indirect.gather [hbm4b:s3+s11], $0x40, s18, s11, $0xb8;
	[tilespmem:$0x2E40] =	vst v63  }
0x1d4: {  	_ =	swait.ge [sflag:s10], $0x1400  }
0x1d5: {  	[sflag:s10] =	ssyncset.done $0x0  }
0x1d6: {  	s23 =	rddreg [dreg:$0xf];
	[sflag:s10] =	ssyncadd.s32 $0xFFFFEC00  }
0x1d7: {  	[hbm4b:s23+s2] =	stream.linear.scatter [tilespmem:s8], [sflag:$0x3], $0x1400, $0x38;
	[tilespmem:$0x2E40] =	vst v63  }
0x1d8: {  	_ =	swait.ge [sflag:s5], $0x1400  }
0x1d9: {  	[sflag:s5] =	ssyncset.done $0x0  }
0x1da: {  	[sflag:s5] =	ssyncadd.s32 $0xFFFFEC00  }
0x1db: {  	[tilespmem:s8], [sflag:$0x1] =	stream.indirect.gather [hbm4b:s3+s11], $0x40, s17, s11, $0xb8;
	[tilespmem:$0x2E40] =	vst v63  }
0x1dc: {  	_ =	swait.ge [sflag:s9], $0x1400  }
0x1dd: {  	[sflag:s9] =	ssyncset.done $0x0  }
0x1de: {  	s24 =	rddreg [dreg:$0x10];
	[sflag:s9] =	ssyncadd.s32 $0xFFFFEC00  }
0x1df: {  	[hbm4b:s24+s2] =	stream.linear.scatter [tilespmem:s7], [sflag:$0x4], $0x1400, $0x38;
	[tilespmem:$0x2E40] =	vst v63  }
0x1e0: {  	_ =	swait.ge [sflag:s6], $0x1400  }
0x1e1: {  	[sflag:s6] =	ssyncset.done $0x0  }
0x1e2: {  	[sflag:s6] =	ssyncadd.s32 $0xFFFFEC00  }
0x1e3: {  	[tilespmem:s7], [sflag:$0x2] =	stream.indirect.gather [hbm4b:s3+s11], $0x40, s16, s11, $0xb8;
	[tilespmem:$0x2E40] =	vst v63  }
0x1e4: {  	_ =	swait.ge [sflag:s10], $0x1400  }
0x1e5: {  	[sflag:s10] =	ssyncset.done $0x0  }
0x1e6: {  	s25 =	rddreg [dreg:$0x11];
	[sflag:s10] =	ssyncadd.s32 $0xFFFFEC00  }
0x1e7: {  	[hbm4b:s25+s2] =	stream.linear.scatter [tilespmem:s8], [sflag:$0x3], $0x1400, $0x38;
	[tilespmem:$0x2E40] =	vst v63  }
0x1e8: {  	_ =	swait.ge [sflag:s5], $0x1400  }
0x1e9: {  	[sflag:s5] =	ssyncset.done $0x0  }
0x1ea: {  	[sflag:s5] =	ssyncadd.s32 $0xFFFFEC00  }
0x1eb: {  	[tilespmem:s8], [sflag:$0x1] =	stream.indirect.gather [hbm4b:s3+s11], $0x40, s15, s11, $0xb8;
	[tilespmem:$0x2E40] =	vst v63  }
0x1ec: {  	_ =	swait.ge [sflag:s9], $0x1400  }
0x1ed: {  	[sflag:s9] =	ssyncset.done $0x0  }
0x1ee: {  	s26 =	rddreg [dreg:$0x12];
	[sflag:s9] =	ssyncadd.s32 $0xFFFFEC00  }
0x1ef: {  	[hbm4b:s26+s2] =	stream.linear.scatter [tilespmem:s7], [sflag:$0x4], $0x1400, $0x38;
	[tilespmem:$0x2E40] =	vst v63  }
0x1f0: {  	_ =	swait.ge [sflag:s6], $0x1400  }
0x1f1: {  	[sflag:s6] =	ssyncset.done $0x0  }
0x1f2: {  	[sflag:s6] =	ssyncadd.s32 $0xFFFFEC00  }
0x1f3: {  	[tilespmem:s7], [sflag:$0x2] =	stream.indirect.gather [hbm4b:s3+s11], $0x40, s14, s11, $0xb8;
	[tilespmem:$0x2E40] =	vst v63  }
0x1f4: {  	_ =	swait.ge [sflag:s10], $0x1400  }
0x1f5: {  	[sflag:s10] =	ssyncset.done $0x0  }
0x1f6: {  	s28 =	rddreg [dreg:$0x13];
	[sflag:s10] =	ssyncadd.s32 $0xFFFFEC00  }
0x1f7: {  	[hbm4b:s28+s2] =	stream.linear.scatter [tilespmem:s8], [sflag:$0x3], $0x1400, $0x38;
	[tilespmem:$0x2E40] =	vst v63  }
0x1f8: {  	_ =	swait.ge [sflag:s5], $0x1400  }
0x1f9: {  	[sflag:s5] =	ssyncset.done $0x0  }
0x1fa: {  	[sflag:s5] =	ssyncadd.s32 $0xFFFFEC00  }
0x1fb: {  	[tilespmem:s8], [sflag:$0x1] =	stream.indirect.gather [hbm4b:s3+s11], $0x40, s13, s11, $0xb8;
	[tilespmem:$0x2E40] =	vst v63  }
0x1fc: {  	_ =	swait.ge [sflag:s9], $0x1400  }
0x1fd: {  	[sflag:s9] =	ssyncset.done $0x0  }
0x1fe: {  	s29 =	rddreg [dreg:$0x14];
	[sflag:s9] =	ssyncadd.s32 $0xFFFFEC00  }
0x1ff: {  	[hbm4b:s29+s2] =	stream.linear.scatter [tilespmem:s7], [sflag:$0x4], $0x1400, $0x38;
	[tilespmem:$0x2E40] =	vst v63  }
0x200: {  	_ =	swait.ge [sflag:s6], $0x1400  }
0x201: {  	[sflag:s6] =	ssyncset.done $0x0  }
0x202: {  	[sflag:s6] =	ssyncadd.s32 $0xFFFFEC00  }
0x203: {  	[tilespmem:s7], [sflag:$0x2] =	stream.indirect.gather [hbm4b:s3+s11], $0x40, s12, s11, $0xb8;
	[tilespmem:$0x2E40] =	vst v63  }
0x204: {  	_ =	swait.ge [sflag:s10], $0x1400  }
0x205: {  	[sflag:s10] =	ssyncset.done $0x0  }
0x206: {  	s30 =	rddreg [dreg:$0x15];
	[sflag:s10] =	ssyncadd.s32 $0xFFFFEC00  }
0x207: {  	[hbm4b:s30+s2] =	stream.linear.scatter [tilespmem:s8], [sflag:$0x3], $0x1400, $0x38;
	[tilespmem:$0x2E40] =	vst v63  }
0x208: {  	_ =	swait.ge [sflag:s9], $0x1400  }
0x209: {  	[sflag:s9] =	ssyncset.done $0x0  }
0x20a: {  	[sflag:s9] =	ssyncadd.s32 $0xFFFFEC00  }
0x20b: {  	[hbm4b:s4+s2] =	stream.linear.scatter [tilespmem:s7], [sflag:$0x4], $0x1400, $0x38;
	[tilespmem:$0x2E40] =	vst v63  }
0x20c: {  	_ =	swait.ge [sflag:s5], $0x1400  }
0x20d: {  	[sflag:s5] =	ssyncset.done $0x0  }
0x20e: {  	[sflag:s5] =	ssyncadd.s32 $0xFFFFEC00  }
0x20f: {  	_ =	swait.ge [sflag:s6], $0x1400  }
0x210: {  	[sflag:s6] =	ssyncset.done $0x0  }
0x211: {  	[sflag:s6] =	ssyncadd.s32 $0xFFFFEC00  }
0x212: {  	_ =	sfence.sel $0x180000  }
0x213: {  	[bflag:$0x0] =	sbarrier.arrive $0xFFFF  }
0x214: {  	_ =	strace $0x90000047  }
0x215: {  	s31 =	stileid.u32;
	[bflag:$0x2] =	sbarrier.arrive $0xFFFF  }
0x216: {  	p0 =	sne.s32 s31, $0x0;
	s0 =	rddreg [dreg:$0x1]  }
0x217: {  	s0 =	sadd.s32 @!p0 $0x100000, s0  }
0x218: {  	[sflag:s0] =	ssyncadd.tile.s32 @!p0 $0x1;
	_ =	shalt  }
.Lfunc_end2:
_tile_overlayer_lowered:
.L_overlay_start_2:
0x219: {  	(tag) =	ssettag $0x2  }
0x21a: {  	s0 =	rddreg [dreg:$0x0];
	s2 =	stileid.u32  }
0x21b: {  	s1 =	rddreg [dreg:$0x1];
	p0 =	sne.s32 s2, $0x0  }
0x21c: {  	s3 =	rddreg [dreg:$0x2];
	[bflag:$0x3] =	sbarrier.arrive $0xFFFF;
	s2 =	simm.s32 @!p0 $0x1C05  }
0x21d: {  	[timem:s3], [sflag:s2] =	dma.local @!p0 [hbm:s0], s1  }
0x21e: {  	s0 =	simm.s32 @!p0 $0x5  }
0x21f: {  	_ =	swait.ge @!p0 [sflag:s0], s1  }
0x220: {  	s1 =	ssub.s32 @!p0 $0x0, s1;
	[sflag:s0] =	ssyncset.done @!p0 $0x0  }
0x221: {  	[sflag:s0] =	ssyncadd.s32 @!p0 s1  }
0x222: {  	[bflag:$0x3] =	sbarrier.arrive $0xFFFF  }
0x223: {  	_ =	shalt  }

</sc_bundles>
